<compile_context>
chip_gen: v7x
topology: tpu7x:2x2x1
jax: 0.10.2.dev20260603
libtpu: 0.0.44.dev20260713+nightly
codegen_flags: <defaults>
</compile_context>

<pallas_src>
import functools

import jax
import jax.numpy as jnp
from jax.experimental import pallas as pl
from jax.experimental.pallas import tpu as pltpu
from jax.experimental.pallas import tpu_sc as plsc

N_NODE = 10000
D = 128
E = 320000


_GW = 128


def _sc_gather2(p_mesh, p_grid, src, dst):
    ne = src.shape[0]
    mesh_sc = plsc.VectorSubcoreMesh(core_axis_name="core",
                                     subcore_axis_name="subcore")

    @functools.partial(
        pl.kernel,
        out_type=[jax.ShapeDtypeStruct((ne, D), jnp.float32),
                  jax.ShapeDtypeStruct((ne, D), jnp.float32)],
        mesh=mesh_sc,
        scratch_types=[pltpu.SemaphoreType.DMA, pltpu.SemaphoreType.DMA])
    def k(pm_hbm, pg_hbm, si_hbm, di_hbm, om_hbm, og_hbm, sem1, sem2):
        def body(si_vmem, di_vmem, om_vmem, og_vmem):
            d1 = pltpu.async_copy(pm_hbm.at[si_vmem.at[0]], om_vmem, sem1)
            d2 = pltpu.async_copy(pg_hbm.at[di_vmem.at[0]], og_vmem, sem2)
            d1.wait()
            d2.wait()

        pltpu.emit_pipeline(
            body,
            grid=(ne // _GW,),
            in_specs=[pl.BlockSpec((1, _GW), lambda i: (i, 0)),
                      pl.BlockSpec((1, _GW), lambda i: (i, 0))],
            out_specs=[pl.BlockSpec((_GW, D), lambda i: (i, 0)),
                       pl.BlockSpec((_GW, D), lambda i: (i, 0))],
            core_axis_name=("core", "subcore"),
            dimension_semantics=(pltpu.PARALLEL,),
        )(si_hbm, di_hbm, om_hbm, og_hbm)

    return k(p_mesh, p_grid, src.reshape(ne // _GW, _GW),
             dst.reshape(ne // _GW, _GW))



_NC = 2
_NS = 16
_FROWS = 624


def _sc_scatter(eout, dst, zrows):
    mesh_sc = plsc.VectorSubcoreMesh(core_axis_name="core",
                                     subcore_axis_name="subcore")
    ne = eout.shape[0]

    @functools.partial(
        pl.kernel,
        out_type=jax.ShapeDtypeStruct((_NC, N_NODE, D), jnp.float32),
        mesh=mesh_sc,
        scratch_types=[pltpu.VMEM_SHARED((N_NODE, D), jnp.float32)])
    def k(e_hbm, di_hbm, z_hbm, out_hbm, acc_sh):
        cid = jax.lax.axis_index("core")
        sid = jax.lax.axis_index("subcore")
        base = sid * _FROWS

        pltpu.sync_copy(z_hbm.at[pl.ds(0, _FROWS)],
                        acc_sh.at[pl.ds(base, _FROWS)])

        @pl.when(sid == _NS - 1)
        def _ztail():
            pltpu.sync_copy(z_hbm.at[pl.ds(0, N_NODE - _NS * _FROWS)],
                            acc_sh.at[pl.ds(_NS * _FROWS,
                                            N_NODE - _NS * _FROWS)])

        plsc.subcore_barrier()

        def body(e_vmem, di_vmem):
            pltpu.sync_copy(e_vmem, acc_sh.at[di_vmem.at[0]], add=True)

        pltpu.emit_pipeline(
            body,
            grid=(ne // _GW,),
            in_specs=[pl.BlockSpec((_GW, D), lambda i: (i, 0)),
                      pl.BlockSpec((1, _GW), lambda i: (i, 0))],
            out_specs=[],
            core_axis_name=("core", "subcore"),
            dimension_semantics=(pltpu.PARALLEL,),
        )(e_hbm, di_hbm)

        plsc.subcore_barrier()

        pltpu.sync_copy(acc_sh.at[pl.ds(base, _FROWS)],
                        out_hbm.at[cid, pl.ds(base, _FROWS)])

        @pl.when(sid == _NS - 1)
        def _ftail():
            pltpu.sync_copy(acc_sh.at[pl.ds(_NS * _FROWS,
                                            N_NODE - _NS * _FROWS)],
                            out_hbm.at[cid, pl.ds(_NS * _FROWS,
                                                  N_NODE - _NS * _FROWS)])

    return k(eout, dst.reshape(ne // _GW, _GW), zrows)


def _proj_body(m_ref, g_ref, w1b_ref, w1c_ref, pm_ref, pg_ref):
    pm_ref[...] = jnp.dot(m_ref[...], w1b_ref[...],
                          preferred_element_type=jnp.float32)
    pg_ref[...] = jnp.dot(g_ref[...], w1c_ref[...],
                          preferred_element_type=jnp.float32)


def _proj(mesh_nfeat, grid_nfeat, w1b, w1c, bn=2000):
    n = mesh_nfeat.shape[0]
    return pl.pallas_call(
        _proj_body,
        grid=(n // bn,),
        in_specs=[
            pl.BlockSpec((bn, D), lambda i: (i, 0)),
            pl.BlockSpec((bn, D), lambda i: (i, 0)),
            pl.BlockSpec((D, D), lambda i: (0, 0)),
            pl.BlockSpec((D, D), lambda i: (0, 0)),
        ],
        out_specs=[
            pl.BlockSpec((bn, D), lambda i: (i, 0)),
            pl.BlockSpec((bn, D), lambda i: (i, 0)),
        ],
        out_shape=[
            jax.ShapeDtypeStruct((n, D), jnp.float32),
            jax.ShapeDtypeStruct((n, D), jnp.float32),
        ],
    )(mesh_nfeat, grid_nfeat, w1b, w1c)



def _edge_body(ef_ref, gm_ref, gg_ref, w1a_ref, w2_ref, b1_ref, b2_ref,
               lg_ref, lb_ref, out_ref):
    pre = (jnp.dot(ef_ref[...], w1a_ref[...],
                   preferred_element_type=jnp.float32)
           + gm_ref[...] + gg_ref[...] + b1_ref[...])
    h = pre * jax.nn.sigmoid(pre)
    o = jnp.dot(h, w2_ref[...], preferred_element_type=jnp.float32) + b2_ref[...]
    mu = jnp.mean(o, axis=-1, keepdims=True)
    var = jnp.mean((o - mu) ** 2, axis=-1, keepdims=True)
    out_ref[...] = (o - mu) * jax.lax.rsqrt(var + 1e-5) * lg_ref[...] + lb_ref[...]


def _edge_mlp(efeat, gm, gg, w1a, w2, b1, b2, lg, lb, be=6400):
    ne = efeat.shape[0]
    full = lambda i: (0, 0)
    return pl.pallas_call(
        _edge_body,
        grid=(ne // be,),
        in_specs=[
            pl.BlockSpec((be, D), lambda i: (i, 0)),
            pl.BlockSpec((be, D), lambda i: (i, 0)),
            pl.BlockSpec((be, D), lambda i: (i, 0)),
            pl.BlockSpec((D, D), full),
            pl.BlockSpec((D, D), full),
            pl.BlockSpec((1, D), full),
            pl.BlockSpec((1, D), full),
            pl.BlockSpec((1, D), full),
            pl.BlockSpec((1, D), full),
        ],
        out_specs=pl.BlockSpec((be, D), lambda i: (i, 0)),
        out_shape=jax.ShapeDtypeStruct((ne, D), jnp.float32),
    )(efeat, gm, gg, w1a, w2, b1.reshape(1, D), b2.reshape(1, D),
      lg.reshape(1, D), lb.reshape(1, D))



def _node_body(*refs):
    (g_ref, nw1a_ref, nw1b_ref, nw2_ref, nb1_ref, nb2_ref,
     lg_ref, lb_ref, out_ref) = refs[-9:]
    agg_refs = refs[:-9]
    agg = functools.reduce(
        lambda a, r: a + r[0] + r[1], agg_refs,
        jnp.zeros_like(agg_refs[0][0]))
    gf = g_ref[...]
    pre = (jnp.dot(agg, nw1a_ref[...],
                   preferred_element_type=jnp.float32)
           + jnp.dot(gf, nw1b_ref[...], preferred_element_type=jnp.float32)
           + nb1_ref[...])
    h = pre * jax.nn.sigmoid(pre)
    o = jnp.dot(h, nw2_ref[...], preferred_element_type=jnp.float32) + nb2_ref[...]
    mu = jnp.mean(o, axis=-1, keepdims=True)
    var = jnp.mean((o - mu) ** 2, axis=-1, keepdims=True)
    out_ref[...] = ((o - mu) * jax.lax.rsqrt(var + 1e-5) * lg_ref[...]
                    + lb_ref[...] + gf)


def _node_mlp(aggs, grid_nfeat, nw1a, nw1b, nw2, nb1, nb2, lg, lb, bn=2000):
    full = lambda i: (0, 0)
    return pl.pallas_call(
        _node_body,
        grid=(N_NODE // bn,),
        in_specs=[pl.BlockSpec((_NC, bn, D), lambda i: (0, i, 0))
                  for _ in aggs] + [
            pl.BlockSpec((bn, D), lambda i: (i, 0)),
            pl.BlockSpec((D, D), full),
            pl.BlockSpec((D, D), full),
            pl.BlockSpec((D, D), full),
            pl.BlockSpec((1, D), full),
            pl.BlockSpec((1, D), full),
            pl.BlockSpec((1, D), full),
            pl.BlockSpec((1, D), full),
        ],
        out_specs=pl.BlockSpec((bn, D), lambda i: (i, 0)),
        out_shape=jax.ShapeDtypeStruct((N_NODE, D), jnp.float32),
    )(*aggs, grid_nfeat, nw1a, nw1b, nw2, nb1.reshape(1, D),
      nb2.reshape(1, D), lg.reshape(1, D), lb.reshape(1, D))



def kernel(m2g_efeat, grid_nfeat, mesh_nfeat, edge_index,
           edge_w1, edge_b1, edge_w2, edge_b2, edge_ln_g, edge_ln_b,
           node_w1, node_b1, node_w2, node_b2, node_ln_g, node_ln_b):
    src = edge_index[0].astype(jnp.int32)
    dst = edge_index[1].astype(jnp.int32)
    w1a, w1b, w1c = edge_w1[:D], edge_w1[D:2 * D], edge_w1[2 * D:]
    nw1a, nw1b = node_w1[:D], node_w1[D:]

    p_mesh, p_grid = _proj(mesh_nfeat, grid_nfeat, w1b, w1c)
    zrows = jnp.zeros((_FROWS, D), jnp.float32)

    nch = 1
    ech = E // nch
    sls = [slice(c * ech, (c + 1) * ech) for c in range(nch)]
    gath = [_sc_gather2(p_mesh, p_grid, src[sl], dst[sl]) for sl in sls]
    eouts = [_edge_mlp(m2g_efeat[sl], gm, gg, w1a, edge_w2, edge_b1,
                       edge_b2, edge_ln_g, edge_ln_b)
             for sl, (gm, gg) in zip(sls, gath)]
    aggs = [_sc_scatter(eo, dst[sl], zrows)
            for sl, eo in zip(sls, eouts)]

    return _node_mlp(aggs, grid_nfeat, nw1a, nw1b, node_w2, node_b1, node_b2,
                     node_ln_g, node_ln_b)

# --- scband reference (transcript-rebuilt; emitter-appended) ---
"""Pipeline reference for scband-mesh-graph-decoder-concat-28535762715034 (READ-ONLY COPY).

The authoritative reference and input builder live on the scoring server;
editing this copy changes nothing except your own understanding.
"""

import jax, jax.numpy as jnp
import numpy as np

N_MESH = 10000
N_GRID = 10000
E = 320000
D = 128
HID = 128

def _silu(x):
    return x * jax.nn.sigmoid(x)

def _layernorm(x, g, b, eps=1e-5):
    mu = jnp.mean(x, axis=-1, keepdims=True)
    var = jnp.var(x, axis=-1, keepdims=True)
    return (x - mu) / jnp.sqrt(var + eps) * g + b

def _mlp(x, w1, b1, w2, b2, g, beta):
    h = _silu(x @ w1 + b1)
    o = h @ w2 + b2
    return _layernorm(o, g, beta)

def setup_inputs(seed: int = 0) -> dict:
    key = jax.random.key(seed)
    ks = [jax.random.fold_in(key, i) for i in range(16)]
    inp = {}
    inp['m2g_efeat'] = jax.random.normal(ks[0], (E, D), dtype=jnp.float32)
    inp['grid_nfeat'] = jax.random.normal(ks[1], (N_GRID, D), dtype=jnp.float32)
    inp['mesh_nfeat'] = jax.random.normal(ks[2], (N_MESH, D), dtype=jnp.float32)
    inp['edge_index'] = jax.random.randint(ks[3], (2, E), 0, N_MESH, dtype=jnp.int64)
    # edge MLP params: input = 3*D (efeat || src_nfeat || dst_nfeat)
    inp['edge_w1'] = jax.random.normal(ks[4], (3 * D, HID), dtype=jnp.float32) * 0.05
    inp['edge_b1'] = jnp.zeros((HID,), dtype=jnp.float32)
    inp['edge_w2'] = jax.random.normal(ks[5], (HID, D), dtype=jnp.float32) * 0.05
    inp['edge_b2'] = jnp.zeros((D,), dtype=jnp.float32)
    inp['edge_ln_g'] = jnp.ones((D,), dtype=jnp.float32)
    inp['edge_ln_b'] = jnp.zeros((D,), dtype=jnp.float32)
    # node MLP params: input = 2*D (aggregated efeat || dst_nfeat)
    inp['node_w1'] = jax.random.normal(ks[6], (2 * D, HID), dtype=jnp.float32) * 0.05
    inp['node_b1'] = jnp.zeros((HID,), dtype=jnp.float32)
    inp['node_w2'] = jax.random.normal(ks[7], (HID, D), dtype=jnp.float32) * 0.05
    inp['node_b2'] = jnp.zeros((D,), dtype=jnp.float32)
    inp['node_ln_g'] = jnp.ones((D,), dtype=jnp.float32)
    inp['node_ln_b'] = jnp.zeros((D,), dtype=jnp.float32)
    return inp

def reference(m2g_efeat, grid_nfeat, mesh_nfeat, edge_index,
              edge_w1, edge_b1, edge_w2, edge_b2, edge_ln_g, edge_ln_b,
              node_w1, node_b1, node_w2, node_b2, node_ln_g, node_ln_b):
    src = edge_index[0]
    dst = edge_index[1]
    # concat_efeat: efeat || src (mesh) node feat || dst (grid) node feat
    efeat = jnp.concatenate([m2g_efeat, jnp.take(mesh_nfeat, src, axis=0), jnp.take(grid_nfeat, dst, axis=0)], axis=-1)
    efeat = _mlp(efeat, edge_w1, edge_b1, edge_w2, edge_b2, edge_ln_g, edge_ln_b)
    # aggregate edge features onto dst (grid) nodes (sum) and concat with dst feat
    agg = jax.ops.segment_sum(efeat, dst, num_segments=N_GRID)
    cat_feat = jnp.concatenate([agg, grid_nfeat], axis=-1)
    dst_feat = _mlp(cat_feat, node_w1, node_b1, node_w2, node_b2, node_ln_g, node_ln_b) + grid_nfeat
    return dst_feat

if __name__ == "__main__":
    import jax
    _d = setup_inputs()
    print(jax.jit(kernel)(*tuple(_d.values())))

</pallas_src>

<mosaic_0001>
#map = affine_map<(d0, d1) -> (0, 0)>
#map1 = affine_map<(d0, d1) -> (0, 0, 0)>
module attributes {stable_mosaic.version = 14 : i64} {
  func.func @k(%arg0: i32, %arg1: i32, %arg2: memref<320000x128xf32, #tpu.memory_space<hbm>>, %arg3: memref<2500x128xi32, #tpu.memory_space<hbm>>, %arg4: memref<624x128xf32, #tpu.memory_space<hbm>>, %arg5: memref<2x10000x128xf32, #tpu.memory_space<hbm>>, %arg6: memref<10000x128xf32, #tpu.memory_space<vmem_shared>>) attributes {dimension_semantics = [#tpu.dimension_semantics<core_parallel>, #tpu.dimension_semantics<subcore_parallel>], iteration_bounds = array<i64: 2, 16>, scalar_prefetch = 0 : i64, scratch_operands = 1 : i64, tpu.core_type = #tpu.core_type<sc_vector_subcore>, window_params = [{transform_indices = #map}, {transform_indices = #map}, {transform_indices = #map}, {transform_indices = #map1}]} {
    %mul3A = arith.constant 624 : i32
    %mul3A_0 = arith.muli %arg1, %mul3A : i32
    "tpu.region"() ({
      %run_scoped3A = tpu.sem_alloc : memref<!tpu.dma_semaphore, #tpu.memory_space<semaphore_mem>>
      %dma_start3A = arith.constant 0 : i32
      %dma_start3A_27 = tpu.memref_slice %arg6[%mul3A_0, %dma_start3A] : memref<10000x128xf32, #tpu.memory_space<vmem_shared>> -> memref<624x128xf32, #tpu.memory_space<vmem_shared>>
      %dma_start3A_28 = arith.constant 0 : i32
      %dma_start3A_29 = arith.constant 0 : i32
      %dma_start3A_30 = tpu.memref_slice %arg4[%dma_start3A_28, %dma_start3A_29] : memref<624x128xf32, #tpu.memory_space<hbm>> -> memref<624x128xf32, #tpu.memory_space<hbm>>
      tpu.enqueue_dma source(%dma_start3A_30 : memref<624x128xf32, #tpu.memory_space<hbm>>) target(%dma_start3A_27 : memref<624x128xf32, #tpu.memory_space<vmem_shared>>) target_semaphore(%run_scoped3A : memref<!tpu.dma_semaphore, #tpu.memory_space<semaphore_mem>>)
      %dma_wait3A = arith.constant 0 : i32
      %dma_wait3A_31 = tpu.memref_slice %arg6[%mul3A_0, %dma_wait3A] : memref<10000x128xf32, #tpu.memory_space<vmem_shared>> -> memref<624x128xf32, #tpu.memory_space<vmem_shared>>
      %dma_wait3A_32 = arith.constant 0 : i32
      %dma_wait3A_33 = arith.constant 0 : i32
      %dma_wait3A_34 = tpu.memref_slice %arg4[%dma_wait3A_32, %dma_wait3A_33] : memref<624x128xf32, #tpu.memory_space<hbm>> -> memref<624x128xf32, #tpu.memory_space<hbm>>
      tpu.wait_dma2 semaphore(%run_scoped3A : memref<!tpu.dma_semaphore, #tpu.memory_space<semaphore_mem>>) src(%dma_wait3A_34 : memref<624x128xf32, #tpu.memory_space<hbm>>) dst(%dma_wait3A_31 : memref<624x128xf32, #tpu.memory_space<vmem_shared>>)
      tpu.yield
    }) : () -> ()
    %eq3A = arith.constant 15 : i32
    %eq3A_1 = arith.cmpi eq, %arg1, %eq3A : i32
    %convert_element_type3A = arith.extui %eq3A_1 : i1 to i32
    %cond3A = arith.constant 0 : i32
    %cond3A_2 = arith.cmpi ne, %convert_element_type3A, %cond3A : i32
    scf.if %cond3A_2 {
      "tpu.region"() ({
        %run_scoped3A = tpu.sem_alloc : memref<!tpu.dma_semaphore, #tpu.memory_space<semaphore_mem>>
        %dma_start3A = arith.constant 9984 : i32
        %dma_start3A_27 = arith.constant 0 : i32
        %dma_start3A_28 = tpu.memref_slice %arg6[%dma_start3A, %dma_start3A_27] : memref<10000x128xf32, #tpu.memory_space<vmem_shared>> -> memref<16x128xf32, #tpu.memory_space<vmem_shared>>
        %dma_start3A_29 = arith.constant 0 : i32
        %dma_start3A_30 = arith.constant 0 : i32
        %dma_start3A_31 = tpu.memref_slice %arg4[%dma_start3A_29, %dma_start3A_30] : memref<624x128xf32, #tpu.memory_space<hbm>> -> memref<16x128xf32, #tpu.memory_space<hbm>>
        tpu.enqueue_dma source(%dma_start3A_31 : memref<16x128xf32, #tpu.memory_space<hbm>>) target(%dma_start3A_28 : memref<16x128xf32, #tpu.memory_space<vmem_shared>>) target_semaphore(%run_scoped3A : memref<!tpu.dma_semaphore, #tpu.memory_space<semaphore_mem>>)
        %dma_wait3A = arith.constant 9984 : i32
        %dma_wait3A_32 = arith.constant 0 : i32
        %dma_wait3A_33 = tpu.memref_slice %arg6[%dma_wait3A, %dma_wait3A_32] : memref<10000x128xf32, #tpu.memory_space<vmem_shared>> -> memref<16x128xf32, #tpu.memory_space<vmem_shared>>
        %dma_wait3A_34 = arith.constant 0 : i32
        %dma_wait3A_35 = arith.constant 0 : i32
        %dma_wait3A_36 = tpu.memref_slice %arg4[%dma_wait3A_34, %dma_wait3A_35] : memref<624x128xf32, #tpu.memory_space<hbm>> -> memref<16x128xf32, #tpu.memory_space<hbm>>
        tpu.wait_dma2 semaphore(%run_scoped3A : memref<!tpu.dma_semaphore, #tpu.memory_space<semaphore_mem>>) src(%dma_wait3A_36 : memref<16x128xf32, #tpu.memory_space<hbm>>) dst(%dma_wait3A_33 : memref<16x128xf32, #tpu.memory_space<vmem_shared>>)
        tpu.yield
      }) : () -> ()
    } else {
    }
    %barrier3A = arith.constant 0 : index
    tpu.barrier barrier_id(%barrier3A)
    %mul3A_3 = arith.constant 1 : i32
    %mul3A_4 = arith.muli %arg1, %mul3A_3 : i32
    %add3A = arith.constant 0 : i32
    %add3A_5 = arith.addi %add3A, %mul3A_4 : i32
    %mul3A_6 = arith.constant 16 : i32
    %mul3A_7 = arith.muli %arg0, %mul3A_6 : i32
    %add3A_8 = arith.addi %add3A_5, %mul3A_7 : i32
    %lt3A = arith.constant 4 : i32
    %lt3A_9 = arith.cmpi slt, %add3A_8, %lt3A : i32
    %jit3A = arith.constant 79 : i32
    %jit3A_10 = arith.constant 78 : i32
    %select_n3A = arith.select %lt3A_9, %jit3A, %jit3A_10 : i32
    %lt3A_11 = arith.constant 4 : i32
    %lt3A_12 = arith.cmpi slt, %add3A_8, %lt3A_11 : i32
    %mul3A_13 = arith.muli %add3A_8, %select_n3A : i32
    %mul3A_14 = arith.constant 78 : i32
    %mul3A_15 = arith.muli %add3A_8, %mul3A_14 : i32
    %add3A_16 = arith.constant 4 : i32
    %add3A_17 = arith.addi %mul3A_15, %add3A_16 : i32
    %select_n3A_18 = arith.select %lt3A_12, %mul3A_13, %add3A_17 : i32
    %mul3A_19 = arith.constant 1 : i32
    %mul3A_20 = arith.muli %mul3A_19, %select_n3A : i32
    "tpu.region"() ({
      %run_scoped3A = memref.alloca() : memref<2x128x128xf32, #tpu.memory_space<vmem>>
      %run_scoped3A_27 = tpu.sem_alloc : memref<2x!tpu.dma_semaphore, #tpu.memory_space<semaphore_mem>>
      %run_scoped3A_28 = memref.alloca() : memref<2x1x128xi32, #tpu.memory_space<vmem>>
      %run_scoped3A_29 = tpu.sem_alloc : memref<2x!tpu.dma_semaphore, #tpu.memory_space<semaphore_mem>>
      %gt3A = arith.constant 0 : i32
      %gt3A_30 = arith.cmpi sgt, %mul3A_20, %gt3A : i32
      %convert_element_type3A_31 = arith.extui %gt3A_30 : i1 to i32
      %cond3A_32 = arith.constant 0 : i32
      %cond3A_33 = arith.cmpi ne, %convert_element_type3A_31, %cond3A_32 : i32
      scf.if %cond3A_33 {
        %mul3A_34 = arith.constant 1 : i32
        %mul3A_35 = arith.muli %mul3A_34, %select_n3A : i32
        %sub3A = arith.constant 1 : i32
        %sub3A_36 = arith.subi %mul3A_35, %sub3A : i32
        %eq3A_37 = arith.constant 0 : i32
        %eq3A_38 = arith.cmpi eq, %sub3A_36, %eq3A_37 : i32
        %add3A_39 = arith.constant 0 : i32
        %add3A_40 = arith.addi %add3A_39, %select_n3A_18 : i32
        %select_n3A_41 = arith.constant true
        %select_n3A_42 = arith.constant 0 : i32
        %select_n3A_43 = arith.constant -1 : i32
        %select_n3A_44 = arith.select %select_n3A_41, %select_n3A_43, %select_n3A_42 : i32
        %eq3A_45 = arith.constant -1 : i32
        %eq3A_46 = arith.cmpi eq, %select_n3A_44, %eq3A_45 : i32
        %sub3A_47 = arith.constant 1 : i32
        %sub3A_48 = arith.subi %select_n3A, %sub3A_47 : i32
        %select_n3A_49 = arith.select %eq3A_46, %sub3A_48, %select_n3A_44 : i32
        %add3A_50 = arith.addi %select_n3A_49, %select_n3A_18 : i32
        %select_n3A_51 = arith.constant true
        %select_n3A_52 = arith.constant 0 : i32
        %select_n3A_53 = arith.constant 1 : i32
        %select_n3A_54 = arith.select %select_n3A_51, %select_n3A_53, %select_n3A_52 : i32
        %eq3A_55 = arith.cmpi eq, %select_n3A_54, %select_n3A : i32
        %select_n3A_56 = arith.constant 0 : i32
        %select_n3A_57 = arith.select %eq3A_55, %select_n3A_56, %select_n3A_54 : i32
        %add3A_58 = arith.addi %select_n3A_57, %select_n3A_18 : i32
        %add3A_59 = arith.constant 1 : i32
        %add3A_60 = arith.addi %select_n3A_57, %add3A_59 : i32
        %select_n3A_61 = arith.constant true
        %select_n3A_62 = arith.select %select_n3A_61, %add3A_60, %select_n3A_57 : i32
        %eq3A_63 = arith.cmpi eq, %select_n3A_62, %select_n3A : i32
        %select_n3A_64 = arith.constant 0 : i32
        %select_n3A_65 = arith.select %eq3A_63, %select_n3A_64, %select_n3A_62 : i32
        %add3A_66 = arith.addi %select_n3A_65, %select_n3A_18 : i32
        "tpu.trace_start"() <{level = 10 : i32, message = "ep_initialize_0"}> : () -> ()
        %rem3A = arith.constant 0 : i32
        %rem3A_67 = arith.constant 2 : i32
        %rem3A_68 = arith.remui %rem3A, %rem3A_67 : i32
        %mul3A_69 = arith.constant 128 : i32
        %mul3A_70 = arith.muli %mul3A_69, %add3A_40 : i32
        %dma_start3A = arith.constant 0 : i32
        %dma_start3A_71 = arith.constant 0 : i32
        %dma_start3A_72 = tpu.memref_slice %run_scoped3A[%rem3A_68, %dma_start3A, %dma_start3A_71] : memref<2x128x128xf32, #tpu.memory_space<vmem>> -> memref<1x128x128xf32, #tpu.memory_space<vmem>>
        %dma_start3A_73 = tpu.memref_squeeze %dma_start3A_72 : memref<1x128x128xf32, #tpu.memory_space<vmem>> -> memref<128x128xf32, #tpu.memory_space<vmem>>
        %dma_start3A_74 = arith.constant 0 : i32
        %dma_start3A_75 = tpu.memref_slice %arg2[%mul3A_70, %dma_start3A_74] : memref<320000x128xf32, #tpu.memory_space<hbm>> -> memref<128x128xf32, #tpu.memory_space<hbm>>
        %dma_start3A_76 = tpu.memref_slice %run_scoped3A_27[%rem3A_68] : memref<2x!tpu.dma_semaphore, #tpu.memory_space<semaphore_mem>> -> memref<1x!tpu.dma_semaphore, #tpu.memory_space<semaphore_mem>>
        %dma_start3A_77 = tpu.memref_squeeze %dma_start3A_76 : memref<1x!tpu.dma_semaphore, #tpu.memory_space<semaphore_mem>> -> memref<!tpu.dma_semaphore, #tpu.memory_space<semaphore_mem>>
        %dma_start3A_78 = arith.constant 0 : i32
        %dma_start3A_79 = arith.constant 0 : i32
        %dma_start3A_80 = tpu.memref_slice %run_scoped3A[%rem3A_68, %dma_start3A_78, %dma_start3A_79] : memref<2x128x128xf32, #tpu.memory_space<vmem>> -> memref<1x128x128xf32, #tpu.memory_space<vmem>>
        %dma_start3A_81 = tpu.memref_squeeze %dma_start3A_80 : memref<1x128x128xf32, #tpu.memory_space<vmem>> -> memref<128x128xf32, #tpu.memory_space<vmem>>
        %dma_start3A_82 = arith.constant 0 : i32
        %dma_start3A_83 = tpu.memref_slice %arg2[%mul3A_70, %dma_start3A_82] : memref<320000x128xf32, #tpu.memory_space<hbm>> -> memref<128x128xf32, #tpu.memory_space<hbm>>
        tpu.enqueue_dma source(%dma_start3A_83 : memref<128x128xf32, #tpu.memory_space<hbm>>) target(%dma_start3A_81 : memref<128x128xf32, #tpu.memory_space<vmem>>) target_semaphore(%dma_start3A_77 : memref<!tpu.dma_semaphore, #tpu.memory_space<semaphore_mem>>)
        %add3A_84 = arith.constant 0 : i32
        %add3A_85 = arith.constant 1 : i32
        %add3A_86 = arith.addi %add3A_84, %add3A_85 : i32
        %select_n3A_87 = arith.constant true
        %select_n3A_88 = arith.constant 0 : i32
        %select_n3A_89 = arith.select %select_n3A_87, %add3A_86, %select_n3A_88 : i32
        %rem3A_90 = arith.constant 0 : i32
        %rem3A_91 = arith.constant 2 : i32
        %rem3A_92 = arith.remui %rem3A_90, %rem3A_91 : i32
        %mul3A_93 = arith.constant 1 : i32
        %mul3A_94 = arith.muli %mul3A_93, %add3A_40 : i32
        %dma_start3A_95 = arith.constant 0 : i32
        %dma_start3A_96 = arith.constant 0 : i32
        %dma_start3A_97 = tpu.memref_slice %run_scoped3A_28[%rem3A_92, %dma_start3A_95, %dma_start3A_96] : memref<2x1x128xi32, #tpu.memory_space<vmem>> -> memref<1x1x128xi32, #tpu.memory_space<vmem>>
        %dma_start3A_98 = tpu.memref_squeeze %dma_start3A_97 : memref<1x1x128xi32, #tpu.memory_space<vmem>> -> memref<1x128xi32, #tpu.memory_space<vmem>>
        %dma_start3A_99 = arith.constant 0 : i32
        %dma_start3A_100 = tpu.memref_slice %arg3[%mul3A_94, %dma_start3A_99] : memref<2500x128xi32, #tpu.memory_space<hbm>> -> memref<1x128xi32, #tpu.memory_space<hbm>>
        %dma_start3A_101 = tpu.memref_slice %run_scoped3A_29[%rem3A_92] : memref<2x!tpu.dma_semaphore, #tpu.memory_space<semaphore_mem>> -> memref<1x!tpu.dma_semaphore, #tpu.memory_space<semaphore_mem>>
        %dma_start3A_102 = tpu.memref_squeeze %dma_start3A_101 : memref<1x!tpu.dma_semaphore, #tpu.memory_space<semaphore_mem>> -> memref<!tpu.dma_semaphore, #tpu.memory_space<semaphore_mem>>
        %dma_start3A_103 = arith.constant 0 : i32
        %dma_start3A_104 = arith.constant 0 : i32
        %dma_start3A_105 = tpu.memref_slice %run_scoped3A_28[%rem3A_92, %dma_start3A_103, %dma_start3A_104] : memref<2x1x128xi32, #tpu.memory_space<vmem>> -> memref<1x1x128xi32, #tpu.memory_space<vmem>>
        %dma_start3A_106 = tpu.memref_squeeze %dma_start3A_105 : memref<1x1x128xi32, #tpu.memory_space<vmem>> -> memref<1x128xi32, #tpu.memory_space<vmem>>
        %dma_start3A_107 = arith.constant 0 : i32
        %dma_start3A_108 = tpu.memref_slice %arg3[%mul3A_94, %dma_start3A_107] : memref<2500x128xi32, #tpu.memory_space<hbm>> -> memref<1x128xi32, #tpu.memory_space<hbm>>
        tpu.enqueue_dma source(%dma_start3A_108 : memref<1x128xi32, #tpu.memory_space<hbm>>) target(%dma_start3A_106 : memref<1x128xi32, #tpu.memory_space<vmem>>) target_semaphore(%dma_start3A_102 : memref<!tpu.dma_semaphore, #tpu.memory_space<semaphore_mem>>)
        %add3A_109 = arith.constant 0 : i32
        %add3A_110 = arith.constant 1 : i32
        %add3A_111 = arith.addi %add3A_109, %add3A_110 : i32
        %select_n3A_112 = arith.constant true
        %select_n3A_113 = arith.constant 0 : i32
        %select_n3A_114 = arith.select %select_n3A_112, %add3A_111, %select_n3A_113 : i32
        %while3A = arith.constant 0 : i32
        %while3A_115 = arith.constant 0 : i32
        %while3A_116 = arith.constant 0 : i32
        %while3A_117 = arith.constant 0 : i32
        "tpu.trace_stop"() : () -> ()
        %while3A_118 = arith.subi %mul3A_20, %while3A : i32
        %while3A_119 = arith.addi %while3A, %while3A_118 : i32
        %while3A_120 = arith.constant 1 : i32
        %while3A_121 = arith.divsi %while3A_118, %while3A_120 : i32
        %while3A_122 = arith.muli %while3A_121, %while3A_120 : i32
        %while3A_123 = arith.addi %while3A, %while3A_122 : i32
        %while3A_124 = arith.constant 1 : i32
        %while3A_125:5 = scf.for %while3A_179 = %while3A to %while3A_123 step %while3A_124 iter_args(%while3A_180 = %select_n3A_89, %while3A_181 = %while3A_115, %while3A_182 = %select_n3A_114, %while3A_183 = %while3A_116, %while3A_184 = %while3A_117) -> (i32, i32, i32, i32, i32)  : i32 {
          %mul3A_185 = arith.constant 1 : i32
          %mul3A_186 = arith.muli %mul3A_185, %select_n3A : i32
          %eq3A_187 = arith.constant 0 : i32
          %eq3A_188 = arith.cmpi eq, %while3A_179, %eq3A_187 : i32
          %sub3A_189 = arith.constant 1 : i32
          %sub3A_190 = arith.subi %mul3A_186, %sub3A_189 : i32
          %eq3A_191 = arith.cmpi eq, %while3A_179, %sub3A_190 : i32
          %add3A_192 = arith.addi %while3A_184, %select_n3A_18 : i32
          %sub3A_193 = arith.constant 1 : i32
          %sub3A_194 = arith.subi %while3A_184, %sub3A_193 : i32
          %select_n3A_195 = arith.constant true
          %select_n3A_196 = arith.select %select_n3A_195, %sub3A_194, %while3A_184 : i32
          %eq3A_197 = arith.constant -1 : i32
          %eq3A_198 = arith.cmpi eq, %select_n3A_196, %eq3A_197 : i32
          %sub3A_199 = arith.constant 1 : i32
          %sub3A_200 = arith.subi %select_n3A, %sub3A_199 : i32
          %select_n3A_201 = arith.select %eq3A_198, %sub3A_200, %select_n3A_196 : i32
          %add3A_202 = arith.addi %select_n3A_201, %select_n3A_18 : i32
          %add3A_203 = arith.constant 1 : i32
          %add3A_204 = arith.addi %while3A_184, %add3A_203 : i32
          %select_n3A_205 = arith.constant true
          %select_n3A_206 = arith.select %select_n3A_205, %add3A_204, %while3A_184 : i32
          %eq3A_207 = arith.cmpi eq, %select_n3A_206, %select_n3A : i32
          %select_n3A_208 = arith.constant 0 : i32
          %select_n3A_209 = arith.select %eq3A_207, %select_n3A_208, %select_n3A_206 : i32
          %add3A_210 = arith.addi %select_n3A_209, %select_n3A_18 : i32
          %add3A_211 = arith.constant 1 : i32
          %add3A_212 = arith.addi %select_n3A_209, %add3A_211 : i32
          %select_n3A_213 = arith.constant true
          %select_n3A_214 = arith.select %select_n3A_213, %add3A_212, %select_n3A_209 : i32
          %eq3A_215 = arith.cmpi eq, %select_n3A_214, %select_n3A : i32
          %select_n3A_216 = arith.constant 0 : i32
          %select_n3A_217 = arith.select %eq3A_215, %select_n3A_216, %select_n3A_214 : i32
          %add3A_218 = arith.addi %select_n3A_217, %select_n3A_18 : i32
          %ne3A = arith.cmpi ne, %add3A_192, %add3A_210 : i32
          %or3A = arith.constant false
          %or3A_219 = arith.ori %or3A, %ne3A : i1
          %or3A_220 = arith.constant false
          %or3A_221 = arith.ori %or3A_219, %or3A_220 : i1
          %sub3A_222 = arith.constant 2 : i32
          %sub3A_223 = arith.subi %mul3A_186, %sub3A_222 : i32
          %add3A_224 = arith.constant 1 : i32
          %add3A_225 = arith.addi %sub3A_223, %add3A_224 : i32
          %ge3A = arith.cmpi sge, %while3A_179, %add3A_225 : i32
          %not3A = arith.constant true
          %not3A_226 = arith.xori %ge3A, %not3A : i1
          %and3A = arith.andi %or3A_221, %not3A_226 : i1
          %convert_element_type3A_227 = arith.extui %and3A : i1 to i32
          %cond3A_228 = arith.constant 0 : i32
          %cond3A_229 = arith.cmpi ne, %convert_element_type3A_227, %cond3A_228 : i32
          scf.if %cond3A_229 {
            "tpu.trace_start"() <{level = 10 : i32, message = "ep_copy_in"}> : () -> ()
            %rem3A_352 = arith.constant 2 : i32
            %rem3A_353 = arith.remui %while3A_180, %rem3A_352 : i32
            %mul3A_354 = arith.constant 128 : i32
            %mul3A_355 = arith.muli %mul3A_354, %add3A_210 : i32
            %dma_start3A_356 = arith.constant 0 : i32
            %dma_start3A_357 = arith.constant 0 : i32
            %dma_start3A_358 = tpu.memref_slice %run_scoped3A[%rem3A_353, %dma_start3A_356, %dma_start3A_357] : memref<2x128x128xf32, #tpu.memory_space<vmem>> -> memref<1x128x128xf32, #tpu.memory_space<vmem>>
            %dma_start3A_359 = tpu.memref_squeeze %dma_start3A_358 : memref<1x128x128xf32, #tpu.memory_space<vmem>> -> memref<128x128xf32, #tpu.memory_space<vmem>>
            %dma_start3A_360 = arith.constant 0 : i32
            %dma_start3A_361 = tpu.memref_slice %arg2[%mul3A_355, %dma_start3A_360] : memref<320000x128xf32, #tpu.memory_space<hbm>> -> memref<128x128xf32, #tpu.memory_space<hbm>>
            %dma_start3A_362 = tpu.memref_slice %run_scoped3A_27[%rem3A_353] : memref<2x!tpu.dma_semaphore, #tpu.memory_space<semaphore_mem>> -> memref<1x!tpu.dma_semaphore, #tpu.memory_space<semaphore_mem>>
            %dma_start3A_363 = tpu.memref_squeeze %dma_start3A_362 : memref<1x!tpu.dma_semaphore, #tpu.memory_space<semaphore_mem>> -> memref<!tpu.dma_semaphore, #tpu.memory_space<semaphore_mem>>
            %dma_start3A_364 = arith.constant 0 : i32
            %dma_start3A_365 = arith.constant 0 : i32
            %dma_start3A_366 = tpu.memref_slice %run_scoped3A[%rem3A_353, %dma_start3A_364, %dma_start3A_365] : memref<2x128x128xf32, #tpu.memory_space<vmem>> -> memref<1x128x128xf32, #tpu.memory_space<vmem>>
            %dma_start3A_367 = tpu.memref_squeeze %dma_start3A_366 : memref<1x128x128xf32, #tpu.memory_space<vmem>> -> memref<128x128xf32, #tpu.memory_space<vmem>>
            %dma_start3A_368 = arith.constant 0 : i32
            %dma_start3A_369 = tpu.memref_slice %arg2[%mul3A_355, %dma_start3A_368] : memref<320000x128xf32, #tpu.memory_space<hbm>> -> memref<128x128xf32, #tpu.memory_space<hbm>>
            tpu.enqueue_dma source(%dma_start3A_369 : memref<128x128xf32, #tpu.memory_space<hbm>>) target(%dma_start3A_367 : memref<128x128xf32, #tpu.memory_space<vmem>>) target_semaphore(%dma_start3A_363 : memref<!tpu.dma_semaphore, #tpu.memory_space<semaphore_mem>>)
            "tpu.trace_stop"() : () -> ()
          } else {
          }
          %and3A_230 = arith.constant true
          %and3A_231 = arith.andi %and3A, %and3A_230 : i1
          %add3A_232 = arith.constant 1 : i32
          %add3A_233 = arith.addi %while3A_180, %add3A_232 : i32
          %select_n3A_234 = arith.select %and3A_231, %add3A_233, %while3A_180 : i32
          %ne3A_235 = arith.cmpi ne, %add3A_192, %add3A_210 : i32
          %or3A_236 = arith.constant false
          %or3A_237 = arith.ori %or3A_236, %ne3A_235 : i1
          %or3A_238 = arith.constant false
          %or3A_239 = arith.ori %or3A_237, %or3A_238 : i1
          %sub3A_240 = arith.constant 2 : i32
          %sub3A_241 = arith.subi %mul3A_186, %sub3A_240 : i32
          %add3A_242 = arith.constant 1 : i32
          %add3A_243 = arith.addi %sub3A_241, %add3A_242 : i32
          %ge3A_244 = arith.cmpi sge, %while3A_179, %add3A_243 : i32
          %not3A_245 = arith.constant true
          %not3A_246 = arith.xori %ge3A_244, %not3A_245 : i1
          %and3A_247 = arith.andi %or3A_239, %not3A_246 : i1
          %convert_element_type3A_248 = arith.extui %and3A_247 : i1 to i32
          %cond3A_249 = arith.constant 0 : i32
          %cond3A_250 = arith.cmpi ne, %convert_element_type3A_248, %cond3A_249 : i32
          scf.if %cond3A_250 {
            "tpu.trace_start"() <{level = 10 : i32, message = "ep_copy_in"}> : () -> ()
            %rem3A_352 = arith.constant 2 : i32
            %rem3A_353 = arith.remui %while3A_182, %rem3A_352 : i32
            %mul3A_354 = arith.constant 1 : i32
            %mul3A_355 = arith.muli %mul3A_354, %add3A_210 : i32
            %dma_start3A_356 = arith.constant 0 : i32
            %dma_start3A_357 = arith.constant 0 : i32
            %dma_start3A_358 = tpu.memref_slice %run_scoped3A_28[%rem3A_353, %dma_start3A_356, %dma_start3A_357] : memref<2x1x128xi32, #tpu.memory_space<vmem>> -> memref<1x1x128xi32, #tpu.memory_space<vmem>>
            %dma_start3A_359 = tpu.memref_squeeze %dma_start3A_358 : memref<1x1x128xi32, #tpu.memory_space<vmem>> -> memref<1x128xi32, #tpu.memory_space<vmem>>
            %dma_start3A_360 = arith.constant 0 : i32
            %dma_start3A_361 = tpu.memref_slice %arg3[%mul3A_355, %dma_start3A_360] : memref<2500x128xi32, #tpu.memory_space<hbm>> -> memref<1x128xi32, #tpu.memory_space<hbm>>
            %dma_start3A_362 = tpu.memref_slice %run_scoped3A_29[%rem3A_353] : memref<2x!tpu.dma_semaphore, #tpu.memory_space<semaphore_mem>> -> memref<1x!tpu.dma_semaphore, #tpu.memory_space<semaphore_mem>>
            %dma_start3A_363 = tpu.memref_squeeze %dma_start3A_362 : memref<1x!tpu.dma_semaphore, #tpu.memory_space<semaphore_mem>> -> memref<!tpu.dma_semaphore, #tpu.memory_space<semaphore_mem>>
            %dma_start3A_364 = arith.constant 0 : i32
            %dma_start3A_365 = arith.constant 0 : i32
            %dma_start3A_366 = tpu.memref_slice %run_scoped3A_28[%rem3A_353, %dma_start3A_364, %dma_start3A_365] : memref<2x1x128xi32, #tpu.memory_space<vmem>> -> memref<1x1x128xi32, #tpu.memory_space<vmem>>
            %dma_start3A_367 = tpu.memref_squeeze %dma_start3A_366 : memref<1x1x128xi32, #tpu.memory_space<vmem>> -> memref<1x128xi32, #tpu.memory_space<vmem>>
            %dma_start3A_368 = arith.constant 0 : i32
            %dma_start3A_369 = tpu.memref_slice %arg3[%mul3A_355, %dma_start3A_368] : memref<2500x128xi32, #tpu.memory_space<hbm>> -> memref<1x128xi32, #tpu.memory_space<hbm>>
            tpu.enqueue_dma source(%dma_start3A_369 : memref<1x128xi32, #tpu.memory_space<hbm>>) target(%dma_start3A_367 : memref<1x128xi32, #tpu.memory_space<vmem>>) target_semaphore(%dma_start3A_363 : memref<!tpu.dma_semaphore, #tpu.memory_space<semaphore_mem>>)
            "tpu.trace_stop"() : () -> ()
          } else {
          }
          %and3A_251 = arith.constant true
          %and3A_252 = arith.andi %and3A_247, %and3A_251 : i1
          %add3A_253 = arith.constant 1 : i32
          %add3A_254 = arith.addi %while3A_182, %add3A_253 : i32
          %select_n3A_255 = arith.select %and3A_252, %add3A_254, %while3A_182 : i32
          %ne3A_256 = arith.cmpi ne, %add3A_192, %add3A_202 : i32
          %or3A_257 = arith.constant false
          %or3A_258 = arith.ori %or3A_257, %ne3A_256 : i1
          %or3A_259 = arith.constant false
          %or3A_260 = arith.ori %or3A_258, %or3A_259 : i1
          %or3A_261 = arith.ori %or3A_260, %eq3A_188 : i1
          %convert_element_type3A_262 = arith.extui %or3A_261 : i1 to i32
          %cond3A_263 = arith.constant 0 : i32
          %cond3A_264 = arith.cmpi ne, %convert_element_type3A_262, %cond3A_263 : i32
          scf.if %cond3A_264 {
            "tpu.trace_start"() <{level = 10 : i32, message = "ep_wait_in"}> : () -> ()
            %mul3A_352 = arith.constant 128 : i32
            %mul3A_353 = arith.muli %mul3A_352, %add3A_192 : i32
            %rem3A_354 = arith.constant 2 : i32
            %rem3A_355 = arith.remui %while3A_181, %rem3A_354 : i32
            %dma_wait3A = arith.constant 0 : i32
            %dma_wait3A_356 = arith.constant 0 : i32
            %dma_wait3A_357 = tpu.memref_slice %run_scoped3A[%rem3A_355, %dma_wait3A, %dma_wait3A_356] : memref<2x128x128xf32, #tpu.memory_space<vmem>> -> memref<1x128x128xf32, #tpu.memory_space<vmem>>
            %dma_wait3A_358 = tpu.memref_squeeze %dma_wait3A_357 : memref<1x128x128xf32, #tpu.memory_space<vmem>> -> memref<128x128xf32, #tpu.memory_space<vmem>>
            %dma_wait3A_359 = arith.constant 0 : i32
            %dma_wait3A_360 = tpu.memref_slice %arg2[%mul3A_353, %dma_wait3A_359] : memref<320000x128xf32, #tpu.memory_space<hbm>> -> memref<128x128xf32, #tpu.memory_space<hbm>>
            %dma_wait3A_361 = tpu.memref_slice %run_scoped3A_27[%rem3A_355] : memref<2x!tpu.dma_semaphore, #tpu.memory_space<semaphore_mem>> -> memref<1x!tpu.dma_semaphore, #tpu.memory_space<semaphore_mem>>
            %dma_wait3A_362 = tpu.memref_squeeze %dma_wait3A_361 : memref<1x!tpu.dma_semaphore, #tpu.memory_space<semaphore_mem>> -> memref<!tpu.dma_semaphore, #tpu.memory_space<semaphore_mem>>
            %dma_wait3A_363 = arith.constant 0 : i32
            %dma_wait3A_364 = arith.constant 0 : i32
            %dma_wait3A_365 = tpu.memref_slice %run_scoped3A[%rem3A_355, %dma_wait3A_363, %dma_wait3A_364] : memref<2x128x128xf32, #tpu.memory_space<vmem>> -> memref<1x128x128xf32, #tpu.memory_space<vmem>>
            %dma_wait3A_366 = tpu.memref_squeeze %dma_wait3A_365 : memref<1x128x128xf32, #tpu.memory_space<vmem>> -> memref<128x128xf32, #tpu.memory_space<vmem>>
            %dma_wait3A_367 = arith.constant 0 : i32
            %dma_wait3A_368 = tpu.memref_slice %arg2[%mul3A_353, %dma_wait3A_367] : memref<320000x128xf32, #tpu.memory_space<hbm>> -> memref<128x128xf32, #tpu.memory_space<hbm>>
            tpu.wait_dma2 semaphore(%dma_wait3A_362 : memref<!tpu.dma_semaphore, #tpu.memory_space<semaphore_mem>>) src(%dma_wait3A_368 : memref<128x128xf32, #tpu.memory_space<hbm>>) dst(%dma_wait3A_366 : memref<128x128xf32, #tpu.memory_space<vmem>>)
            "tpu.trace_stop"() : () -> ()
          } else {
          }
          %ne3A_265 = arith.cmpi ne, %add3A_192, %add3A_202 : i32
          %or3A_266 = arith.constant false
          %or3A_267 = arith.ori %or3A_266, %ne3A_265 : i1
          %or3A_268 = arith.constant false
          %or3A_269 = arith.ori %or3A_267, %or3A_268 : i1
          %or3A_270 = arith.ori %or3A_269, %eq3A_188 : i1
          %convert_element_type3A_271 = arith.extui %or3A_270 : i1 to i32
          %cond3A_272 = arith.constant 0 : i32
          %cond3A_273 = arith.cmpi ne, %convert_element_type3A_271, %cond3A_272 : i32
          scf.if %cond3A_273 {
            "tpu.trace_start"() <{level = 10 : i32, message = "ep_wait_in"}> : () -> ()
            %mul3A_352 = arith.constant 1 : i32
            %mul3A_353 = arith.muli %mul3A_352, %add3A_192 : i32
            %rem3A_354 = arith.constant 2 : i32
            %rem3A_355 = arith.remui %while3A_183, %rem3A_354 : i32
            %dma_wait3A = arith.constant 0 : i32
            %dma_wait3A_356 = arith.constant 0 : i32
            %dma_wait3A_357 = tpu.memref_slice %run_scoped3A_28[%rem3A_355, %dma_wait3A, %dma_wait3A_356] : memref<2x1x128xi32, #tpu.memory_space<vmem>> -> memref<1x1x128xi32, #tpu.memory_space<vmem>>
            %dma_wait3A_358 = tpu.memref_squeeze %dma_wait3A_357 : memref<1x1x128xi32, #tpu.memory_space<vmem>> -> memref<1x128xi32, #tpu.memory_space<vmem>>
            %dma_wait3A_359 = arith.constant 0 : i32
            %dma_wait3A_360 = tpu.memref_slice %arg3[%mul3A_353, %dma_wait3A_359] : memref<2500x128xi32, #tpu.memory_space<hbm>> -> memref<1x128xi32, #tpu.memory_space<hbm>>
            %dma_wait3A_361 = tpu.memref_slice %run_scoped3A_29[%rem3A_355] : memref<2x!tpu.dma_semaphore, #tpu.memory_space<semaphore_mem>> -> memref<1x!tpu.dma_semaphore, #tpu.memory_space<semaphore_mem>>
            %dma_wait3A_362 = tpu.memref_squeeze %dma_wait3A_361 : memref<1x!tpu.dma_semaphore, #tpu.memory_space<semaphore_mem>> -> memref<!tpu.dma_semaphore, #tpu.memory_space<semaphore_mem>>
            %dma_wait3A_363 = arith.constant 0 : i32
            %dma_wait3A_364 = arith.constant 0 : i32
            %dma_wait3A_365 = tpu.memref_slice %run_scoped3A_28[%rem3A_355, %dma_wait3A_363, %dma_wait3A_364] : memref<2x1x128xi32, #tpu.memory_space<vmem>> -> memref<1x1x128xi32, #tpu.memory_space<vmem>>
            %dma_wait3A_366 = tpu.memref_squeeze %dma_wait3A_365 : memref<1x1x128xi32, #tpu.memory_space<vmem>> -> memref<1x128xi32, #tpu.memory_space<vmem>>
            %dma_wait3A_367 = arith.constant 0 : i32
            %dma_wait3A_368 = tpu.memref_slice %arg3[%mul3A_353, %dma_wait3A_367] : memref<2500x128xi32, #tpu.memory_space<hbm>> -> memref<1x128xi32, #tpu.memory_space<hbm>>
            tpu.wait_dma2 semaphore(%dma_wait3A_362 : memref<!tpu.dma_semaphore, #tpu.memory_space<semaphore_mem>>) src(%dma_wait3A_368 : memref<1x128xi32, #tpu.memory_space<hbm>>) dst(%dma_wait3A_366 : memref<1x128xi32, #tpu.memory_space<vmem>>)
            "tpu.trace_stop"() : () -> ()
          } else {
          }
          %rem3A_274 = arith.constant 2 : i32
          %rem3A_275 = arith.remui %while3A_181, %rem3A_274 : i32
          %rem3A_276 = arith.constant 2 : i32
          %rem3A_277 = arith.remui %while3A_183, %rem3A_276 : i32
          %run_scoped3A_278 = arith.constant 0 : i32
          "tpu.trace_start"() <{level = 10 : i32, message = "ep_run_kernel"}> : () -> ()
          "tpu.region"() ({
            %run_scoped3A_352 = tpu.sem_alloc : memref<!tpu.dma_semaphore, #tpu.memory_space<semaphore_mem>>
            %dma_start3A_353 = arith.constant 0 : i32
            %dma_start3A_354 = arith.constant 0 : i32
            %dma_start3A_355 = tpu.memref_slice %run_scoped3A[%rem3A_275, %dma_start3A_353, %dma_start3A_354] : memref<2x128x128xf32, #tpu.memory_space<vmem>> -> memref<1x128x128xf32, #tpu.memory_space<vmem>>
            %dma_start3A_356 = tpu.memref_squeeze %dma_start3A_355 : memref<1x128x128xf32, #tpu.memory_space<vmem>> -> memref<128x128xf32, #tpu.memory_space<vmem>>
            %dma_start3A_357 = arith.constant 0 : i32
            %dma_start3A_358 = arith.constant 0 : i32
            %dma_start3A_359 = tpu.memref_slice %run_scoped3A_28[%rem3A_277, %dma_start3A_357, %dma_start3A_358] : memref<2x1x128xi32, #tpu.memory_space<vmem>> -> memref<1x1x128xi32, #tpu.memory_space<vmem>>
            %dma_start3A_360 = tpu.memref_squeeze %dma_start3A_359 : memref<1x1x128xi32, #tpu.memory_space<vmem>> -> memref<1x128xi32, #tpu.memory_space<vmem>>
            %dma_start3A_361 = arith.constant 0 : i32
            %dma_start3A_362 = tpu.memref_slice %dma_start3A_360[%run_scoped3A_278, %dma_start3A_361] : memref<1x128xi32, #tpu.memory_space<vmem>> -> memref<1x128xi32, #tpu.memory_space<vmem>>
            %dma_start3A_363 = tpu.memref_squeeze %dma_start3A_362 : memref<1x128xi32, #tpu.memory_space<vmem>> -> memref<128xi32, #tpu.memory_space<vmem>>
            %dma_start3A_364 = arith.constant 0 : i32
            %dma_start3A_365 = arith.constant 0 : i32
            %dma_start3A_366 = tpu.memref_slice %arg6[%dma_start3A_364, %dma_start3A_365] : memref<10000x128xf32, #tpu.memory_space<vmem_shared>> -> memref<10000x128xf32, #tpu.memory_space<vmem_shared>>
            tpu.enqueue_indirect_dma source(%dma_start3A_356 : memref<128x128xf32, #tpu.memory_space<vmem>>) target(%dma_start3A_366 : memref<10000x128xf32, #tpu.memory_space<vmem_shared>>) offsets(%dma_start3A_363 : memref<128xi32, #tpu.memory_space<vmem>>) semaphore(%run_scoped3A_352 : memref<!tpu.dma_semaphore, #tpu.memory_space<semaphore_mem>>) {add = true}
            %dma_wait3A = arith.constant 0 : i32
            %dma_wait3A_367 = arith.constant 0 : i32
            %dma_wait3A_368 = tpu.memref_slice %run_scoped3A[%rem3A_275, %dma_wait3A, %dma_wait3A_367] : memref<2x128x128xf32, #tpu.memory_space<vmem>> -> memref<1x128x128xf32, #tpu.memory_space<vmem>>
            %dma_wait3A_369 = tpu.memref_squeeze %dma_wait3A_368 : memref<1x128x128xf32, #tpu.memory_space<vmem>> -> memref<128x128xf32, #tpu.memory_space<vmem>>
            %dma_wait3A_370 = arith.constant 0 : i32
            %dma_wait3A_371 = arith.constant 0 : i32
            %dma_wait3A_372 = tpu.memref_slice %run_scoped3A_28[%rem3A_277, %dma_wait3A_370, %dma_wait3A_371] : memref<2x1x128xi32, #tpu.memory_space<vmem>> -> memref<1x1x128xi32, #tpu.memory_space<vmem>>
            %dma_wait3A_373 = tpu.memref_squeeze %dma_wait3A_372 : memref<1x1x128xi32, #tpu.memory_space<vmem>> -> memref<1x128xi32, #tpu.memory_space<vmem>>
            %dma_wait3A_374 = arith.constant 0 : i32
            %dma_wait3A_375 = tpu.memref_slice %dma_wait3A_373[%run_scoped3A_278, %dma_wait3A_374] : memref<1x128xi32, #tpu.memory_space<vmem>> -> memref<1x128xi32, #tpu.memory_space<vmem>>
            %dma_wait3A_376 = tpu.memref_squeeze %dma_wait3A_375 : memref<1x128xi32, #tpu.memory_space<vmem>> -> memref<128xi32, #tpu.memory_space<vmem>>
            %dma_wait3A_377 = arith.constant 0 : i32
            %dma_wait3A_378 = arith.constant 0 : i32
            %dma_wait3A_379 = tpu.memref_slice %arg6[%dma_wait3A_377, %dma_wait3A_378] : memref<10000x128xf32, #tpu.memory_space<vmem_shared>> -> memref<10000x128xf32, #tpu.memory_space<vmem_shared>>
            tpu.wait_indirect_dma semaphore(%run_scoped3A_352 : memref<!tpu.dma_semaphore, #tpu.memory_space<semaphore_mem>>) src(%dma_wait3A_369 : memref<128x128xf32, #tpu.memory_space<vmem>>) dst(%dma_wait3A_379 : memref<10000x128xf32, #tpu.memory_space<vmem_shared>>)
            tpu.yield
          }) : () -> ()
          "tpu.trace_stop"() : () -> ()
          %ne3A_279 = arith.cmpi ne, %add3A_192, %add3A_210 : i32
          %or3A_280 = arith.constant false
          %or3A_281 = arith.ori %or3A_280, %ne3A_279 : i1
          %or3A_282 = arith.constant false
          %or3A_283 = arith.ori %or3A_281, %or3A_282 : i1
          %or3A_284 = arith.ori %or3A_283, %eq3A_191 : i1
          %convert_element_type3A_285 = arith.extui %or3A_284 : i1 to i32
          %cond3A_286 = arith.constant 0 : i32
          %cond3A_287 = arith.cmpi ne, %convert_element_type3A_285, %cond3A_286 : i32
          scf.if %cond3A_287 {
          } else {
          }
          %and3A_288 = arith.constant false
          %and3A_289 = arith.andi %or3A_284, %and3A_288 : i1
          %ne3A_290 = arith.cmpi ne, %add3A_192, %add3A_210 : i32
          %or3A_291 = arith.constant false
          %or3A_292 = arith.ori %or3A_291, %ne3A_290 : i1
          %or3A_293 = arith.constant false
          %or3A_294 = arith.ori %or3A_292, %or3A_293 : i1
          %or3A_295 = arith.ori %or3A_294, %eq3A_191 : i1
          %convert_element_type3A_296 = arith.extui %or3A_295 : i1 to i32
          %cond3A_297 = arith.constant 0 : i32
          %cond3A_298 = arith.cmpi ne, %convert_element_type3A_296, %cond3A_297 : i32
          scf.if %cond3A_298 {
          } else {
          }
          %and3A_299 = arith.constant false
          %and3A_300 = arith.andi %or3A_295, %and3A_299 : i1
          %ne3A_301 = arith.cmpi ne, %add3A_192, %add3A_202 : i32
          %or3A_302 = arith.constant false
          %or3A_303 = arith.ori %or3A_302, %ne3A_301 : i1
          %or3A_304 = arith.constant false
          %or3A_305 = arith.ori %or3A_303, %or3A_304 : i1
          %not3A_306 = arith.constant true
          %not3A_307 = arith.xori %eq3A_188, %not3A_306 : i1
          %and3A_308 = arith.andi %or3A_305, %not3A_307 : i1
          %convert_element_type3A_309 = arith.extui %and3A_308 : i1 to i32
          %cond3A_310 = arith.constant 0 : i32
          %cond3A_311 = arith.cmpi ne, %convert_element_type3A_309, %cond3A_310 : i32
          scf.if %cond3A_311 {
          } else {
          }
          %and3A_312 = arith.constant false
          %and3A_313 = arith.andi %and3A_308, %and3A_312 : i1
          %ne3A_314 = arith.cmpi ne, %add3A_192, %add3A_202 : i32
          %or3A_315 = arith.constant false
          %or3A_316 = arith.ori %or3A_315, %ne3A_314 : i1
          %or3A_317 = arith.constant false
          %or3A_318 = arith.ori %or3A_316, %or3A_317 : i1
          %not3A_319 = arith.constant true
          %not3A_320 = arith.xori %eq3A_188, %not3A_319 : i1
          %and3A_321 = arith.andi %or3A_318, %not3A_320 : i1
          %convert_element_type3A_322 = arith.extui %and3A_321 : i1 to i32
          %cond3A_323 = arith.constant 0 : i32
          %cond3A_324 = arith.cmpi ne, %convert_element_type3A_322, %cond3A_323 : i32
          scf.if %cond3A_324 {
          } else {
          }
          %and3A_325 = arith.constant false
          %and3A_326 = arith.andi %and3A_321, %and3A_325 : i1
          %ne3A_327 = arith.cmpi ne, %add3A_192, %add3A_210 : i32
          %or3A_328 = arith.constant false
          %or3A_329 = arith.ori %or3A_328, %ne3A_327 : i1
          %or3A_330 = arith.constant false
          %or3A_331 = arith.ori %or3A_329, %or3A_330 : i1
          %or3A_332 = arith.ori %or3A_331, %eq3A_191 : i1
          %add3A_333 = arith.constant 1 : i32
          %add3A_334 = arith.addi %while3A_181, %add3A_333 : i32
          %select_n3A_335 = arith.select %or3A_332, %add3A_334, %while3A_181 : i32
          %ne3A_336 = arith.cmpi ne, %add3A_192, %add3A_210 : i32
          %or3A_337 = arith.constant false
          %or3A_338 = arith.ori %or3A_337, %ne3A_336 : i1
          %or3A_339 = arith.constant false
          %or3A_340 = arith.ori %or3A_338, %or3A_339 : i1
          %or3A_341 = arith.ori %or3A_340, %eq3A_191 : i1
          %add3A_342 = arith.constant 1 : i32
          %add3A_343 = arith.addi %while3A_183, %add3A_342 : i32
          %select_n3A_344 = arith.select %or3A_341, %add3A_343, %while3A_183 : i32
          %add3A_345 = arith.constant 1 : i32
          %add3A_346 = arith.addi %while3A_184, %add3A_345 : i32
          %select_n3A_347 = arith.constant true
          %select_n3A_348 = arith.select %select_n3A_347, %add3A_346, %while3A_184 : i32
          %eq3A_349 = arith.cmpi eq, %select_n3A_348, %select_n3A : i32
          %select_n3A_350 = arith.constant 0 : i32
          %select_n3A_351 = arith.select %eq3A_349, %select_n3A_350, %select_n3A_348 : i32
          scf.yield %select_n3A_234, %select_n3A_335, %select_n3A_255, %select_n3A_344, %select_n3A_351 : i32, i32, i32, i32, i32
        }
        %while3A_126 = arith.constant 1 : i32
        %while3A_127:5 = scf.for %while3A_179 = %while3A_123 to %while3A_119 step %while3A_126 iter_args(%while3A_180 = %while3A_125#0, %while3A_181 = %while3A_125#1, %while3A_182 = %while3A_125#2, %while3A_183 = %while3A_125#3, %while3A_184 = %while3A_125#4) -> (i32, i32, i32, i32, i32)  : i32 {
          %mul3A_185 = arith.constant 1 : i32
          %mul3A_186 = arith.muli %mul3A_185, %select_n3A : i32
          %eq3A_187 = arith.constant 0 : i32
          %eq3A_188 = arith.cmpi eq, %while3A_179, %eq3A_187 : i32
          %sub3A_189 = arith.constant 1 : i32
          %sub3A_190 = arith.subi %mul3A_186, %sub3A_189 : i32
          %eq3A_191 = arith.cmpi eq, %while3A_179, %sub3A_190 : i32
          %add3A_192 = arith.addi %while3A_184, %select_n3A_18 : i32
          %sub3A_193 = arith.constant 1 : i32
          %sub3A_194 = arith.subi %while3A_184, %sub3A_193 : i32
          %select_n3A_195 = arith.constant true
          %select_n3A_196 = arith.select %select_n3A_195, %sub3A_194, %while3A_184 : i32
          %eq3A_197 = arith.constant -1 : i32
          %eq3A_198 = arith.cmpi eq, %select_n3A_196, %eq3A_197 : i32
          %sub3A_199 = arith.constant 1 : i32
          %sub3A_200 = arith.subi %select_n3A, %sub3A_199 : i32
          %select_n3A_201 = arith.select %eq3A_198, %sub3A_200, %select_n3A_196 : i32
          %add3A_202 = arith.addi %select_n3A_201, %select_n3A_18 : i32
          %add3A_203 = arith.constant 1 : i32
          %add3A_204 = arith.addi %while3A_184, %add3A_203 : i32
          %select_n3A_205 = arith.constant true
          %select_n3A_206 = arith.select %select_n3A_205, %add3A_204, %while3A_184 : i32
          %eq3A_207 = arith.cmpi eq, %select_n3A_206, %select_n3A : i32
          %select_n3A_208 = arith.constant 0 : i32
          %select_n3A_209 = arith.select %eq3A_207, %select_n3A_208, %select_n3A_206 : i32
          %add3A_210 = arith.addi %select_n3A_209, %select_n3A_18 : i32
          %add3A_211 = arith.constant 1 : i32
          %add3A_212 = arith.addi %select_n3A_209, %add3A_211 : i32
          %select_n3A_213 = arith.constant true
          %select_n3A_214 = arith.select %select_n3A_213, %add3A_212, %select_n3A_209 : i32
          %eq3A_215 = arith.cmpi eq, %select_n3A_214, %select_n3A : i32
          %select_n3A_216 = arith.constant 0 : i32
          %select_n3A_217 = arith.select %eq3A_215, %select_n3A_216, %select_n3A_214 : i32
          %add3A_218 = arith.addi %select_n3A_217, %select_n3A_18 : i32
          %ne3A = arith.cmpi ne, %add3A_192, %add3A_210 : i32
          %or3A = arith.constant false
          %or3A_219 = arith.ori %or3A, %ne3A : i1
          %or3A_220 = arith.constant false
          %or3A_221 = arith.ori %or3A_219, %or3A_220 : i1
          %sub3A_222 = arith.constant 2 : i32
          %sub3A_223 = arith.subi %mul3A_186, %sub3A_222 : i32
          %add3A_224 = arith.constant 1 : i32
          %add3A_225 = arith.addi %sub3A_223, %add3A_224 : i32
          %ge3A = arith.cmpi sge, %while3A_179, %add3A_225 : i32
          %not3A = arith.constant true
          %not3A_226 = arith.xori %ge3A, %not3A : i1
          %and3A = arith.andi %or3A_221, %not3A_226 : i1
          %convert_element_type3A_227 = arith.extui %and3A : i1 to i32
          %cond3A_228 = arith.constant 0 : i32
          %cond3A_229 = arith.cmpi ne, %convert_element_type3A_227, %cond3A_228 : i32
          scf.if %cond3A_229 {
            "tpu.trace_start"() <{level = 10 : i32, message = "ep_copy_in"}> : () -> ()
            %rem3A_352 = arith.constant 2 : i32
            %rem3A_353 = arith.remui %while3A_180, %rem3A_352 : i32
            %mul3A_354 = arith.constant 128 : i32
            %mul3A_355 = arith.muli %mul3A_354, %add3A_210 : i32
            %dma_start3A_356 = arith.constant 0 : i32
            %dma_start3A_357 = arith.constant 0 : i32
            %dma_start3A_358 = tpu.memref_slice %run_scoped3A[%rem3A_353, %dma_start3A_356, %dma_start3A_357] : memref<2x128x128xf32, #tpu.memory_space<vmem>> -> memref<1x128x128xf32, #tpu.memory_space<vmem>>
            %dma_start3A_359 = tpu.memref_squeeze %dma_start3A_358 : memref<1x128x128xf32, #tpu.memory_space<vmem>> -> memref<128x128xf32, #tpu.memory_space<vmem>>
            %dma_start3A_360 = arith.constant 0 : i32
            %dma_start3A_361 = tpu.memref_slice %arg2[%mul3A_355, %dma_start3A_360] : memref<320000x128xf32, #tpu.memory_space<hbm>> -> memref<128x128xf32, #tpu.memory_space<hbm>>
            %dma_start3A_362 = tpu.memref_slice %run_scoped3A_27[%rem3A_353] : memref<2x!tpu.dma_semaphore, #tpu.memory_space<semaphore_mem>> -> memref<1x!tpu.dma_semaphore, #tpu.memory_space<semaphore_mem>>
            %dma_start3A_363 = tpu.memref_squeeze %dma_start3A_362 : memref<1x!tpu.dma_semaphore, #tpu.memory_space<semaphore_mem>> -> memref<!tpu.dma_semaphore, #tpu.memory_space<semaphore_mem>>
            %dma_start3A_364 = arith.constant 0 : i32
            %dma_start3A_365 = arith.constant 0 : i32
            %dma_start3A_366 = tpu.memref_slice %run_scoped3A[%rem3A_353, %dma_start3A_364, %dma_start3A_365] : memref<2x128x128xf32, #tpu.memory_space<vmem>> -> memref<1x128x128xf32, #tpu.memory_space<vmem>>
            %dma_start3A_367 = tpu.memref_squeeze %dma_start3A_366 : memref<1x128x128xf32, #tpu.memory_space<vmem>> -> memref<128x128xf32, #tpu.memory_space<vmem>>
            %dma_start3A_368 = arith.constant 0 : i32
            %dma_start3A_369 = tpu.memref_slice %arg2[%mul3A_355, %dma_start3A_368] : memref<320000x128xf32, #tpu.memory_space<hbm>> -> memref<128x128xf32, #tpu.memory_space<hbm>>
            tpu.enqueue_dma source(%dma_start3A_369 : memref<128x128xf32, #tpu.memory_space<hbm>>) target(%dma_start3A_367 : memref<128x128xf32, #tpu.memory_space<vmem>>) target_semaphore(%dma_start3A_363 : memref<!tpu.dma_semaphore, #tpu.memory_space<semaphore_mem>>)
            "tpu.trace_stop"() : () -> ()
          } else {
          }
          %and3A_230 = arith.constant true
          %and3A_231 = arith.andi %and3A, %and3A_230 : i1
          %add3A_232 = arith.constant 1 : i32
          %add3A_233 = arith.addi %while3A_180, %add3A_232 : i32
          %select_n3A_234 = arith.select %and3A_231, %add3A_233, %while3A_180 : i32
          %ne3A_235 = arith.cmpi ne, %add3A_192, %add3A_210 : i32
          %or3A_236 = arith.constant false
          %or3A_237 = arith.ori %or3A_236, %ne3A_235 : i1
          %or3A_238 = arith.constant false
          %or3A_239 = arith.ori %or3A_237, %or3A_238 : i1
          %sub3A_240 = arith.constant 2 : i32
          %sub3A_241 = arith.subi %mul3A_186, %sub3A_240 : i32
          %add3A_242 = arith.constant 1 : i32
          %add3A_243 = arith.addi %sub3A_241, %add3A_242 : i32
          %ge3A_244 = arith.cmpi sge, %while3A_179, %add3A_243 : i32
          %not3A_245 = arith.constant true
          %not3A_246 = arith.xori %ge3A_244, %not3A_245 : i1
          %and3A_247 = arith.andi %or3A_239, %not3A_246 : i1
          %convert_element_type3A_248 = arith.extui %and3A_247 : i1 to i32
          %cond3A_249 = arith.constant 0 : i32
          %cond3A_250 = arith.cmpi ne, %convert_element_type3A_248, %cond3A_249 : i32
          scf.if %cond3A_250 {
            "tpu.trace_start"() <{level = 10 : i32, message = "ep_copy_in"}> : () -> ()
            %rem3A_352 = arith.constant 2 : i32
            %rem3A_353 = arith.remui %while3A_182, %rem3A_352 : i32
            %mul3A_354 = arith.constant 1 : i32
            %mul3A_355 = arith.muli %mul3A_354, %add3A_210 : i32
            %dma_start3A_356 = arith.constant 0 : i32
            %dma_start3A_357 = arith.constant 0 : i32
            %dma_start3A_358 = tpu.memref_slice %run_scoped3A_28[%rem3A_353, %dma_start3A_356, %dma_start3A_357] : memref<2x1x128xi32, #tpu.memory_space<vmem>> -> memref<1x1x128xi32, #tpu.memory_space<vmem>>
            %dma_start3A_359 = tpu.memref_squeeze %dma_start3A_358 : memref<1x1x128xi32, #tpu.memory_space<vmem>> -> memref<1x128xi32, #tpu.memory_space<vmem>>
            %dma_start3A_360 = arith.constant 0 : i32
            %dma_start3A_361 = tpu.memref_slice %arg3[%mul3A_355, %dma_start3A_360] : memref<2500x128xi32, #tpu.memory_space<hbm>> -> memref<1x128xi32, #tpu.memory_space<hbm>>
            %dma_start3A_362 = tpu.memref_slice %run_scoped3A_29[%rem3A_353] : memref<2x!tpu.dma_semaphore, #tpu.memory_space<semaphore_mem>> -> memref<1x!tpu.dma_semaphore, #tpu.memory_space<semaphore_mem>>
            %dma_start3A_363 = tpu.memref_squeeze %dma_start3A_362 : memref<1x!tpu.dma_semaphore, #tpu.memory_space<semaphore_mem>> -> memref<!tpu.dma_semaphore, #tpu.memory_space<semaphore_mem>>
            %dma_start3A_364 = arith.constant 0 : i32
            %dma_start3A_365 = arith.constant 0 : i32
            %dma_start3A_366 = tpu.memref_slice %run_scoped3A_28[%rem3A_353, %dma_start3A_364, %dma_start3A_365] : memref<2x1x128xi32, #tpu.memory_space<vmem>> -> memref<1x1x128xi32, #tpu.memory_space<vmem>>
            %dma_start3A_367 = tpu.memref_squeeze %dma_start3A_366 : memref<1x1x128xi32, #tpu.memory_space<vmem>> -> memref<1x128xi32, #tpu.memory_space<vmem>>
            %dma_start3A_368 = arith.constant 0 : i32
            %dma_start3A_369 = tpu.memref_slice %arg3[%mul3A_355, %dma_start3A_368] : memref<2500x128xi32, #tpu.memory_space<hbm>> -> memref<1x128xi32, #tpu.memory_space<hbm>>
            tpu.enqueue_dma source(%dma_start3A_369 : memref<1x128xi32, #tpu.memory_space<hbm>>) target(%dma_start3A_367 : memref<1x128xi32, #tpu.memory_space<vmem>>) target_semaphore(%dma_start3A_363 : memref<!tpu.dma_semaphore, #tpu.memory_space<semaphore_mem>>)
            "tpu.trace_stop"() : () -> ()
          } else {
          }
          %and3A_251 = arith.constant true
          %and3A_252 = arith.andi %and3A_247, %and3A_251 : i1
          %add3A_253 = arith.constant 1 : i32
          %add3A_254 = arith.addi %while3A_182, %add3A_253 : i32
          %select_n3A_255 = arith.select %and3A_252, %add3A_254, %while3A_182 : i32
          %ne3A_256 = arith.cmpi ne, %add3A_192, %add3A_202 : i32
          %or3A_257 = arith.constant false
          %or3A_258 = arith.ori %or3A_257, %ne3A_256 : i1
          %or3A_259 = arith.constant false
          %or3A_260 = arith.ori %or3A_258, %or3A_259 : i1
          %or3A_261 = arith.ori %or3A_260, %eq3A_188 : i1
          %convert_element_type3A_262 = arith.extui %or3A_261 : i1 to i32
          %cond3A_263 = arith.constant 0 : i32
          %cond3A_264 = arith.cmpi ne, %convert_element_type3A_262, %cond3A_263 : i32
          scf.if %cond3A_264 {
            "tpu.trace_start"() <{level = 10 : i32, message = "ep_wait_in"}> : () -> ()
            %mul3A_352 = arith.constant 128 : i32
            %mul3A_353 = arith.muli %mul3A_352, %add3A_192 : i32
            %rem3A_354 = arith.constant 2 : i32
            %rem3A_355 = arith.remui %while3A_181, %rem3A_354 : i32
            %dma_wait3A = arith.constant 0 : i32
            %dma_wait3A_356 = arith.constant 0 : i32
            %dma_wait3A_357 = tpu.memref_slice %run_scoped3A[%rem3A_355, %dma_wait3A, %dma_wait3A_356] : memref<2x128x128xf32, #tpu.memory_space<vmem>> -> memref<1x128x128xf32, #tpu.memory_space<vmem>>
            %dma_wait3A_358 = tpu.memref_squeeze %dma_wait3A_357 : memref<1x128x128xf32, #tpu.memory_space<vmem>> -> memref<128x128xf32, #tpu.memory_space<vmem>>
            %dma_wait3A_359 = arith.constant 0 : i32
            %dma_wait3A_360 = tpu.memref_slice %arg2[%mul3A_353, %dma_wait3A_359] : memref<320000x128xf32, #tpu.memory_space<hbm>> -> memref<128x128xf32, #tpu.memory_space<hbm>>
            %dma_wait3A_361 = tpu.memref_slice %run_scoped3A_27[%rem3A_355] : memref<2x!tpu.dma_semaphore, #tpu.memory_space<semaphore_mem>> -> memref<1x!tpu.dma_semaphore, #tpu.memory_space<semaphore_mem>>
            %dma_wait3A_362 = tpu.memref_squeeze %dma_wait3A_361 : memref<1x!tpu.dma_semaphore, #tpu.memory_space<semaphore_mem>> -> memref<!tpu.dma_semaphore, #tpu.memory_space<semaphore_mem>>
            %dma_wait3A_363 = arith.constant 0 : i32
            %dma_wait3A_364 = arith.constant 0 : i32
            %dma_wait3A_365 = tpu.memref_slice %run_scoped3A[%rem3A_355, %dma_wait3A_363, %dma_wait3A_364] : memref<2x128x128xf32, #tpu.memory_space<vmem>> -> memref<1x128x128xf32, #tpu.memory_space<vmem>>
            %dma_wait3A_366 = tpu.memref_squeeze %dma_wait3A_365 : memref<1x128x128xf32, #tpu.memory_space<vmem>> -> memref<128x128xf32, #tpu.memory_space<vmem>>
            %dma_wait3A_367 = arith.constant 0 : i32
            %dma_wait3A_368 = tpu.memref_slice %arg2[%mul3A_353, %dma_wait3A_367] : memref<320000x128xf32, #tpu.memory_space<hbm>> -> memref<128x128xf32, #tpu.memory_space<hbm>>
            tpu.wait_dma2 semaphore(%dma_wait3A_362 : memref<!tpu.dma_semaphore, #tpu.memory_space<semaphore_mem>>) src(%dma_wait3A_368 : memref<128x128xf32, #tpu.memory_space<hbm>>) dst(%dma_wait3A_366 : memref<128x128xf32, #tpu.memory_space<vmem>>)
            "tpu.trace_stop"() : () -> ()
          } else {
          }
          %ne3A_265 = arith.cmpi ne, %add3A_192, %add3A_202 : i32
          %or3A_266 = arith.constant false
          %or3A_267 = arith.ori %or3A_266, %ne3A_265 : i1
          %or3A_268 = arith.constant false
          %or3A_269 = arith.ori %or3A_267, %or3A_268 : i1
          %or3A_270 = arith.ori %or3A_269, %eq3A_188 : i1
          %convert_element_type3A_271 = arith.extui %or3A_270 : i1 to i32
          %cond3A_272 = arith.constant 0 : i32
          %cond3A_273 = arith.cmpi ne, %convert_element_type3A_271, %cond3A_272 : i32
          scf.if %cond3A_273 {
            "tpu.trace_start"() <{level = 10 : i32, message = "ep_wait_in"}> : () -> ()
            %mul3A_352 = arith.constant 1 : i32
            %mul3A_353 = arith.muli %mul3A_352, %add3A_192 : i32
            %rem3A_354 = arith.constant 2 : i32
            %rem3A_355 = arith.remui %while3A_183, %rem3A_354 : i32
            %dma_wait3A = arith.constant 0 : i32
            %dma_wait3A_356 = arith.constant 0 : i32
            %dma_wait3A_357 = tpu.memref_slice %run_scoped3A_28[%rem3A_355, %dma_wait3A, %dma_wait3A_356] : memref<2x1x128xi32, #tpu.memory_space<vmem>> -> memref<1x1x128xi32, #tpu.memory_space<vmem>>
            %dma_wait3A_358 = tpu.memref_squeeze %dma_wait3A_357 : memref<1x1x128xi32, #tpu.memory_space<vmem>> -> memref<1x128xi32, #tpu.memory_space<vmem>>
            %dma_wait3A_359 = arith.constant 0 : i32
            %dma_wait3A_360 = tpu.memref_slice %arg3[%mul3A_353, %dma_wait3A_359] : memref<2500x128xi32, #tpu.memory_space<hbm>> -> memref<1x128xi32, #tpu.memory_space<hbm>>
            %dma_wait3A_361 = tpu.memref_slice %run_scoped3A_29[%rem3A_355] : memref<2x!tpu.dma_semaphore, #tpu.memory_space<semaphore_mem>> -> memref<1x!tpu.dma_semaphore, #tpu.memory_space<semaphore_mem>>
            %dma_wait3A_362 = tpu.memref_squeeze %dma_wait3A_361 : memref<1x!tpu.dma_semaphore, #tpu.memory_space<semaphore_mem>> -> memref<!tpu.dma_semaphore, #tpu.memory_space<semaphore_mem>>
            %dma_wait3A_363 = arith.constant 0 : i32
            %dma_wait3A_364 = arith.constant 0 : i32
            %dma_wait3A_365 = tpu.memref_slice %run_scoped3A_28[%rem3A_355, %dma_wait3A_363, %dma_wait3A_364] : memref<2x1x128xi32, #tpu.memory_space<vmem>> -> memref<1x1x128xi32, #tpu.memory_space<vmem>>
            %dma_wait3A_366 = tpu.memref_squeeze %dma_wait3A_365 : memref<1x1x128xi32, #tpu.memory_space<vmem>> -> memref<1x128xi32, #tpu.memory_space<vmem>>
            %dma_wait3A_367 = arith.constant 0 : i32
            %dma_wait3A_368 = tpu.memref_slice %arg3[%mul3A_353, %dma_wait3A_367] : memref<2500x128xi32, #tpu.memory_space<hbm>> -> memref<1x128xi32, #tpu.memory_space<hbm>>
            tpu.wait_dma2 semaphore(%dma_wait3A_362 : memref<!tpu.dma_semaphore, #tpu.memory_space<semaphore_mem>>) src(%dma_wait3A_368 : memref<1x128xi32, #tpu.memory_space<hbm>>) dst(%dma_wait3A_366 : memref<1x128xi32, #tpu.memory_space<vmem>>)
            "tpu.trace_stop"() : () -> ()
          } else {
          }
          %rem3A_274 = arith.constant 2 : i32
          %rem3A_275 = arith.remui %while3A_181, %rem3A_274 : i32
          %rem3A_276 = arith.constant 2 : i32
          %rem3A_277 = arith.remui %while3A_183, %rem3A_276 : i32
          %run_scoped3A_278 = arith.constant 0 : i32
          "tpu.trace_start"() <{level = 10 : i32, message = "ep_run_kernel"}> : () -> ()
          "tpu.region"() ({
            %run_scoped3A_352 = tpu.sem_alloc : memref<!tpu.dma_semaphore, #tpu.memory_space<semaphore_mem>>
            %dma_start3A_353 = arith.constant 0 : i32
            %dma_start3A_354 = arith.constant 0 : i32
            %dma_start3A_355 = tpu.memref_slice %run_scoped3A[%rem3A_275, %dma_start3A_353, %dma_start3A_354] : memref<2x128x128xf32, #tpu.memory_space<vmem>> -> memref<1x128x128xf32, #tpu.memory_space<vmem>>
            %dma_start3A_356 = tpu.memref_squeeze %dma_start3A_355 : memref<1x128x128xf32, #tpu.memory_space<vmem>> -> memref<128x128xf32, #tpu.memory_space<vmem>>
            %dma_start3A_357 = arith.constant 0 : i32
            %dma_start3A_358 = arith.constant 0 : i32
            %dma_start3A_359 = tpu.memref_slice %run_scoped3A_28[%rem3A_277, %dma_start3A_357, %dma_start3A_358] : memref<2x1x128xi32, #tpu.memory_space<vmem>> -> memref<1x1x128xi32, #tpu.memory_space<vmem>>
            %dma_start3A_360 = tpu.memref_squeeze %dma_start3A_359 : memref<1x1x128xi32, #tpu.memory_space<vmem>> -> memref<1x128xi32, #tpu.memory_space<vmem>>
            %dma_start3A_361 = arith.constant 0 : i32
            %dma_start3A_362 = tpu.memref_slice %dma_start3A_360[%run_scoped3A_278, %dma_start3A_361] : memref<1x128xi32, #tpu.memory_space<vmem>> -> memref<1x128xi32, #tpu.memory_space<vmem>>
            %dma_start3A_363 = tpu.memref_squeeze %dma_start3A_362 : memref<1x128xi32, #tpu.memory_space<vmem>> -> memref<128xi32, #tpu.memory_space<vmem>>
            %dma_start3A_364 = arith.constant 0 : i32
            %dma_start3A_365 = arith.constant 0 : i32
            %dma_start3A_366 = tpu.memref_slice %arg6[%dma_start3A_364, %dma_start3A_365] : memref<10000x128xf32, #tpu.memory_space<vmem_shared>> -> memref<10000x128xf32, #tpu.memory_space<vmem_shared>>
            tpu.enqueue_indirect_dma source(%dma_start3A_356 : memref<128x128xf32, #tpu.memory_space<vmem>>) target(%dma_start3A_366 : memref<10000x128xf32, #tpu.memory_space<vmem_shared>>) offsets(%dma_start3A_363 : memref<128xi32, #tpu.memory_space<vmem>>) semaphore(%run_scoped3A_352 : memref<!tpu.dma_semaphore, #tpu.memory_space<semaphore_mem>>) {add = true}
            %dma_wait3A = arith.constant 0 : i32
            %dma_wait3A_367 = arith.constant 0 : i32
            %dma_wait3A_368 = tpu.memref_slice %run_scoped3A[%rem3A_275, %dma_wait3A, %dma_wait3A_367] : memref<2x128x128xf32, #tpu.memory_space<vmem>> -> memref<1x128x128xf32, #tpu.memory_space<vmem>>
            %dma_wait3A_369 = tpu.memref_squeeze %dma_wait3A_368 : memref<1x128x128xf32, #tpu.memory_space<vmem>> -> memref<128x128xf32, #tpu.memory_space<vmem>>
            %dma_wait3A_370 = arith.constant 0 : i32
            %dma_wait3A_371 = arith.constant 0 : i32
            %dma_wait3A_372 = tpu.memref_slice %run_scoped3A_28[%rem3A_277, %dma_wait3A_370, %dma_wait3A_371] : memref<2x1x128xi32, #tpu.memory_space<vmem>> -> memref<1x1x128xi32, #tpu.memory_space<vmem>>
            %dma_wait3A_373 = tpu.memref_squeeze %dma_wait3A_372 : memref<1x1x128xi32, #tpu.memory_space<vmem>> -> memref<1x128xi32, #tpu.memory_space<vmem>>
            %dma_wait3A_374 = arith.constant 0 : i32
            %dma_wait3A_375 = tpu.memref_slice %dma_wait3A_373[%run_scoped3A_278, %dma_wait3A_374] : memref<1x128xi32, #tpu.memory_space<vmem>> -> memref<1x128xi32, #tpu.memory_space<vmem>>
            %dma_wait3A_376 = tpu.memref_squeeze %dma_wait3A_375 : memref<1x128xi32, #tpu.memory_space<vmem>> -> memref<128xi32, #tpu.memory_space<vmem>>
            %dma_wait3A_377 = arith.constant 0 : i32
            %dma_wait3A_378 = arith.constant 0 : i32
            %dma_wait3A_379 = tpu.memref_slice %arg6[%dma_wait3A_377, %dma_wait3A_378] : memref<10000x128xf32, #tpu.memory_space<vmem_shared>> -> memref<10000x128xf32, #tpu.memory_space<vmem_shared>>
            tpu.wait_indirect_dma semaphore(%run_scoped3A_352 : memref<!tpu.dma_semaphore, #tpu.memory_space<semaphore_mem>>) src(%dma_wait3A_369 : memref<128x128xf32, #tpu.memory_space<vmem>>) dst(%dma_wait3A_379 : memref<10000x128xf32, #tpu.memory_space<vmem_shared>>)
            tpu.yield
          }) : () -> ()
          "tpu.trace_stop"() : () -> ()
          %ne3A_279 = arith.cmpi ne, %add3A_192, %add3A_210 : i32
          %or3A_280 = arith.constant false
          %or3A_281 = arith.ori %or3A_280, %ne3A_279 : i1
          %or3A_282 = arith.constant false
          %or3A_283 = arith.ori %or3A_281, %or3A_282 : i1
          %or3A_284 = arith.ori %or3A_283, %eq3A_191 : i1
          %convert_element_type3A_285 = arith.extui %or3A_284 : i1 to i32
          %cond3A_286 = arith.constant 0 : i32
          %cond3A_287 = arith.cmpi ne, %convert_element_type3A_285, %cond3A_286 : i32
          scf.if %cond3A_287 {
          } else {
          }
          %and3A_288 = arith.constant false
          %and3A_289 = arith.andi %or3A_284, %and3A_288 : i1
          %ne3A_290 = arith.cmpi ne, %add3A_192, %add3A_210 : i32
          %or3A_291 = arith.constant false
          %or3A_292 = arith.ori %or3A_291, %ne3A_290 : i1
          %or3A_293 = arith.constant false
          %or3A_294 = arith.ori %or3A_292, %or3A_293 : i1
          %or3A_295 = arith.ori %or3A_294, %eq3A_191 : i1
          %convert_element_type3A_296 = arith.extui %or3A_295 : i1 to i32
          %cond3A_297 = arith.constant 0 : i32
          %cond3A_298 = arith.cmpi ne, %convert_element_type3A_296, %cond3A_297 : i32
          scf.if %cond3A_298 {
          } else {
          }
          %and3A_299 = arith.constant false
          %and3A_300 = arith.andi %or3A_295, %and3A_299 : i1
          %ne3A_301 = arith.cmpi ne, %add3A_192, %add3A_202 : i32
          %or3A_302 = arith.constant false
          %or3A_303 = arith.ori %or3A_302, %ne3A_301 : i1
          %or3A_304 = arith.constant false
          %or3A_305 = arith.ori %or3A_303, %or3A_304 : i1
          %not3A_306 = arith.constant true
          %not3A_307 = arith.xori %eq3A_188, %not3A_306 : i1
          %and3A_308 = arith.andi %or3A_305, %not3A_307 : i1
          %convert_element_type3A_309 = arith.extui %and3A_308 : i1 to i32
          %cond3A_310 = arith.constant 0 : i32
          %cond3A_311 = arith.cmpi ne, %convert_element_type3A_309, %cond3A_310 : i32
          scf.if %cond3A_311 {
          } else {
          }
          %and3A_312 = arith.constant false
          %and3A_313 = arith.andi %and3A_308, %and3A_312 : i1
          %ne3A_314 = arith.cmpi ne, %add3A_192, %add3A_202 : i32
          %or3A_315 = arith.constant false
          %or3A_316 = arith.ori %or3A_315, %ne3A_314 : i1
          %or3A_317 = arith.constant false
          %or3A_318 = arith.ori %or3A_316, %or3A_317 : i1
          %not3A_319 = arith.constant true
          %not3A_320 = arith.xori %eq3A_188, %not3A_319 : i1
          %and3A_321 = arith.andi %or3A_318, %not3A_320 : i1
          %convert_element_type3A_322 = arith.extui %and3A_321 : i1 to i32
          %cond3A_323 = arith.constant 0 : i32
          %cond3A_324 = arith.cmpi ne, %convert_element_type3A_322, %cond3A_323 : i32
          scf.if %cond3A_324 {
          } else {
          }
          %and3A_325 = arith.constant false
          %and3A_326 = arith.andi %and3A_321, %and3A_325 : i1
          %ne3A_327 = arith.cmpi ne, %add3A_192, %add3A_210 : i32
          %or3A_328 = arith.constant false
          %or3A_329 = arith.ori %or3A_328, %ne3A_327 : i1
          %or3A_330 = arith.constant false
          %or3A_331 = arith.ori %or3A_329, %or3A_330 : i1
          %or3A_332 = arith.ori %or3A_331, %eq3A_191 : i1
          %add3A_333 = arith.constant 1 : i32
          %add3A_334 = arith.addi %while3A_181, %add3A_333 : i32
          %select_n3A_335 = arith.select %or3A_332, %add3A_334, %while3A_181 : i32
          %ne3A_336 = arith.cmpi ne, %add3A_192, %add3A_210 : i32
          %or3A_337 = arith.constant false
          %or3A_338 = arith.ori %or3A_337, %ne3A_336 : i1
          %or3A_339 = arith.constant false
          %or3A_340 = arith.ori %or3A_338, %or3A_339 : i1
          %or3A_341 = arith.ori %or3A_340, %eq3A_191 : i1
          %add3A_342 = arith.constant 1 : i32
          %add3A_343 = arith.addi %while3A_183, %add3A_342 : i32
          %select_n3A_344 = arith.select %or3A_341, %add3A_343, %while3A_183 : i32
          %add3A_345 = arith.constant 1 : i32
          %add3A_346 = arith.addi %while3A_184, %add3A_345 : i32
          %select_n3A_347 = arith.constant true
          %select_n3A_348 = arith.select %select_n3A_347, %add3A_346, %while3A_184 : i32
          %eq3A_349 = arith.cmpi eq, %select_n3A_348, %select_n3A : i32
          %select_n3A_350 = arith.constant 0 : i32
          %select_n3A_351 = arith.select %eq3A_349, %select_n3A_350, %select_n3A_348 : i32
          scf.yield %select_n3A_234, %select_n3A_335, %select_n3A_255, %select_n3A_344, %select_n3A_351 : i32, i32, i32, i32, i32
        }
        %sub3A_128 = arith.constant 1 : i32
        %sub3A_129 = arith.subi %while3A_127#4, %sub3A_128 : i32
        %select_n3A_130 = arith.constant true
        %select_n3A_131 = arith.select %select_n3A_130, %sub3A_129, %while3A_127#4 : i32
        %eq3A_132 = arith.constant -1 : i32
        %eq3A_133 = arith.cmpi eq, %select_n3A_131, %eq3A_132 : i32
        %sub3A_134 = arith.constant 1 : i32
        %sub3A_135 = arith.subi %select_n3A, %sub3A_134 : i32
        %select_n3A_136 = arith.select %eq3A_133, %sub3A_135, %select_n3A_131 : i32
        %sub3A_137 = arith.constant 1 : i32
        %sub3A_138 = arith.subi %mul3A_20, %sub3A_137 : i32
        %mul3A_139 = arith.constant 1 : i32
        %mul3A_140 = arith.muli %mul3A_139, %select_n3A : i32
        %eq3A_141 = arith.constant 0 : i32
        %eq3A_142 = arith.cmpi eq, %sub3A_138, %eq3A_141 : i32
        %sub3A_143 = arith.constant 1 : i32
        %sub3A_144 = arith.subi %mul3A_140, %sub3A_143 : i32
        %eq3A_145 = arith.cmpi eq, %sub3A_138, %sub3A_144 : i32
        %add3A_146 = arith.addi %select_n3A_136, %select_n3A_18 : i32
        %sub3A_147 = arith.constant 1 : i32
        %sub3A_148 = arith.subi %select_n3A_136, %sub3A_147 : i32
        %select_n3A_149 = arith.constant true
        %select_n3A_150 = arith.select %select_n3A_149, %sub3A_148, %select_n3A_136 : i32
        %eq3A_151 = arith.constant -1 : i32
        %eq3A_152 = arith.cmpi eq, %select_n3A_150, %eq3A_151 : i32
        %sub3A_153 = arith.constant 1 : i32
        %sub3A_154 = arith.subi %select_n3A, %sub3A_153 : i32
        %select_n3A_155 = arith.select %eq3A_152, %sub3A_154, %select_n3A_150 : i32
        %add3A_156 = arith.addi %select_n3A_155, %select_n3A_18 : i32
        %add3A_157 = arith.constant 1 : i32
        %add3A_158 = arith.addi %select_n3A_136, %add3A_157 : i32
        %select_n3A_159 = arith.constant true
        %select_n3A_160 = arith.select %select_n3A_159, %add3A_158, %select_n3A_136 : i32
        %eq3A_161 = arith.cmpi eq, %select_n3A_160, %select_n3A : i32
        %select_n3A_162 = arith.constant 0 : i32
        %select_n3A_163 = arith.select %eq3A_161, %select_n3A_162, %select_n3A_160 : i32
        %add3A_164 = arith.addi %select_n3A_163, %select_n3A_18 : i32
        %add3A_165 = arith.constant 1 : i32
        %add3A_166 = arith.addi %select_n3A_163, %add3A_165 : i32
        %select_n3A_167 = arith.constant true
        %select_n3A_168 = arith.select %select_n3A_167, %add3A_166, %select_n3A_163 : i32
        %eq3A_169 = arith.cmpi eq, %select_n3A_168, %select_n3A : i32
        %select_n3A_170 = arith.constant 0 : i32
        %select_n3A_171 = arith.select %eq3A_169, %select_n3A_170, %select_n3A_168 : i32
        %add3A_172 = arith.addi %select_n3A_171, %select_n3A_18 : i32
        %convert_element_type3A_173 = arith.extui %eq3A_145 : i1 to i32
        %cond3A_174 = arith.constant 0 : i32
        %cond3A_175 = arith.cmpi ne, %convert_element_type3A_173, %cond3A_174 : i32
        scf.if %cond3A_175 {
        } else {
        }
        %convert_element_type3A_176 = arith.extui %eq3A_145 : i1 to i32
        %cond3A_177 = arith.constant 0 : i32
        %cond3A_178 = arith.cmpi ne, %convert_element_type3A_176, %cond3A_177 : i32
        scf.if %cond3A_178 {
        } else {
        }
      } else {
      }
      tpu.yield
    }) : () -> ()
    %barrier3A_21 = arith.constant 0 : index
    tpu.barrier barrier_id(%barrier3A_21)
    "tpu.region"() ({
      %run_scoped3A = tpu.sem_alloc : memref<!tpu.dma_semaphore, #tpu.memory_space<semaphore_mem>>
      %dma_start3A = arith.constant 0 : i32
      %dma_start3A_27 = tpu.memref_slice %arg5[%arg0, %mul3A_0, %dma_start3A] : memref<2x10000x128xf32, #tpu.memory_space<hbm>> -> memref<1x624x128xf32, #tpu.memory_space<hbm>>
      %dma_start3A_28 = tpu.memref_squeeze %dma_start3A_27 : memref<1x624x128xf32, #tpu.memory_space<hbm>> -> memref<624x128xf32, #tpu.memory_space<hbm>>
      %dma_start3A_29 = arith.constant 0 : i32
      %dma_start3A_30 = tpu.memref_slice %arg6[%mul3A_0, %dma_start3A_29] : memref<10000x128xf32, #tpu.memory_space<vmem_shared>> -> memref<624x128xf32, #tpu.memory_space<vmem_shared>>
      tpu.enqueue_dma source(%dma_start3A_30 : memref<624x128xf32, #tpu.memory_space<vmem_shared>>) target(%dma_start3A_28 : memref<624x128xf32, #tpu.memory_space<hbm>>) target_semaphore(%run_scoped3A : memref<!tpu.dma_semaphore, #tpu.memory_space<semaphore_mem>>)
      %dma_wait3A = arith.constant 0 : i32
      %dma_wait3A_31 = tpu.memref_slice %arg5[%arg0, %mul3A_0, %dma_wait3A] : memref<2x10000x128xf32, #tpu.memory_space<hbm>> -> memref<1x624x128xf32, #tpu.memory_space<hbm>>
      %dma_wait3A_32 = tpu.memref_squeeze %dma_wait3A_31 : memref<1x624x128xf32, #tpu.memory_space<hbm>> -> memref<624x128xf32, #tpu.memory_space<hbm>>
      %dma_wait3A_33 = arith.constant 0 : i32
      %dma_wait3A_34 = tpu.memref_slice %arg6[%mul3A_0, %dma_wait3A_33] : memref<10000x128xf32, #tpu.memory_space<vmem_shared>> -> memref<624x128xf32, #tpu.memory_space<vmem_shared>>
      tpu.wait_dma2 semaphore(%run_scoped3A : memref<!tpu.dma_semaphore, #tpu.memory_space<semaphore_mem>>) src(%dma_wait3A_34 : memref<624x128xf32, #tpu.memory_space<vmem_shared>>) dst(%dma_wait3A_32 : memref<624x128xf32, #tpu.memory_space<hbm>>)
      tpu.yield
    }) : () -> ()
    %eq3A_22 = arith.constant 15 : i32
    %eq3A_23 = arith.cmpi eq, %arg1, %eq3A_22 : i32
    %convert_element_type3A_24 = arith.extui %eq3A_23 : i1 to i32
    %cond3A_25 = arith.constant 0 : i32
    %cond3A_26 = arith.cmpi ne, %convert_element_type3A_24, %cond3A_25 : i32
    scf.if %cond3A_26 {
      "tpu.region"() ({
        %run_scoped3A = tpu.sem_alloc : memref<!tpu.dma_semaphore, #tpu.memory_space<semaphore_mem>>
        %dma_start3A = arith.constant 9984 : i32
        %dma_start3A_27 = arith.constant 0 : i32
        %dma_start3A_28 = tpu.memref_slice %arg5[%arg0, %dma_start3A, %dma_start3A_27] : memref<2x10000x128xf32, #tpu.memory_space<hbm>> -> memref<1x16x128xf32, #tpu.memory_space<hbm>>
        %dma_start3A_29 = tpu.memref_squeeze %dma_start3A_28 : memref<1x16x128xf32, #tpu.memory_space<hbm>> -> memref<16x128xf32, #tpu.memory_space<hbm>>
        %dma_start3A_30 = arith.constant 9984 : i32
        %dma_start3A_31 = arith.constant 0 : i32
        %dma_start3A_32 = tpu.memref_slice %arg6[%dma_start3A_30, %dma_start3A_31] : memref<10000x128xf32, #tpu.memory_space<vmem_shared>> -> memref<16x128xf32, #tpu.memory_space<vmem_shared>>
        tpu.enqueue_dma source(%dma_start3A_32 : memref<16x128xf32, #tpu.memory_space<vmem_shared>>) target(%dma_start3A_29 : memref<16x128xf32, #tpu.memory_space<hbm>>) target_semaphore(%run_scoped3A : memref<!tpu.dma_semaphore, #tpu.memory_space<semaphore_mem>>)
        %dma_wait3A = arith.constant 9984 : i32
        %dma_wait3A_33 = arith.constant 0 : i32
        %dma_wait3A_34 = tpu.memref_slice %arg5[%arg0, %dma_wait3A, %dma_wait3A_33] : memref<2x10000x128xf32, #tpu.memory_space<hbm>> -> memref<1x16x128xf32, #tpu.memory_space<hbm>>
        %dma_wait3A_35 = tpu.memref_squeeze %dma_wait3A_34 : memref<1x16x128xf32, #tpu.memory_space<hbm>> -> memref<16x128xf32, #tpu.memory_space<hbm>>
        %dma_wait3A_36 = arith.constant 9984 : i32
        %dma_wait3A_37 = arith.constant 0 : i32
        %dma_wait3A_38 = tpu.memref_slice %arg6[%dma_wait3A_36, %dma_wait3A_37] : memref<10000x128xf32, #tpu.memory_space<vmem_shared>> -> memref<16x128xf32, #tpu.memory_space<vmem_shared>>
        tpu.wait_dma2 semaphore(%run_scoped3A : memref<!tpu.dma_semaphore, #tpu.memory_space<semaphore_mem>>) src(%dma_wait3A_38 : memref<16x128xf32, #tpu.memory_space<vmem_shared>>) dst(%dma_wait3A_35 : memref<16x128xf32, #tpu.memory_space<hbm>>)
        tpu.yield
      }) : () -> ()
    } else {
    }
    return
  }
}

#map = affine_map<(d0, d1) -> (0, 0)>
module attributes {stable_mosaic.version = 14 : i64} {
  func.func @k(%arg0: i32, %arg1: i32, %arg2: memref<10000x128xf32, #tpu.memory_space<hbm>>, %arg3: memref<10000x128xf32, #tpu.memory_space<hbm>>, %arg4: memref<2500x128xi32, #tpu.memory_space<hbm>>, %arg5: memref<2500x128xi32, #tpu.memory_space<hbm>>, %arg6: memref<320000x128xf32, #tpu.memory_space<hbm>>, %arg7: memref<320000x128xf32, #tpu.memory_space<hbm>>, %arg8: memref<!tpu.dma_semaphore, #tpu.memory_space<semaphore_mem>>, %arg9: memref<!tpu.dma_semaphore, #tpu.memory_space<semaphore_mem>>) attributes {dimension_semantics = [#tpu.dimension_semantics<core_parallel>, #tpu.dimension_semantics<subcore_parallel>], iteration_bounds = array<i64: 2, 16>, scalar_prefetch = 0 : i64, scratch_operands = 2 : i64, tpu.core_type = #tpu.core_type<sc_vector_subcore>, window_params = [{transform_indices = #map}, {transform_indices = #map}, {transform_indices = #map}, {transform_indices = #map}, {transform_indices = #map}, {transform_indices = #map}]} {
    %mul3A = arith.constant 1 : i32
    %mul3A_0 = arith.muli %arg1, %mul3A : i32
    %add3A = arith.constant 0 : i32
    %add3A_1 = arith.addi %add3A, %mul3A_0 : i32
    %mul3A_2 = arith.constant 16 : i32
    %mul3A_3 = arith.muli %arg0, %mul3A_2 : i32
    %add3A_4 = arith.addi %add3A_1, %mul3A_3 : i32
    %lt3A = arith.constant 4 : i32
    %lt3A_5 = arith.cmpi slt, %add3A_4, %lt3A : i32
    %jit3A = arith.constant 79 : i32
    %jit3A_6 = arith.constant 78 : i32
    %select_n3A = arith.select %lt3A_5, %jit3A, %jit3A_6 : i32
    %lt3A_7 = arith.constant 4 : i32
    %lt3A_8 = arith.cmpi slt, %add3A_4, %lt3A_7 : i32
    %mul3A_9 = arith.muli %add3A_4, %select_n3A : i32
    %mul3A_10 = arith.constant 78 : i32
    %mul3A_11 = arith.muli %add3A_4, %mul3A_10 : i32
    %add3A_12 = arith.constant 4 : i32
    %add3A_13 = arith.addi %mul3A_11, %add3A_12 : i32
    %select_n3A_14 = arith.select %lt3A_8, %mul3A_9, %add3A_13 : i32
    %mul3A_15 = arith.constant 1 : i32
    %mul3A_16 = arith.muli %mul3A_15, %select_n3A : i32
    "tpu.region"() ({
      %run_scoped3A = memref.alloca() : memref<2x1x128xi32, #tpu.memory_space<vmem>>
      %run_scoped3A_17 = tpu.sem_alloc : memref<2x!tpu.dma_semaphore, #tpu.memory_space<semaphore_mem>>
      %run_scoped3A_18 = memref.alloca() : memref<2x1x128xi32, #tpu.memory_space<vmem>>
      %run_scoped3A_19 = tpu.sem_alloc : memref<2x!tpu.dma_semaphore, #tpu.memory_space<semaphore_mem>>
      %run_scoped3A_20 = memref.alloca() : memref<2x128x128xf32, #tpu.memory_space<vmem>>
      %run_scoped3A_21 = tpu.sem_alloc : memref<2x!tpu.dma_semaphore, #tpu.memory_space<semaphore_mem>>
      %run_scoped3A_22 = memref.alloca() : memref<2x128x128xf32, #tpu.memory_space<vmem>>
      %run_scoped3A_23 = tpu.sem_alloc : memref<2x!tpu.dma_semaphore, #tpu.memory_space<semaphore_mem>>
      %gt3A = arith.constant 0 : i32
      %gt3A_24 = arith.cmpi sgt, %mul3A_16, %gt3A : i32
      %convert_element_type3A = arith.extui %gt3A_24 : i1 to i32
      %cond3A = arith.constant 0 : i32
      %cond3A_25 = arith.cmpi ne, %convert_element_type3A, %cond3A : i32
      scf.if %cond3A_25 {
        %mul3A_26 = arith.constant 1 : i32
        %mul3A_27 = arith.muli %mul3A_26, %select_n3A : i32
        %sub3A = arith.constant 1 : i32
        %sub3A_28 = arith.subi %mul3A_27, %sub3A : i32
        %eq3A = arith.constant 0 : i32
        %eq3A_29 = arith.cmpi eq, %sub3A_28, %eq3A : i32
        %add3A_30 = arith.constant 0 : i32
        %add3A_31 = arith.addi %add3A_30, %select_n3A_14 : i32
        %select_n3A_32 = arith.constant true
        %select_n3A_33 = arith.constant 0 : i32
        %select_n3A_34 = arith.constant -1 : i32
        %select_n3A_35 = arith.select %select_n3A_32, %select_n3A_34, %select_n3A_33 : i32
        %eq3A_36 = arith.constant -1 : i32
        %eq3A_37 = arith.cmpi eq, %select_n3A_35, %eq3A_36 : i32
        %sub3A_38 = arith.constant 1 : i32
        %sub3A_39 = arith.subi %select_n3A, %sub3A_38 : i32
        %select_n3A_40 = arith.select %eq3A_37, %sub3A_39, %select_n3A_35 : i32
        %add3A_41 = arith.addi %select_n3A_40, %select_n3A_14 : i32
        %select_n3A_42 = arith.constant true
        %select_n3A_43 = arith.constant 0 : i32
        %select_n3A_44 = arith.constant 1 : i32
        %select_n3A_45 = arith.select %select_n3A_42, %select_n3A_44, %select_n3A_43 : i32
        %eq3A_46 = arith.cmpi eq, %select_n3A_45, %select_n3A : i32
        %select_n3A_47 = arith.constant 0 : i32
        %select_n3A_48 = arith.select %eq3A_46, %select_n3A_47, %select_n3A_45 : i32
        %add3A_49 = arith.addi %select_n3A_48, %select_n3A_14 : i32
        %add3A_50 = arith.constant 1 : i32
        %add3A_51 = arith.addi %select_n3A_48, %add3A_50 : i32
        %select_n3A_52 = arith.constant true
        %select_n3A_53 = arith.select %select_n3A_52, %add3A_51, %select_n3A_48 : i32
        %eq3A_54 = arith.cmpi eq, %select_n3A_53, %select_n3A : i32
        %select_n3A_55 = arith.constant 0 : i32
        %select_n3A_56 = arith.select %eq3A_54, %select_n3A_55, %select_n3A_53 : i32
        %add3A_57 = arith.addi %select_n3A_56, %select_n3A_14 : i32
        "tpu.trace_start"() <{level = 10 : i32, message = "ep_initialize_0"}> : () -> ()
        %rem3A = arith.constant 0 : i32
        %rem3A_58 = arith.constant 2 : i32
        %rem3A_59 = arith.remui %rem3A, %rem3A_58 : i32
        %mul3A_60 = arith.constant 1 : i32
        %mul3A_61 = arith.muli %mul3A_60, %add3A_31 : i32
        %dma_start3A = arith.constant 0 : i32
        %dma_start3A_62 = arith.constant 0 : i32
        %dma_start3A_63 = tpu.memref_slice %run_scoped3A[%rem3A_59, %dma_start3A, %dma_start3A_62] : memref<2x1x128xi32, #tpu.memory_space<vmem>> -> memref<1x1x128xi32, #tpu.memory_space<vmem>>
        %dma_start3A_64 = tpu.memref_squeeze %dma_start3A_63 : memref<1x1x128xi32, #tpu.memory_space<vmem>> -> memref<1x128xi32, #tpu.memory_space<vmem>>
        %dma_start3A_65 = arith.constant 0 : i32
        %dma_start3A_66 = tpu.memref_slice %arg4[%mul3A_61, %dma_start3A_65] : memref<2500x128xi32, #tpu.memory_space<hbm>> -> memref<1x128xi32, #tpu.memory_space<hbm>>
        %dma_start3A_67 = tpu.memref_slice %run_scoped3A_17[%rem3A_59] : memref<2x!tpu.dma_semaphore, #tpu.memory_space<semaphore_mem>> -> memref<1x!tpu.dma_semaphore, #tpu.memory_space<semaphore_mem>>
        %dma_start3A_68 = tpu.memref_squeeze %dma_start3A_67 : memref<1x!tpu.dma_semaphore, #tpu.memory_space<semaphore_mem>> -> memref<!tpu.dma_semaphore, #tpu.memory_space<semaphore_mem>>
        %dma_start3A_69 = arith.constant 0 : i32
        %dma_start3A_70 = arith.constant 0 : i32
        %dma_start3A_71 = tpu.memref_slice %run_scoped3A[%rem3A_59, %dma_start3A_69, %dma_start3A_70] : memref<2x1x128xi32, #tpu.memory_space<vmem>> -> memref<1x1x128xi32, #tpu.memory_space<vmem>>
        %dma_start3A_72 = tpu.memref_squeeze %dma_start3A_71 : memref<1x1x128xi32, #tpu.memory_space<vmem>> -> memref<1x128xi32, #tpu.memory_space<vmem>>
        %dma_start3A_73 = arith.constant 0 : i32
        %dma_start3A_74 = tpu.memref_slice %arg4[%mul3A_61, %dma_start3A_73] : memref<2500x128xi32, #tpu.memory_space<hbm>> -> memref<1x128xi32, #tpu.memory_space<hbm>>
        tpu.enqueue_dma source(%dma_start3A_74 : memref<1x128xi32, #tpu.memory_space<hbm>>) target(%dma_start3A_72 : memref<1x128xi32, #tpu.memory_space<vmem>>) target_semaphore(%dma_start3A_68 : memref<!tpu.dma_semaphore, #tpu.memory_space<semaphore_mem>>)
        %add3A_75 = arith.constant 0 : i32
        %add3A_76 = arith.constant 1 : i32
        %add3A_77 = arith.addi %add3A_75, %add3A_76 : i32
        %select_n3A_78 = arith.constant true
        %select_n3A_79 = arith.constant 0 : i32
        %select_n3A_80 = arith.select %select_n3A_78, %add3A_77, %select_n3A_79 : i32
        %rem3A_81 = arith.constant 0 : i32
        %rem3A_82 = arith.constant 2 : i32
        %rem3A_83 = arith.remui %rem3A_81, %rem3A_82 : i32
        %mul3A_84 = arith.constant 1 : i32
        %mul3A_85 = arith.muli %mul3A_84, %add3A_31 : i32
        %dma_start3A_86 = arith.constant 0 : i32
        %dma_start3A_87 = arith.constant 0 : i32
        %dma_start3A_88 = tpu.memref_slice %run_scoped3A_18[%rem3A_83, %dma_start3A_86, %dma_start3A_87] : memref<2x1x128xi32, #tpu.memory_space<vmem>> -> memref<1x1x128xi32, #tpu.memory_space<vmem>>
        %dma_start3A_89 = tpu.memref_squeeze %dma_start3A_88 : memref<1x1x128xi32, #tpu.memory_space<vmem>> -> memref<1x128xi32, #tpu.memory_space<vmem>>
        %dma_start3A_90 = arith.constant 0 : i32
        %dma_start3A_91 = tpu.memref_slice %arg5[%mul3A_85, %dma_start3A_90] : memref<2500x128xi32, #tpu.memory_space<hbm>> -> memref<1x128xi32, #tpu.memory_space<hbm>>
        %dma_start3A_92 = tpu.memref_slice %run_scoped3A_19[%rem3A_83] : memref<2x!tpu.dma_semaphore, #tpu.memory_space<semaphore_mem>> -> memref<1x!tpu.dma_semaphore, #tpu.memory_space<semaphore_mem>>
        %dma_start3A_93 = tpu.memref_squeeze %dma_start3A_92 : memref<1x!tpu.dma_semaphore, #tpu.memory_space<semaphore_mem>> -> memref<!tpu.dma_semaphore, #tpu.memory_space<semaphore_mem>>
        %dma_start3A_94 = arith.constant 0 : i32
        %dma_start3A_95 = arith.constant 0 : i32
        %dma_start3A_96 = tpu.memref_slice %run_scoped3A_18[%rem3A_83, %dma_start3A_94, %dma_start3A_95] : memref<2x1x128xi32, #tpu.memory_space<vmem>> -> memref<1x1x128xi32, #tpu.memory_space<vmem>>
        %dma_start3A_97 = tpu.memref_squeeze %dma_start3A_96 : memref<1x1x128xi32, #tpu.memory_space<vmem>> -> memref<1x128xi32, #tpu.memory_space<vmem>>
        %dma_start3A_98 = arith.constant 0 : i32
        %dma_start3A_99 = tpu.memref_slice %arg5[%mul3A_85, %dma_start3A_98] : memref<2500x128xi32, #tpu.memory_space<hbm>> -> memref<1x128xi32, #tpu.memory_space<hbm>>
        tpu.enqueue_dma source(%dma_start3A_99 : memref<1x128xi32, #tpu.memory_space<hbm>>) target(%dma_start3A_97 : memref<1x128xi32, #tpu.memory_space<vmem>>) target_semaphore(%dma_start3A_93 : memref<!tpu.dma_semaphore, #tpu.memory_space<semaphore_mem>>)
        %add3A_100 = arith.constant 0 : i32
        %add3A_101 = arith.constant 1 : i32
        %add3A_102 = arith.addi %add3A_100, %add3A_101 : i32
        %select_n3A_103 = arith.constant true
        %select_n3A_104 = arith.constant 0 : i32
        %select_n3A_105 = arith.select %select_n3A_103, %add3A_102, %select_n3A_104 : i32
        %while3A = arith.constant 0 : i32
        %while3A_106 = arith.constant 0 : i32
        %while3A_107 = arith.constant 0 : i32
        %while3A_108 = arith.constant 0 : i32
        %while3A_109 = arith.constant 0 : i32
        %while3A_110 = arith.constant 0 : i32
        %while3A_111 = arith.constant 0 : i32
        %while3A_112 = arith.constant 0 : i32
        "tpu.trace_stop"() : () -> ()
        %while3A_113 = arith.subi %mul3A_16, %while3A : i32
        %while3A_114 = arith.addi %while3A, %while3A_113 : i32
        %while3A_115 = arith.constant 1 : i32
        %while3A_116 = arith.divsi %while3A_113, %while3A_115 : i32
        %while3A_117 = arith.muli %while3A_116, %while3A_115 : i32
        %while3A_118 = arith.addi %while3A, %while3A_117 : i32
        %while3A_119 = arith.constant 1 : i32
        %while3A_120:9 = scf.for %while3A_180 = %while3A to %while3A_118 step %while3A_119 iter_args(%while3A_181 = %select_n3A_80, %while3A_182 = %while3A_106, %while3A_183 = %select_n3A_105, %while3A_184 = %while3A_107, %while3A_185 = %while3A_108, %while3A_186 = %while3A_109, %while3A_187 = %while3A_110, %while3A_188 = %while3A_111, %while3A_189 = %while3A_112) -> (i32, i32, i32, i32, i32, i32, i32, i32, i32)  : i32 {
          %mul3A_190 = arith.constant 1 : i32
          %mul3A_191 = arith.muli %mul3A_190, %select_n3A : i32
          %eq3A_192 = arith.constant 0 : i32
          %eq3A_193 = arith.cmpi eq, %while3A_180, %eq3A_192 : i32
          %sub3A_194 = arith.constant 1 : i32
          %sub3A_195 = arith.subi %mul3A_191, %sub3A_194 : i32
          %eq3A_196 = arith.cmpi eq, %while3A_180, %sub3A_195 : i32
          %add3A_197 = arith.addi %while3A_189, %select_n3A_14 : i32
          %sub3A_198 = arith.constant 1 : i32
          %sub3A_199 = arith.subi %while3A_189, %sub3A_198 : i32
          %select_n3A_200 = arith.constant true
          %select_n3A_201 = arith.select %select_n3A_200, %sub3A_199, %while3A_189 : i32
          %eq3A_202 = arith.constant -1 : i32
          %eq3A_203 = arith.cmpi eq, %select_n3A_201, %eq3A_202 : i32
          %sub3A_204 = arith.constant 1 : i32
          %sub3A_205 = arith.subi %select_n3A, %sub3A_204 : i32
          %select_n3A_206 = arith.select %eq3A_203, %sub3A_205, %select_n3A_201 : i32
          %add3A_207 = arith.addi %select_n3A_206, %select_n3A_14 : i32
          %add3A_208 = arith.constant 1 : i32
          %add3A_209 = arith.addi %while3A_189, %add3A_208 : i32
          %select_n3A_210 = arith.constant true
          %select_n3A_211 = arith.select %select_n3A_210, %add3A_209, %while3A_189 : i32
          %eq3A_212 = arith.cmpi eq, %select_n3A_211, %select_n3A : i32
          %select_n3A_213 = arith.constant 0 : i32
          %select_n3A_214 = arith.select %eq3A_212, %select_n3A_213, %select_n3A_211 : i32
          %add3A_215 = arith.addi %select_n3A_214, %select_n3A_14 : i32
          %add3A_216 = arith.constant 1 : i32
          %add3A_217 = arith.addi %select_n3A_214, %add3A_216 : i32
          %select_n3A_218 = arith.constant true
          %select_n3A_219 = arith.select %select_n3A_218, %add3A_217, %select_n3A_214 : i32
          %eq3A_220 = arith.cmpi eq, %select_n3A_219, %select_n3A : i32
          %select_n3A_221 = arith.constant 0 : i32
          %select_n3A_222 = arith.select %eq3A_220, %select_n3A_221, %select_n3A_219 : i32
          %add3A_223 = arith.addi %select_n3A_222, %select_n3A_14 : i32
          %ne3A = arith.cmpi ne, %add3A_197, %add3A_215 : i32
          %or3A = arith.constant false
          %or3A_224 = arith.ori %or3A, %ne3A : i1
          %or3A_225 = arith.constant false
          %or3A_226 = arith.ori %or3A_224, %or3A_225 : i1
          %sub3A_227 = arith.constant 2 : i32
          %sub3A_228 = arith.subi %mul3A_191, %sub3A_227 : i32
          %add3A_229 = arith.constant 1 : i32
          %add3A_230 = arith.addi %sub3A_228, %add3A_229 : i32
          %ge3A = arith.cmpi sge, %while3A_180, %add3A_230 : i32
          %not3A = arith.constant true
          %not3A_231 = arith.xori %ge3A, %not3A : i1
          %and3A = arith.andi %or3A_226, %not3A_231 : i1
          %convert_element_type3A_232 = arith.extui %and3A : i1 to i32
          %cond3A_233 = arith.constant 0 : i32
          %cond3A_234 = arith.cmpi ne, %convert_element_type3A_232, %cond3A_233 : i32
          scf.if %cond3A_234 {
            "tpu.trace_start"() <{level = 10 : i32, message = "ep_copy_in"}> : () -> ()
            %rem3A_523 = arith.constant 2 : i32
            %rem3A_524 = arith.remui %while3A_181, %rem3A_523 : i32
            %mul3A_525 = arith.constant 1 : i32
            %mul3A_526 = arith.muli %mul3A_525, %add3A_215 : i32
            %dma_start3A_527 = arith.constant 0 : i32
            %dma_start3A_528 = arith.constant 0 : i32
            %dma_start3A_529 = tpu.memref_slice %run_scoped3A[%rem3A_524, %dma_start3A_527, %dma_start3A_528] : memref<2x1x128xi32, #tpu.memory_space<vmem>> -> memref<1x1x128xi32, #tpu.memory_space<vmem>>
            %dma_start3A_530 = tpu.memref_squeeze %dma_start3A_529 : memref<1x1x128xi32, #tpu.memory_space<vmem>> -> memref<1x128xi32, #tpu.memory_space<vmem>>
            %dma_start3A_531 = arith.constant 0 : i32
            %dma_start3A_532 = tpu.memref_slice %arg4[%mul3A_526, %dma_start3A_531] : memref<2500x128xi32, #tpu.memory_space<hbm>> -> memref<1x128xi32, #tpu.memory_space<hbm>>
            %dma_start3A_533 = tpu.memref_slice %run_scoped3A_17[%rem3A_524] : memref<2x!tpu.dma_semaphore, #tpu.memory_space<semaphore_mem>> -> memref<1x!tpu.dma_semaphore, #tpu.memory_space<semaphore_mem>>
            %dma_start3A_534 = tpu.memref_squeeze %dma_start3A_533 : memref<1x!tpu.dma_semaphore, #tpu.memory_space<semaphore_mem>> -> memref<!tpu.dma_semaphore, #tpu.memory_space<semaphore_mem>>
            %dma_start3A_535 = arith.constant 0 : i32
            %dma_start3A_536 = arith.constant 0 : i32
            %dma_start3A_537 = tpu.memref_slice %run_scoped3A[%rem3A_524, %dma_start3A_535, %dma_start3A_536] : memref<2x1x128xi32, #tpu.memory_space<vmem>> -> memref<1x1x128xi32, #tpu.memory_space<vmem>>
            %dma_start3A_538 = tpu.memref_squeeze %dma_start3A_537 : memref<1x1x128xi32, #tpu.memory_space<vmem>> -> memref<1x128xi32, #tpu.memory_space<vmem>>
            %dma_start3A_539 = arith.constant 0 : i32
            %dma_start3A_540 = tpu.memref_slice %arg4[%mul3A_526, %dma_start3A_539] : memref<2500x128xi32, #tpu.memory_space<hbm>> -> memref<1x128xi32, #tpu.memory_space<hbm>>
            tpu.enqueue_dma source(%dma_start3A_540 : memref<1x128xi32, #tpu.memory_space<hbm>>) target(%dma_start3A_538 : memref<1x128xi32, #tpu.memory_space<vmem>>) target_semaphore(%dma_start3A_534 : memref<!tpu.dma_semaphore, #tpu.memory_space<semaphore_mem>>)
            "tpu.trace_stop"() : () -> ()
          } else {
          }
          %and3A_235 = arith.constant true
          %and3A_236 = arith.andi %and3A, %and3A_235 : i1
          %add3A_237 = arith.constant 1 : i32
          %add3A_238 = arith.addi %while3A_181, %add3A_237 : i32
          %select_n3A_239 = arith.select %and3A_236, %add3A_238, %while3A_181 : i32
          %ne3A_240 = arith.cmpi ne, %add3A_197, %add3A_215 : i32
          %or3A_241 = arith.constant false
          %or3A_242 = arith.ori %or3A_241, %ne3A_240 : i1
          %or3A_243 = arith.constant false
          %or3A_244 = arith.ori %or3A_242, %or3A_243 : i1
          %sub3A_245 = arith.constant 2 : i32
          %sub3A_246 = arith.subi %mul3A_191, %sub3A_245 : i32
          %add3A_247 = arith.constant 1 : i32
          %add3A_248 = arith.addi %sub3A_246, %add3A_247 : i32
          %ge3A_249 = arith.cmpi sge, %while3A_180, %add3A_248 : i32
          %not3A_250 = arith.constant true
          %not3A_251 = arith.xori %ge3A_249, %not3A_250 : i1
          %and3A_252 = arith.andi %or3A_244, %not3A_251 : i1
          %convert_element_type3A_253 = arith.extui %and3A_252 : i1 to i32
          %cond3A_254 = arith.constant 0 : i32
          %cond3A_255 = arith.cmpi ne, %convert_element_type3A_253, %cond3A_254 : i32
          scf.if %cond3A_255 {
            "tpu.trace_start"() <{level = 10 : i32, message = "ep_copy_in"}> : () -> ()
            %rem3A_523 = arith.constant 2 : i32
            %rem3A_524 = arith.remui %while3A_183, %rem3A_523 : i32
            %mul3A_525 = arith.constant 1 : i32
            %mul3A_526 = arith.muli %mul3A_525, %add3A_215 : i32
            %dma_start3A_527 = arith.constant 0 : i32
            %dma_start3A_528 = arith.constant 0 : i32
            %dma_start3A_529 = tpu.memref_slice %run_scoped3A_18[%rem3A_524, %dma_start3A_527, %dma_start3A_528] : memref<2x1x128xi32, #tpu.memory_space<vmem>> -> memref<1x1x128xi32, #tpu.memory_space<vmem>>
            %dma_start3A_530 = tpu.memref_squeeze %dma_start3A_529 : memref<1x1x128xi32, #tpu.memory_space<vmem>> -> memref<1x128xi32, #tpu.memory_space<vmem>>
            %dma_start3A_531 = arith.constant 0 : i32
            %dma_start3A_532 = tpu.memref_slice %arg5[%mul3A_526, %dma_start3A_531] : memref<2500x128xi32, #tpu.memory_space<hbm>> -> memref<1x128xi32, #tpu.memory_space<hbm>>
            %dma_start3A_533 = tpu.memref_slice %run_scoped3A_19[%rem3A_524] : memref<2x!tpu.dma_semaphore, #tpu.memory_space<semaphore_mem>> -> memref<1x!tpu.dma_semaphore, #tpu.memory_space<semaphore_mem>>
            %dma_start3A_534 = tpu.memref_squeeze %dma_start3A_533 : memref<1x!tpu.dma_semaphore, #tpu.memory_space<semaphore_mem>> -> memref<!tpu.dma_semaphore, #tpu.memory_space<semaphore_mem>>
            %dma_start3A_535 = arith.constant 0 : i32
            %dma_start3A_536 = arith.constant 0 : i32
            %dma_start3A_537 = tpu.memref_slice %run_scoped3A_18[%rem3A_524, %dma_start3A_535, %dma_start3A_536] : memref<2x1x128xi32, #tpu.memory_space<vmem>> -> memref<1x1x128xi32, #tpu.memory_space<vmem>>
            %dma_start3A_538 = tpu.memref_squeeze %dma_start3A_537 : memref<1x1x128xi32, #tpu.memory_space<vmem>> -> memref<1x128xi32, #tpu.memory_space<vmem>>
            %dma_start3A_539 = arith.constant 0 : i32
            %dma_start3A_540 = tpu.memref_slice %arg5[%mul3A_526, %dma_start3A_539] : memref<2500x128xi32, #tpu.memory_space<hbm>> -> memref<1x128xi32, #tpu.memory_space<hbm>>
            tpu.enqueue_dma source(%dma_start3A_540 : memref<1x128xi32, #tpu.memory_space<hbm>>) target(%dma_start3A_538 : memref<1x128xi32, #tpu.memory_space<vmem>>) target_semaphore(%dma_start3A_534 : memref<!tpu.dma_semaphore, #tpu.memory_space<semaphore_mem>>)
            "tpu.trace_stop"() : () -> ()
          } else {
          }
          %and3A_256 = arith.constant true
          %and3A_257 = arith.andi %and3A_252, %and3A_256 : i1
          %add3A_258 = arith.constant 1 : i32
          %add3A_259 = arith.addi %while3A_183, %add3A_258 : i32
          %select_n3A_260 = arith.select %and3A_257, %add3A_259, %while3A_183 : i32
          %ne3A_261 = arith.cmpi ne, %add3A_197, %add3A_215 : i32
          %or3A_262 = arith.constant false
          %or3A_263 = arith.ori %or3A_262, %ne3A_261 : i1
          %or3A_264 = arith.constant false
          %or3A_265 = arith.ori %or3A_263, %or3A_264 : i1
          %sub3A_266 = arith.constant 2 : i32
          %sub3A_267 = arith.subi %mul3A_191, %sub3A_266 : i32
          %add3A_268 = arith.constant 1 : i32
          %add3A_269 = arith.addi %sub3A_267, %add3A_268 : i32
          %ge3A_270 = arith.cmpi sge, %while3A_180, %add3A_269 : i32
          %not3A_271 = arith.constant true
          %not3A_272 = arith.xori %ge3A_270, %not3A_271 : i1
          %and3A_273 = arith.andi %or3A_265, %not3A_272 : i1
          %ne3A_274 = arith.cmpi ne, %add3A_197, %add3A_215 : i32
          %or3A_275 = arith.constant false
          %or3A_276 = arith.ori %or3A_275, %ne3A_274 : i1
          %or3A_277 = arith.constant false
          %or3A_278 = arith.ori %or3A_276, %or3A_277 : i1
          %sub3A_279 = arith.constant 2 : i32
          %sub3A_280 = arith.subi %mul3A_191, %sub3A_279 : i32
          %add3A_281 = arith.constant 1 : i32
          %add3A_282 = arith.addi %sub3A_280, %add3A_281 : i32
          %ge3A_283 = arith.cmpi sge, %while3A_180, %add3A_282 : i32
          %not3A_284 = arith.constant true
          %not3A_285 = arith.xori %ge3A_283, %not3A_284 : i1
          %and3A_286 = arith.andi %or3A_278, %not3A_285 : i1
          %ne3A_287 = arith.cmpi ne, %add3A_197, %add3A_207 : i32
          %or3A_288 = arith.constant false
          %or3A_289 = arith.ori %or3A_288, %ne3A_287 : i1
          %or3A_290 = arith.constant false
          %or3A_291 = arith.ori %or3A_289, %or3A_290 : i1
          %or3A_292 = arith.ori %or3A_291, %eq3A_193 : i1
          %convert_element_type3A_293 = arith.extui %or3A_292 : i1 to i32
          %cond3A_294 = arith.constant 0 : i32
          %cond3A_295 = arith.cmpi ne, %convert_element_type3A_293, %cond3A_294 : i32
          scf.if %cond3A_295 {
            "tpu.trace_start"() <{level = 10 : i32, message = "ep_wait_in"}> : () -> ()
            %mul3A_523 = arith.constant 1 : i32
            %mul3A_524 = arith.muli %mul3A_523, %add3A_197 : i32
            %rem3A_525 = arith.constant 2 : i32
            %rem3A_526 = arith.remui %while3A_182, %rem3A_525 : i32
            %dma_wait3A_527 = arith.constant 0 : i32
            %dma_wait3A_528 = arith.constant 0 : i32
            %dma_wait3A_529 = tpu.memref_slice %run_scoped3A[%rem3A_526, %dma_wait3A_527, %dma_wait3A_528] : memref<2x1x128xi32, #tpu.memory_space<vmem>> -> memref<1x1x128xi32, #tpu.memory_space<vmem>>
            %dma_wait3A_530 = tpu.memref_squeeze %dma_wait3A_529 : memref<1x1x128xi32, #tpu.memory_space<vmem>> -> memref<1x128xi32, #tpu.memory_space<vmem>>
            %dma_wait3A_531 = arith.constant 0 : i32
            %dma_wait3A_532 = tpu.memref_slice %arg4[%mul3A_524, %dma_wait3A_531] : memref<2500x128xi32, #tpu.memory_space<hbm>> -> memref<1x128xi32, #tpu.memory_space<hbm>>
            %dma_wait3A_533 = tpu.memref_slice %run_scoped3A_17[%rem3A_526] : memref<2x!tpu.dma_semaphore, #tpu.memory_space<semaphore_mem>> -> memref<1x!tpu.dma_semaphore, #tpu.memory_space<semaphore_mem>>
            %dma_wait3A_534 = tpu.memref_squeeze %dma_wait3A_533 : memref<1x!tpu.dma_semaphore, #tpu.memory_space<semaphore_mem>> -> memref<!tpu.dma_semaphore, #tpu.memory_space<semaphore_mem>>
            %dma_wait3A_535 = arith.constant 0 : i32
            %dma_wait3A_536 = arith.constant 0 : i32
            %dma_wait3A_537 = tpu.memref_slice %run_scoped3A[%rem3A_526, %dma_wait3A_535, %dma_wait3A_536] : memref<2x1x128xi32, #tpu.memory_space<vmem>> -> memref<1x1x128xi32, #tpu.memory_space<vmem>>
            %dma_wait3A_538 = tpu.memref_squeeze %dma_wait3A_537 : memref<1x1x128xi32, #tpu.memory_space<vmem>> -> memref<1x128xi32, #tpu.memory_space<vmem>>
            %dma_wait3A_539 = arith.constant 0 : i32
            %dma_wait3A_540 = tpu.memref_slice %arg4[%mul3A_524, %dma_wait3A_539] : memref<2500x128xi32, #tpu.memory_space<hbm>> -> memref<1x128xi32, #tpu.memory_space<hbm>>
            tpu.wait_dma2 semaphore(%dma_wait3A_534 : memref<!tpu.dma_semaphore, #tpu.memory_space<semaphore_mem>>) src(%dma_wait3A_540 : memref<1x128xi32, #tpu.memory_space<hbm>>) dst(%dma_wait3A_538 : memref<1x128xi32, #tpu.memory_space<vmem>>)
            "tpu.trace_stop"() : () -> ()
          } else {
          }
          %ne3A_296 = arith.cmpi ne, %add3A_197, %add3A_207 : i32
          %or3A_297 = arith.constant false
          %or3A_298 = arith.ori %or3A_297, %ne3A_296 : i1
          %or3A_299 = arith.constant false
          %or3A_300 = arith.ori %or3A_298, %or3A_299 : i1
          %or3A_301 = arith.ori %or3A_300, %eq3A_193 : i1
          %convert_element_type3A_302 = arith.extui %or3A_301 : i1 to i32
          %cond3A_303 = arith.constant 0 : i32
          %cond3A_304 = arith.cmpi ne, %convert_element_type3A_302, %cond3A_303 : i32
          scf.if %cond3A_304 {
            "tpu.trace_start"() <{level = 10 : i32, message = "ep_wait_in"}> : () -> ()
            %mul3A_523 = arith.constant 1 : i32
            %mul3A_524 = arith.muli %mul3A_523, %add3A_197 : i32
            %rem3A_525 = arith.constant 2 : i32
            %rem3A_526 = arith.remui %while3A_184, %rem3A_525 : i32
            %dma_wait3A_527 = arith.constant 0 : i32
            %dma_wait3A_528 = arith.constant 0 : i32
            %dma_wait3A_529 = tpu.memref_slice %run_scoped3A_18[%rem3A_526, %dma_wait3A_527, %dma_wait3A_528] : memref<2x1x128xi32, #tpu.memory_space<vmem>> -> memref<1x1x128xi32, #tpu.memory_space<vmem>>
            %dma_wait3A_530 = tpu.memref_squeeze %dma_wait3A_529 : memref<1x1x128xi32, #tpu.memory_space<vmem>> -> memref<1x128xi32, #tpu.memory_space<vmem>>
            %dma_wait3A_531 = arith.constant 0 : i32
            %dma_wait3A_532 = tpu.memref_slice %arg5[%mul3A_524, %dma_wait3A_531] : memref<2500x128xi32, #tpu.memory_space<hbm>> -> memref<1x128xi32, #tpu.memory_space<hbm>>
            %dma_wait3A_533 = tpu.memref_slice %run_scoped3A_19[%rem3A_526] : memref<2x!tpu.dma_semaphore, #tpu.memory_space<semaphore_mem>> -> memref<1x!tpu.dma_semaphore, #tpu.memory_space<semaphore_mem>>
            %dma_wait3A_534 = tpu.memref_squeeze %dma_wait3A_533 : memref<1x!tpu.dma_semaphore, #tpu.memory_space<semaphore_mem>> -> memref<!tpu.dma_semaphore, #tpu.memory_space<semaphore_mem>>
            %dma_wait3A_535 = arith.constant 0 : i32
            %dma_wait3A_536 = arith.constant 0 : i32
            %dma_wait3A_537 = tpu.memref_slice %run_scoped3A_18[%rem3A_526, %dma_wait3A_535, %dma_wait3A_536] : memref<2x1x128xi32, #tpu.memory_space<vmem>> -> memref<1x1x128xi32, #tpu.memory_space<vmem>>
            %dma_wait3A_538 = tpu.memref_squeeze %dma_wait3A_537 : memref<1x1x128xi32, #tpu.memory_space<vmem>> -> memref<1x128xi32, #tpu.memory_space<vmem>>
            %dma_wait3A_539 = arith.constant 0 : i32
            %dma_wait3A_540 = tpu.memref_slice %arg5[%mul3A_524, %dma_wait3A_539] : memref<2500x128xi32, #tpu.memory_space<hbm>> -> memref<1x128xi32, #tpu.memory_space<hbm>>
            tpu.wait_dma2 semaphore(%dma_wait3A_534 : memref<!tpu.dma_semaphore, #tpu.memory_space<semaphore_mem>>) src(%dma_wait3A_540 : memref<1x128xi32, #tpu.memory_space<hbm>>) dst(%dma_wait3A_538 : memref<1x128xi32, #tpu.memory_space<vmem>>)
            "tpu.trace_stop"() : () -> ()
          } else {
          }
          %ne3A_305 = arith.cmpi ne, %add3A_197, %add3A_207 : i32
          %or3A_306 = arith.constant false
          %or3A_307 = arith.ori %or3A_306, %ne3A_305 : i1
          %or3A_308 = arith.constant false
          %or3A_309 = arith.ori %or3A_307, %or3A_308 : i1
          %or3A_310 = arith.ori %or3A_309, %eq3A_193 : i1
          %convert_element_type3A_311 = arith.extui %or3A_310 : i1 to i32
          %cond3A_312 = arith.constant 0 : i32
          %cond3A_313 = arith.cmpi ne, %convert_element_type3A_311, %cond3A_312 : i32
          scf.if %cond3A_313 {
          } else {
          }
          %ne3A_314 = arith.cmpi ne, %add3A_197, %add3A_207 : i32
          %or3A_315 = arith.constant false
          %or3A_316 = arith.ori %or3A_315, %ne3A_314 : i1
          %or3A_317 = arith.constant false
          %or3A_318 = arith.ori %or3A_316, %or3A_317 : i1
          %or3A_319 = arith.ori %or3A_318, %eq3A_193 : i1
          %convert_element_type3A_320 = arith.extui %or3A_319 : i1 to i32
          %cond3A_321 = arith.constant 0 : i32
          %cond3A_322 = arith.cmpi ne, %convert_element_type3A_320, %cond3A_321 : i32
          scf.if %cond3A_322 {
          } else {
          }
          %rem3A_323 = arith.constant 2 : i32
          %rem3A_324 = arith.remui %while3A_182, %rem3A_323 : i32
          %rem3A_325 = arith.constant 2 : i32
          %rem3A_326 = arith.remui %while3A_184, %rem3A_325 : i32
          %rem3A_327 = arith.constant 2 : i32
          %rem3A_328 = arith.remui %while3A_185, %rem3A_327 : i32
          %rem3A_329 = arith.constant 2 : i32
          %rem3A_330 = arith.remui %while3A_187, %rem3A_329 : i32
          %dma_start3A_331 = arith.constant 0 : i32
          "tpu.trace_start"() <{level = 10 : i32, message = "ep_run_kernel"}> : () -> ()
          %dma_start3A_332 = arith.constant 0 : i32
          %dma_start3A_333 = arith.constant 0 : i32
          %dma_start3A_334 = tpu.memref_slice %run_scoped3A_20[%rem3A_328, %dma_start3A_332, %dma_start3A_333] : memref<2x128x128xf32, #tpu.memory_space<vmem>> -> memref<1x128x128xf32, #tpu.memory_space<vmem>>
          %dma_start3A_335 = tpu.memref_squeeze %dma_start3A_334 : memref<1x128x128xf32, #tpu.memory_space<vmem>> -> memref<128x128xf32, #tpu.memory_space<vmem>>
          %dma_start3A_336 = arith.constant 0 : i32
          %dma_start3A_337 = arith.constant 0 : i32
          %dma_start3A_338 = tpu.memref_slice %run_scoped3A[%rem3A_324, %dma_start3A_336, %dma_start3A_337] : memref<2x1x128xi32, #tpu.memory_space<vmem>> -> memref<1x1x128xi32, #tpu.memory_space<vmem>>
          %dma_start3A_339 = tpu.memref_squeeze %dma_start3A_338 : memref<1x1x128xi32, #tpu.memory_space<vmem>> -> memref<1x128xi32, #tpu.memory_space<vmem>>
          %dma_start3A_340 = arith.constant 0 : i32
          %dma_start3A_341 = tpu.memref_slice %dma_start3A_339[%dma_start3A_331, %dma_start3A_340] : memref<1x128xi32, #tpu.memory_space<vmem>> -> memref<1x128xi32, #tpu.memory_space<vmem>>
          %dma_start3A_342 = tpu.memref_squeeze %dma_start3A_341 : memref<1x128xi32, #tpu.memory_space<vmem>> -> memref<128xi32, #tpu.memory_space<vmem>>
          %dma_start3A_343 = arith.constant 0 : i32
          %dma_start3A_344 = arith.constant 0 : i32
          %dma_start3A_345 = tpu.memref_slice %arg2[%dma_start3A_343, %dma_start3A_344] : memref<10000x128xf32, #tpu.memory_space<hbm>> -> memref<10000x128xf32, #tpu.memory_space<hbm>>
          tpu.enqueue_indirect_dma source(%dma_start3A_345 : memref<10000x128xf32, #tpu.memory_space<hbm>>) target(%dma_start3A_335 : memref<128x128xf32, #tpu.memory_space<vmem>>) offsets(%dma_start3A_342 : memref<128xi32, #tpu.memory_space<vmem>>) semaphore(%arg8 : memref<!tpu.dma_semaphore, #tpu.memory_space<semaphore_mem>>)
          %dma_start3A_346 = arith.constant 0 : i32
          %dma_start3A_347 = arith.constant 0 : i32
          %dma_start3A_348 = arith.constant 0 : i32
          %dma_start3A_349 = tpu.memref_slice %run_scoped3A_22[%rem3A_330, %dma_start3A_347, %dma_start3A_348] : memref<2x128x128xf32, #tpu.memory_space<vmem>> -> memref<1x128x128xf32, #tpu.memory_space<vmem>>
          %dma_start3A_350 = tpu.memref_squeeze %dma_start3A_349 : memref<1x128x128xf32, #tpu.memory_space<vmem>> -> memref<128x128xf32, #tpu.memory_space<vmem>>
          %dma_start3A_351 = arith.constant 0 : i32
          %dma_start3A_352 = arith.constant 0 : i32
          %dma_start3A_353 = tpu.memref_slice %run_scoped3A_18[%rem3A_326, %dma_start3A_351, %dma_start3A_352] : memref<2x1x128xi32, #tpu.memory_space<vmem>> -> memref<1x1x128xi32, #tpu.memory_space<vmem>>
          %dma_start3A_354 = tpu.memref_squeeze %dma_start3A_353 : memref<1x1x128xi32, #tpu.memory_space<vmem>> -> memref<1x128xi32, #tpu.memory_space<vmem>>
          %dma_start3A_355 = arith.constant 0 : i32
          %dma_start3A_356 = tpu.memref_slice %dma_start3A_354[%dma_start3A_346, %dma_start3A_355] : memref<1x128xi32, #tpu.memory_space<vmem>> -> memref<1x128xi32, #tpu.memory_space<vmem>>
          %dma_start3A_357 = tpu.memref_squeeze %dma_start3A_356 : memref<1x128xi32, #tpu.memory_space<vmem>> -> memref<128xi32, #tpu.memory_space<vmem>>
          %dma_start3A_358 = arith.constant 0 : i32
          %dma_start3A_359 = arith.constant 0 : i32
          %dma_start3A_360 = tpu.memref_slice %arg3[%dma_start3A_358, %dma_start3A_359] : memref<10000x128xf32, #tpu.memory_space<hbm>> -> memref<10000x128xf32, #tpu.memory_space<hbm>>
          tpu.enqueue_indirect_dma source(%dma_start3A_360 : memref<10000x128xf32, #tpu.memory_space<hbm>>) target(%dma_start3A_350 : memref<128x128xf32, #tpu.memory_space<vmem>>) offsets(%dma_start3A_357 : memref<128xi32, #tpu.memory_space<vmem>>) semaphore(%arg9 : memref<!tpu.dma_semaphore, #tpu.memory_space<semaphore_mem>>)
          %dma_wait3A = arith.constant 0 : i32
          %dma_wait3A_361 = arith.constant 0 : i32
          %dma_wait3A_362 = arith.constant 0 : i32
          %dma_wait3A_363 = tpu.memref_slice %run_scoped3A_20[%rem3A_328, %dma_wait3A_361, %dma_wait3A_362] : memref<2x128x128xf32, #tpu.memory_space<vmem>> -> memref<1x128x128xf32, #tpu.memory_space<vmem>>
          %dma_wait3A_364 = tpu.memref_squeeze %dma_wait3A_363 : memref<1x128x128xf32, #tpu.memory_space<vmem>> -> memref<128x128xf32, #tpu.memory_space<vmem>>
          %dma_wait3A_365 = arith.constant 0 : i32
          %dma_wait3A_366 = arith.constant 0 : i32
          %dma_wait3A_367 = tpu.memref_slice %run_scoped3A[%rem3A_324, %dma_wait3A_365, %dma_wait3A_366] : memref<2x1x128xi32, #tpu.memory_space<vmem>> -> memref<1x1x128xi32, #tpu.memory_space<vmem>>
          %dma_wait3A_368 = tpu.memref_squeeze %dma_wait3A_367 : memref<1x1x128xi32, #tpu.memory_space<vmem>> -> memref<1x128xi32, #tpu.memory_space<vmem>>
          %dma_wait3A_369 = arith.constant 0 : i32
          %dma_wait3A_370 = tpu.memref_slice %dma_wait3A_368[%dma_wait3A, %dma_wait3A_369] : memref<1x128xi32, #tpu.memory_space<vmem>> -> memref<1x128xi32, #tpu.memory_space<vmem>>
          %dma_wait3A_371 = tpu.memref_squeeze %dma_wait3A_370 : memref<1x128xi32, #tpu.memory_space<vmem>> -> memref<128xi32, #tpu.memory_space<vmem>>
          %dma_wait3A_372 = arith.constant 0 : i32
          %dma_wait3A_373 = arith.constant 0 : i32
          %dma_wait3A_374 = tpu.memref_slice %arg2[%dma_wait3A_372, %dma_wait3A_373] : memref<10000x128xf32, #tpu.memory_space<hbm>> -> memref<10000x128xf32, #tpu.memory_space<hbm>>
          tpu.wait_indirect_dma semaphore(%arg8 : memref<!tpu.dma_semaphore, #tpu.memory_space<semaphore_mem>>) src(%dma_wait3A_374 : memref<10000x128xf32, #tpu.memory_space<hbm>>) dst(%dma_wait3A_364 : memref<128x128xf32, #tpu.memory_space<vmem>>)
          %dma_wait3A_375 = arith.constant 0 : i32
          %dma_wait3A_376 = arith.constant 0 : i32
          %dma_wait3A_377 = arith.constant 0 : i32
          %dma_wait3A_378 = tpu.memref_slice %run_scoped3A_22[%rem3A_330, %dma_wait3A_376, %dma_wait3A_377] : memref<2x128x128xf32, #tpu.memory_space<vmem>> -> memref<1x128x128xf32, #tpu.memory_space<vmem>>
          %dma_wait3A_379 = tpu.memref_squeeze %dma_wait3A_378 : memref<1x128x128xf32, #tpu.memory_space<vmem>> -> memref<128x128xf32, #tpu.memory_space<vmem>>
          %dma_wait3A_380 = arith.constant 0 : i32
          %dma_wait3A_381 = arith.constant 0 : i32
          %dma_wait3A_382 = tpu.memref_slice %run_scoped3A_18[%rem3A_326, %dma_wait3A_380, %dma_wait3A_381] : memref<2x1x128xi32, #tpu.memory_space<vmem>> -> memref<1x1x128xi32, #tpu.memory_space<vmem>>
          %dma_wait3A_383 = tpu.memref_squeeze %dma_wait3A_382 : memref<1x1x128xi32, #tpu.memory_space<vmem>> -> memref<1x128xi32, #tpu.memory_space<vmem>>
          %dma_wait3A_384 = arith.constant 0 : i32
          %dma_wait3A_385 = tpu.memref_slice %dma_wait3A_383[%dma_wait3A_375, %dma_wait3A_384] : memref<1x128xi32, #tpu.memory_space<vmem>> -> memref<1x128xi32, #tpu.memory_space<vmem>>
          %dma_wait3A_386 = tpu.memref_squeeze %dma_wait3A_385 : memref<1x128xi32, #tpu.memory_space<vmem>> -> memref<128xi32, #tpu.memory_space<vmem>>
          %dma_wait3A_387 = arith.constant 0 : i32
          %dma_wait3A_388 = arith.constant 0 : i32
          %dma_wait3A_389 = tpu.memref_slice %arg3[%dma_wait3A_387, %dma_wait3A_388] : memref<10000x128xf32, #tpu.memory_space<hbm>> -> memref<10000x128xf32, #tpu.memory_space<hbm>>
          tpu.wait_indirect_dma semaphore(%arg9 : memref<!tpu.dma_semaphore, #tpu.memory_space<semaphore_mem>>) src(%dma_wait3A_389 : memref<10000x128xf32, #tpu.memory_space<hbm>>) dst(%dma_wait3A_379 : memref<128x128xf32, #tpu.memory_space<vmem>>)
          "tpu.trace_stop"() : () -> ()
          %ne3A_390 = arith.cmpi ne, %add3A_197, %add3A_215 : i32
          %or3A_391 = arith.constant false
          %or3A_392 = arith.ori %or3A_391, %ne3A_390 : i1
          %or3A_393 = arith.constant false
          %or3A_394 = arith.ori %or3A_392, %or3A_393 : i1
          %or3A_395 = arith.ori %or3A_394, %eq3A_196 : i1
          %convert_element_type3A_396 = arith.extui %or3A_395 : i1 to i32
          %cond3A_397 = arith.constant 0 : i32
          %cond3A_398 = arith.cmpi ne, %convert_element_type3A_396, %cond3A_397 : i32
          scf.if %cond3A_398 {
          } else {
          }
          %and3A_399 = arith.constant false
          %and3A_400 = arith.andi %or3A_395, %and3A_399 : i1
          %ne3A_401 = arith.cmpi ne, %add3A_197, %add3A_215 : i32
          %or3A_402 = arith.constant false
          %or3A_403 = arith.ori %or3A_402, %ne3A_401 : i1
          %or3A_404 = arith.constant false
          %or3A_405 = arith.ori %or3A_403, %or3A_404 : i1
          %or3A_406 = arith.ori %or3A_405, %eq3A_196 : i1
          %convert_element_type3A_407 = arith.extui %or3A_406 : i1 to i32
          %cond3A_408 = arith.constant 0 : i32
          %cond3A_409 = arith.cmpi ne, %convert_element_type3A_407, %cond3A_408 : i32
          scf.if %cond3A_409 {
          } else {
          }
          %and3A_410 = arith.constant false
          %and3A_411 = arith.andi %or3A_406, %and3A_410 : i1
          %ne3A_412 = arith.cmpi ne, %add3A_197, %add3A_215 : i32
          %or3A_413 = arith.constant false
          %or3A_414 = arith.ori %or3A_413, %ne3A_412 : i1
          %or3A_415 = arith.constant false
          %or3A_416 = arith.ori %or3A_414, %or3A_415 : i1
          %or3A_417 = arith.ori %or3A_416, %eq3A_196 : i1
          %convert_element_type3A_418 = arith.extui %or3A_417 : i1 to i32
          %cond3A_419 = arith.constant 0 : i32
          %cond3A_420 = arith.cmpi ne, %convert_element_type3A_418, %cond3A_419 : i32
          scf.if %cond3A_420 {
            "tpu.trace_start"() <{level = 10 : i32, message = "ep_copy_out"}> : () -> ()
            %rem3A_523 = arith.constant 2 : i32
            %rem3A_524 = arith.remui %while3A_185, %rem3A_523 : i32
            %mul3A_525 = arith.constant 128 : i32
            %mul3A_526 = arith.muli %mul3A_525, %add3A_197 : i32
            %dma_start3A_527 = arith.constant 0 : i32
            %dma_start3A_528 = arith.constant 0 : i32
            %dma_start3A_529 = tpu.memref_slice %run_scoped3A_20[%rem3A_524, %dma_start3A_527, %dma_start3A_528] : memref<2x128x128xf32, #tpu.memory_space<vmem>> -> memref<1x128x128xf32, #tpu.memory_space<vmem>>
            %dma_start3A_530 = tpu.memref_squeeze %dma_start3A_529 : memref<1x128x128xf32, #tpu.memory_space<vmem>> -> memref<128x128xf32, #tpu.memory_space<vmem>>
            %dma_start3A_531 = arith.constant 0 : i32
            %dma_start3A_532 = tpu.memref_slice %arg6[%mul3A_526, %dma_start3A_531] : memref<320000x128xf32, #tpu.memory_space<hbm>> -> memref<128x128xf32, #tpu.memory_space<hbm>>
            %dma_start3A_533 = tpu.memref_slice %run_scoped3A_21[%rem3A_524] : memref<2x!tpu.dma_semaphore, #tpu.memory_space<semaphore_mem>> -> memref<1x!tpu.dma_semaphore, #tpu.memory_space<semaphore_mem>>
            %dma_start3A_534 = tpu.memref_squeeze %dma_start3A_533 : memref<1x!tpu.dma_semaphore, #tpu.memory_space<semaphore_mem>> -> memref<!tpu.dma_semaphore, #tpu.memory_space<semaphore_mem>>
            %dma_start3A_535 = arith.constant 0 : i32
            %dma_start3A_536 = tpu.memref_slice %arg6[%mul3A_526, %dma_start3A_535] : memref<320000x128xf32, #tpu.memory_space<hbm>> -> memref<128x128xf32, #tpu.memory_space<hbm>>
            %dma_start3A_537 = arith.constant 0 : i32
            %dma_start3A_538 = arith.constant 0 : i32
            %dma_start3A_539 = tpu.memref_slice %run_scoped3A_20[%rem3A_524, %dma_start3A_537, %dma_start3A_538] : memref<2x128x128xf32, #tpu.memory_space<vmem>> -> memref<1x128x128xf32, #tpu.memory_space<vmem>>
            %dma_start3A_540 = tpu.memref_squeeze %dma_start3A_539 : memref<1x128x128xf32, #tpu.memory_space<vmem>> -> memref<128x128xf32, #tpu.memory_space<vmem>>
            tpu.enqueue_dma source(%dma_start3A_540 : memref<128x128xf32, #tpu.memory_space<vmem>>) target(%dma_start3A_536 : memref<128x128xf32, #tpu.memory_space<hbm>>) target_semaphore(%dma_start3A_534 : memref<!tpu.dma_semaphore, #tpu.memory_space<semaphore_mem>>)
            "tpu.trace_stop"() : () -> ()
          } else {
          }
          %and3A_421 = arith.constant true
          %and3A_422 = arith.andi %or3A_417, %and3A_421 : i1
          %add3A_423 = arith.constant 1 : i32
          %add3A_424 = arith.addi %while3A_185, %add3A_423 : i32
          %select_n3A_425 = arith.select %and3A_422, %add3A_424, %while3A_185 : i32
          %ne3A_426 = arith.cmpi ne, %add3A_197, %add3A_215 : i32
          %or3A_427 = arith.constant false
          %or3A_428 = arith.ori %or3A_427, %ne3A_426 : i1
          %or3A_429 = arith.constant false
          %or3A_430 = arith.ori %or3A_428, %or3A_429 : i1
          %or3A_431 = arith.ori %or3A_430, %eq3A_196 : i1
          %convert_element_type3A_432 = arith.extui %or3A_431 : i1 to i32
          %cond3A_433 = arith.constant 0 : i32
          %cond3A_434 = arith.cmpi ne, %convert_element_type3A_432, %cond3A_433 : i32
          scf.if %cond3A_434 {
            "tpu.trace_start"() <{level = 10 : i32, message = "ep_copy_out"}> : () -> ()
            %rem3A_523 = arith.constant 2 : i32
            %rem3A_524 = arith.remui %while3A_187, %rem3A_523 : i32
            %mul3A_525 = arith.constant 128 : i32
            %mul3A_526 = arith.muli %mul3A_525, %add3A_197 : i32
            %dma_start3A_527 = arith.constant 0 : i32
            %dma_start3A_528 = arith.constant 0 : i32
            %dma_start3A_529 = tpu.memref_slice %run_scoped3A_22[%rem3A_524, %dma_start3A_527, %dma_start3A_528] : memref<2x128x128xf32, #tpu.memory_space<vmem>> -> memref<1x128x128xf32, #tpu.memory_space<vmem>>
            %dma_start3A_530 = tpu.memref_squeeze %dma_start3A_529 : memref<1x128x128xf32, #tpu.memory_space<vmem>> -> memref<128x128xf32, #tpu.memory_space<vmem>>
            %dma_start3A_531 = arith.constant 0 : i32
            %dma_start3A_532 = tpu.memref_slice %arg7[%mul3A_526, %dma_start3A_531] : memref<320000x128xf32, #tpu.memory_space<hbm>> -> memref<128x128xf32, #tpu.memory_space<hbm>>
            %dma_start3A_533 = tpu.memref_slice %run_scoped3A_23[%rem3A_524] : memref<2x!tpu.dma_semaphore, #tpu.memory_space<semaphore_mem>> -> memref<1x!tpu.dma_semaphore, #tpu.memory_space<semaphore_mem>>
            %dma_start3A_534 = tpu.memref_squeeze %dma_start3A_533 : memref<1x!tpu.dma_semaphore, #tpu.memory_space<semaphore_mem>> -> memref<!tpu.dma_semaphore, #tpu.memory_space<semaphore_mem>>
            %dma_start3A_535 = arith.constant 0 : i32
            %dma_start3A_536 = tpu.memref_slice %arg7[%mul3A_526, %dma_start3A_535] : memref<320000x128xf32, #tpu.memory_space<hbm>> -> memref<128x128xf32, #tpu.memory_space<hbm>>
            %dma_start3A_537 = arith.constant 0 : i32
            %dma_start3A_538 = arith.constant 0 : i32
            %dma_start3A_539 = tpu.memref_slice %run_scoped3A_22[%rem3A_524, %dma_start3A_537, %dma_start3A_538] : memref<2x128x128xf32, #tpu.memory_space<vmem>> -> memref<1x128x128xf32, #tpu.memory_space<vmem>>
            %dma_start3A_540 = tpu.memref_squeeze %dma_start3A_539 : memref<1x128x128xf32, #tpu.memory_space<vmem>> -> memref<128x128xf32, #tpu.memory_space<vmem>>
            tpu.enqueue_dma source(%dma_start3A_540 : memref<128x128xf32, #tpu.memory_space<vmem>>) target(%dma_start3A_536 : memref<128x128xf32, #tpu.memory_space<hbm>>) target_semaphore(%dma_start3A_534 : memref<!tpu.dma_semaphore, #tpu.memory_space<semaphore_mem>>)
            "tpu.trace_stop"() : () -> ()
          } else {
          }
          %and3A_435 = arith.constant true
          %and3A_436 = arith.andi %or3A_431, %and3A_435 : i1
          %add3A_437 = arith.constant 1 : i32
          %add3A_438 = arith.addi %while3A_187, %add3A_437 : i32
          %select_n3A_439 = arith.select %and3A_436, %add3A_438, %while3A_187 : i32
          %ne3A_440 = arith.cmpi ne, %add3A_197, %add3A_207 : i32
          %or3A_441 = arith.constant false
          %or3A_442 = arith.ori %or3A_441, %ne3A_440 : i1
          %or3A_443 = arith.constant false
          %or3A_444 = arith.ori %or3A_442, %or3A_443 : i1
          %not3A_445 = arith.constant true
          %not3A_446 = arith.xori %eq3A_193, %not3A_445 : i1
          %and3A_447 = arith.andi %or3A_444, %not3A_446 : i1
          %convert_element_type3A_448 = arith.extui %and3A_447 : i1 to i32
          %cond3A_449 = arith.constant 0 : i32
          %cond3A_450 = arith.cmpi ne, %convert_element_type3A_448, %cond3A_449 : i32
          scf.if %cond3A_450 {
          } else {
          }
          %and3A_451 = arith.constant false
          %and3A_452 = arith.andi %and3A_447, %and3A_451 : i1
          %ne3A_453 = arith.cmpi ne, %add3A_197, %add3A_207 : i32
          %or3A_454 = arith.constant false
          %or3A_455 = arith.ori %or3A_454, %ne3A_453 : i1
          %or3A_456 = arith.constant false
          %or3A_457 = arith.ori %or3A_455, %or3A_456 : i1
          %not3A_458 = arith.constant true
          %not3A_459 = arith.xori %eq3A_193, %not3A_458 : i1
          %and3A_460 = arith.andi %or3A_457, %not3A_459 : i1
          %convert_element_type3A_461 = arith.extui %and3A_460 : i1 to i32
          %cond3A_462 = arith.constant 0 : i32
          %cond3A_463 = arith.cmpi ne, %convert_element_type3A_461, %cond3A_462 : i32
          scf.if %cond3A_463 {
          } else {
          }
          %and3A_464 = arith.constant false
          %and3A_465 = arith.andi %and3A_460, %and3A_464 : i1
          %ne3A_466 = arith.cmpi ne, %add3A_197, %add3A_207 : i32
          %or3A_467 = arith.constant false
          %or3A_468 = arith.ori %or3A_467, %ne3A_466 : i1
          %or3A_469 = arith.constant false
          %or3A_470 = arith.ori %or3A_468, %or3A_469 : i1
          %not3A_471 = arith.constant true
          %not3A_472 = arith.xori %eq3A_193, %not3A_471 : i1
          %and3A_473 = arith.andi %or3A_470, %not3A_472 : i1
          %convert_element_type3A_474 = arith.extui %and3A_473 : i1 to i32
          %cond3A_475 = arith.constant 0 : i32
          %cond3A_476 = arith.cmpi ne, %convert_element_type3A_474, %cond3A_475 : i32
          scf.if %cond3A_476 {
            "tpu.trace_start"() <{level = 10 : i32, message = "ep_wait_out"}> : () -> ()
            %rem3A_523 = arith.constant 2 : i32
            %rem3A_524 = arith.remui %while3A_186, %rem3A_523 : i32
            %mul3A_525 = arith.constant 128 : i32
            %mul3A_526 = arith.muli %mul3A_525, %add3A_207 : i32
            %dma_wait3A_527 = arith.constant 0 : i32
            %dma_wait3A_528 = arith.constant 0 : i32
            %dma_wait3A_529 = tpu.memref_slice %run_scoped3A_20[%rem3A_524, %dma_wait3A_527, %dma_wait3A_528] : memref<2x128x128xf32, #tpu.memory_space<vmem>> -> memref<1x128x128xf32, #tpu.memory_space<vmem>>
            %dma_wait3A_530 = tpu.memref_squeeze %dma_wait3A_529 : memref<1x128x128xf32, #tpu.memory_space<vmem>> -> memref<128x128xf32, #tpu.memory_space<vmem>>
            %dma_wait3A_531 = arith.constant 0 : i32
            %dma_wait3A_532 = tpu.memref_slice %arg6[%mul3A_526, %dma_wait3A_531] : memref<320000x128xf32, #tpu.memory_space<hbm>> -> memref<128x128xf32, #tpu.memory_space<hbm>>
            %dma_wait3A_533 = tpu.memref_slice %run_scoped3A_21[%rem3A_524] : memref<2x!tpu.dma_semaphore, #tpu.memory_space<semaphore_mem>> -> memref<1x!tpu.dma_semaphore, #tpu.memory_space<semaphore_mem>>
            %dma_wait3A_534 = tpu.memref_squeeze %dma_wait3A_533 : memref<1x!tpu.dma_semaphore, #tpu.memory_space<semaphore_mem>> -> memref<!tpu.dma_semaphore, #tpu.memory_space<semaphore_mem>>
            %dma_wait3A_535 = arith.constant 0 : i32
            %dma_wait3A_536 = tpu.memref_slice %arg6[%mul3A_526, %dma_wait3A_535] : memref<320000x128xf32, #tpu.memory_space<hbm>> -> memref<128x128xf32, #tpu.memory_space<hbm>>
            %dma_wait3A_537 = arith.constant 0 : i32
            %dma_wait3A_538 = arith.constant 0 : i32
            %dma_wait3A_539 = tpu.memref_slice %run_scoped3A_20[%rem3A_524, %dma_wait3A_537, %dma_wait3A_538] : memref<2x128x128xf32, #tpu.memory_space<vmem>> -> memref<1x128x128xf32, #tpu.memory_space<vmem>>
            %dma_wait3A_540 = tpu.memref_squeeze %dma_wait3A_539 : memref<1x128x128xf32, #tpu.memory_space<vmem>> -> memref<128x128xf32, #tpu.memory_space<vmem>>
            tpu.wait_dma2 semaphore(%dma_wait3A_534 : memref<!tpu.dma_semaphore, #tpu.memory_space<semaphore_mem>>) src(%dma_wait3A_540 : memref<128x128xf32, #tpu.memory_space<vmem>>) dst(%dma_wait3A_536 : memref<128x128xf32, #tpu.memory_space<hbm>>)
            "tpu.trace_stop"() : () -> ()
          } else {
          }
          %and3A_477 = arith.constant true
          %and3A_478 = arith.andi %and3A_473, %and3A_477 : i1
          %add3A_479 = arith.constant 1 : i32
          %add3A_480 = arith.addi %while3A_186, %add3A_479 : i32
          %select_n3A_481 = arith.select %and3A_478, %add3A_480, %while3A_186 : i32
          %ne3A_482 = arith.cmpi ne, %add3A_197, %add3A_207 : i32
          %or3A_483 = arith.constant false
          %or3A_484 = arith.ori %or3A_483, %ne3A_482 : i1
          %or3A_485 = arith.constant false
          %or3A_486 = arith.ori %or3A_484, %or3A_485 : i1
          %not3A_487 = arith.constant true
          %not3A_488 = arith.xori %eq3A_193, %not3A_487 : i1
          %and3A_489 = arith.andi %or3A_486, %not3A_488 : i1
          %convert_element_type3A_490 = arith.extui %and3A_489 : i1 to i32
          %cond3A_491 = arith.constant 0 : i32
          %cond3A_492 = arith.cmpi ne, %convert_element_type3A_490, %cond3A_491 : i32
          scf.if %cond3A_492 {
            "tpu.trace_start"() <{level = 10 : i32, message = "ep_wait_out"}> : () -> ()
            %rem3A_523 = arith.constant 2 : i32
            %rem3A_524 = arith.remui %while3A_188, %rem3A_523 : i32
            %mul3A_525 = arith.constant 128 : i32
            %mul3A_526 = arith.muli %mul3A_525, %add3A_207 : i32
            %dma_wait3A_527 = arith.constant 0 : i32
            %dma_wait3A_528 = arith.constant 0 : i32
            %dma_wait3A_529 = tpu.memref_slice %run_scoped3A_22[%rem3A_524, %dma_wait3A_527, %dma_wait3A_528] : memref<2x128x128xf32, #tpu.memory_space<vmem>> -> memref<1x128x128xf32, #tpu.memory_space<vmem>>
            %dma_wait3A_530 = tpu.memref_squeeze %dma_wait3A_529 : memref<1x128x128xf32, #tpu.memory_space<vmem>> -> memref<128x128xf32, #tpu.memory_space<vmem>>
            %dma_wait3A_531 = arith.constant 0 : i32
            %dma_wait3A_532 = tpu.memref_slice %arg7[%mul3A_526, %dma_wait3A_531] : memref<320000x128xf32, #tpu.memory_space<hbm>> -> memref<128x128xf32, #tpu.memory_space<hbm>>
            %dma_wait3A_533 = tpu.memref_slice %run_scoped3A_23[%rem3A_524] : memref<2x!tpu.dma_semaphore, #tpu.memory_space<semaphore_mem>> -> memref<1x!tpu.dma_semaphore, #tpu.memory_space<semaphore_mem>>
            %dma_wait3A_534 = tpu.memref_squeeze %dma_wait3A_533 : memref<1x!tpu.dma_semaphore, #tpu.memory_space<semaphore_mem>> -> memref<!tpu.dma_semaphore, #tpu.memory_space<semaphore_mem>>
            %dma_wait3A_535 = arith.constant 0 : i32
            %dma_wait3A_536 = tpu.memref_slice %arg7[%mul3A_526, %dma_wait3A_535] : memref<320000x128xf32, #tpu.memory_space<hbm>> -> memref<128x128xf32, #tpu.memory_space<hbm>>
            %dma_wait3A_537 = arith.constant 0 : i32
            %dma_wait3A_538 = arith.constant 0 : i32
            %dma_wait3A_539 = tpu.memref_slice %run_scoped3A_22[%rem3A_524, %dma_wait3A_537, %dma_wait3A_538] : memref<2x128x128xf32, #tpu.memory_space<vmem>> -> memref<1x128x128xf32, #tpu.memory_space<vmem>>
            %dma_wait3A_540 = tpu.memref_squeeze %dma_wait3A_539 : memref<1x128x128xf32, #tpu.memory_space<vmem>> -> memref<128x128xf32, #tpu.memory_space<vmem>>
            tpu.wait_dma2 semaphore(%dma_wait3A_534 : memref<!tpu.dma_semaphore, #tpu.memory_space<semaphore_mem>>) src(%dma_wait3A_540 : memref<128x128xf32, #tpu.memory_space<vmem>>) dst(%dma_wait3A_536 : memref<128x128xf32, #tpu.memory_space<hbm>>)
            "tpu.trace_stop"() : () -> ()
          } else {
          }
          %and3A_493 = arith.constant true
          %and3A_494 = arith.andi %and3A_489, %and3A_493 : i1
          %add3A_495 = arith.constant 1 : i32
          %add3A_496 = arith.addi %while3A_188, %add3A_495 : i32
          %select_n3A_497 = arith.select %and3A_494, %add3A_496, %while3A_188 : i32
          %ne3A_498 = arith.cmpi ne, %add3A_197, %add3A_215 : i32
          %or3A_499 = arith.constant false
          %or3A_500 = arith.ori %or3A_499, %ne3A_498 : i1
          %or3A_501 = arith.constant false
          %or3A_502 = arith.ori %or3A_500, %or3A_501 : i1
          %or3A_503 = arith.ori %or3A_502, %eq3A_196 : i1
          %add3A_504 = arith.constant 1 : i32
          %add3A_505 = arith.addi %while3A_182, %add3A_504 : i32
          %select_n3A_506 = arith.select %or3A_503, %add3A_505, %while3A_182 : i32
          %ne3A_507 = arith.cmpi ne, %add3A_197, %add3A_215 : i32
          %or3A_508 = arith.constant false
          %or3A_509 = arith.ori %or3A_508, %ne3A_507 : i1
          %or3A_510 = arith.constant false
          %or3A_511 = arith.ori %or3A_509, %or3A_510 : i1
          %or3A_512 = arith.ori %or3A_511, %eq3A_196 : i1
          %add3A_513 = arith.constant 1 : i32
          %add3A_514 = arith.addi %while3A_184, %add3A_513 : i32
          %select_n3A_515 = arith.select %or3A_512, %add3A_514, %while3A_184 : i32
          %add3A_516 = arith.constant 1 : i32
          %add3A_517 = arith.addi %while3A_189, %add3A_516 : i32
          %select_n3A_518 = arith.constant true
          %select_n3A_519 = arith.select %select_n3A_518, %add3A_517, %while3A_189 : i32
          %eq3A_520 = arith.cmpi eq, %select_n3A_519, %select_n3A : i32
          %select_n3A_521 = arith.constant 0 : i32
          %select_n3A_522 = arith.select %eq3A_520, %select_n3A_521, %select_n3A_519 : i32
          scf.yield %select_n3A_239, %select_n3A_506, %select_n3A_260, %select_n3A_515, %select_n3A_425, %select_n3A_481, %select_n3A_439, %select_n3A_497, %select_n3A_522 : i32, i32, i32, i32, i32, i32, i32, i32, i32
        }
        %while3A_121 = arith.constant 1 : i32
        %while3A_122:9 = scf.for %while3A_180 = %while3A_118 to %while3A_114 step %while3A_121 iter_args(%while3A_181 = %while3A_120#0, %while3A_182 = %while3A_120#1, %while3A_183 = %while3A_120#2, %while3A_184 = %while3A_120#3, %while3A_185 = %while3A_120#4, %while3A_186 = %while3A_120#5, %while3A_187 = %while3A_120#6, %while3A_188 = %while3A_120#7, %while3A_189 = %while3A_120#8) -> (i32, i32, i32, i32, i32, i32, i32, i32, i32)  : i32 {
          %mul3A_190 = arith.constant 1 : i32
          %mul3A_191 = arith.muli %mul3A_190, %select_n3A : i32
          %eq3A_192 = arith.constant 0 : i32
          %eq3A_193 = arith.cmpi eq, %while3A_180, %eq3A_192 : i32
          %sub3A_194 = arith.constant 1 : i32
          %sub3A_195 = arith.subi %mul3A_191, %sub3A_194 : i32
          %eq3A_196 = arith.cmpi eq, %while3A_180, %sub3A_195 : i32
          %add3A_197 = arith.addi %while3A_189, %select_n3A_14 : i32
          %sub3A_198 = arith.constant 1 : i32
          %sub3A_199 = arith.subi %while3A_189, %sub3A_198 : i32
          %select_n3A_200 = arith.constant true
          %select_n3A_201 = arith.select %select_n3A_200, %sub3A_199, %while3A_189 : i32
          %eq3A_202 = arith.constant -1 : i32
          %eq3A_203 = arith.cmpi eq, %select_n3A_201, %eq3A_202 : i32
          %sub3A_204 = arith.constant 1 : i32
          %sub3A_205 = arith.subi %select_n3A, %sub3A_204 : i32
          %select_n3A_206 = arith.select %eq3A_203, %sub3A_205, %select_n3A_201 : i32
          %add3A_207 = arith.addi %select_n3A_206, %select_n3A_14 : i32
          %add3A_208 = arith.constant 1 : i32
          %add3A_209 = arith.addi %while3A_189, %add3A_208 : i32
          %select_n3A_210 = arith.constant true
          %select_n3A_211 = arith.select %select_n3A_210, %add3A_209, %while3A_189 : i32
          %eq3A_212 = arith.cmpi eq, %select_n3A_211, %select_n3A : i32
          %select_n3A_213 = arith.constant 0 : i32
          %select_n3A_214 = arith.select %eq3A_212, %select_n3A_213, %select_n3A_211 : i32
          %add3A_215 = arith.addi %select_n3A_214, %select_n3A_14 : i32
          %add3A_216 = arith.constant 1 : i32
          %add3A_217 = arith.addi %select_n3A_214, %add3A_216 : i32
          %select_n3A_218 = arith.constant true
          %select_n3A_219 = arith.select %select_n3A_218, %add3A_217, %select_n3A_214 : i32
          %eq3A_220 = arith.cmpi eq, %select_n3A_219, %select_n3A : i32
          %select_n3A_221 = arith.constant 0 : i32
          %select_n3A_222 = arith.select %eq3A_220, %select_n3A_221, %select_n3A_219 : i32
          %add3A_223 = arith.addi %select_n3A_222, %select_n3A_14 : i32
          %ne3A = arith.cmpi ne, %add3A_197, %add3A_215 : i32
          %or3A = arith.constant false
          %or3A_224 = arith.ori %or3A, %ne3A : i1
          %or3A_225 = arith.constant false
          %or3A_226 = arith.ori %or3A_224, %or3A_225 : i1
          %sub3A_227 = arith.constant 2 : i32
          %sub3A_228 = arith.subi %mul3A_191, %sub3A_227 : i32
          %add3A_229 = arith.constant 1 : i32
          %add3A_230 = arith.addi %sub3A_228, %add3A_229 : i32
          %ge3A = arith.cmpi sge, %while3A_180, %add3A_230 : i32
          %not3A = arith.constant true
          %not3A_231 = arith.xori %ge3A, %not3A : i1
          %and3A = arith.andi %or3A_226, %not3A_231 : i1
          %convert_element_type3A_232 = arith.extui %and3A : i1 to i32
          %cond3A_233 = arith.constant 0 : i32
          %cond3A_234 = arith.cmpi ne, %convert_element_type3A_232, %cond3A_233 : i32
          scf.if %cond3A_234 {
            "tpu.trace_start"() <{level = 10 : i32, message = "ep_copy_in"}> : () -> ()
            %rem3A_523 = arith.constant 2 : i32
            %rem3A_524 = arith.remui %while3A_181, %rem3A_523 : i32
            %mul3A_525 = arith.constant 1 : i32
            %mul3A_526 = arith.muli %mul3A_525, %add3A_215 : i32
            %dma_start3A_527 = arith.constant 0 : i32
            %dma_start3A_528 = arith.constant 0 : i32
            %dma_start3A_529 = tpu.memref_slice %run_scoped3A[%rem3A_524, %dma_start3A_527, %dma_start3A_528] : memref<2x1x128xi32, #tpu.memory_space<vmem>> -> memref<1x1x128xi32, #tpu.memory_space<vmem>>
            %dma_start3A_530 = tpu.memref_squeeze %dma_start3A_529 : memref<1x1x128xi32, #tpu.memory_space<vmem>> -> memref<1x128xi32, #tpu.memory_space<vmem>>
            %dma_start3A_531 = arith.constant 0 : i32
            %dma_start3A_532 = tpu.memref_slice %arg4[%mul3A_526, %dma_start3A_531] : memref<2500x128xi32, #tpu.memory_space<hbm>> -> memref<1x128xi32, #tpu.memory_space<hbm>>
            %dma_start3A_533 = tpu.memref_slice %run_scoped3A_17[%rem3A_524] : memref<2x!tpu.dma_semaphore, #tpu.memory_space<semaphore_mem>> -> memref<1x!tpu.dma_semaphore, #tpu.memory_space<semaphore_mem>>
            %dma_start3A_534 = tpu.memref_squeeze %dma_start3A_533 : memref<1x!tpu.dma_semaphore, #tpu.memory_space<semaphore_mem>> -> memref<!tpu.dma_semaphore, #tpu.memory_space<semaphore_mem>>
            %dma_start3A_535 = arith.constant 0 : i32
            %dma_start3A_536 = arith.constant 0 : i32
            %dma_start3A_537 = tpu.memref_slice %run_scoped3A[%rem3A_524, %dma_start3A_535, %dma_start3A_536] : memref<2x1x128xi32, #tpu.memory_space<vmem>> -> memref<1x1x128xi32, #tpu.memory_space<vmem>>
            %dma_start3A_538 = tpu.memref_squeeze %dma_start3A_537 : memref<1x1x128xi32, #tpu.memory_space<vmem>> -> memref<1x128xi32, #tpu.memory_space<vmem>>
            %dma_start3A_539 = arith.constant 0 : i32
            %dma_start3A_540 = tpu.memref_slice %arg4[%mul3A_526, %dma_start3A_539] : memref<2500x128xi32, #tpu.memory_space<hbm>> -> memref<1x128xi32, #tpu.memory_space<hbm>>
            tpu.enqueue_dma source(%dma_start3A_540 : memref<1x128xi32, #tpu.memory_space<hbm>>) target(%dma_start3A_538 : memref<1x128xi32, #tpu.memory_space<vmem>>) target_semaphore(%dma_start3A_534 : memref<!tpu.dma_semaphore, #tpu.memory_space<semaphore_mem>>)
            "tpu.trace_stop"() : () -> ()
          } else {
          }
          %and3A_235 = arith.constant true
          %and3A_236 = arith.andi %and3A, %and3A_235 : i1
          %add3A_237 = arith.constant 1 : i32
          %add3A_238 = arith.addi %while3A_181, %add3A_237 : i32
          %select_n3A_239 = arith.select %and3A_236, %add3A_238, %while3A_181 : i32
          %ne3A_240 = arith.cmpi ne, %add3A_197, %add3A_215 : i32
          %or3A_241 = arith.constant false
          %or3A_242 = arith.ori %or3A_241, %ne3A_240 : i1
          %or3A_243 = arith.constant false
          %or3A_244 = arith.ori %or3A_242, %or3A_243 : i1
          %sub3A_245 = arith.constant 2 : i32
          %sub3A_246 = arith.subi %mul3A_191, %sub3A_245 : i32
          %add3A_247 = arith.constant 1 : i32
          %add3A_248 = arith.addi %sub3A_246, %add3A_247 : i32
          %ge3A_249 = arith.cmpi sge, %while3A_180, %add3A_248 : i32
          %not3A_250 = arith.constant true
          %not3A_251 = arith.xori %ge3A_249, %not3A_250 : i1
          %and3A_252 = arith.andi %or3A_244, %not3A_251 : i1
          %convert_element_type3A_253 = arith.extui %and3A_252 : i1 to i32
          %cond3A_254 = arith.constant 0 : i32
          %cond3A_255 = arith.cmpi ne, %convert_element_type3A_253, %cond3A_254 : i32
          scf.if %cond3A_255 {
            "tpu.trace_start"() <{level = 10 : i32, message = "ep_copy_in"}> : () -> ()
            %rem3A_523 = arith.constant 2 : i32
            %rem3A_524 = arith.remui %while3A_183, %rem3A_523 : i32
            %mul3A_525 = arith.constant 1 : i32
            %mul3A_526 = arith.muli %mul3A_525, %add3A_215 : i32
            %dma_start3A_527 = arith.constant 0 : i32
            %dma_start3A_528 = arith.constant 0 : i32
            %dma_start3A_529 = tpu.memref_slice %run_scoped3A_18[%rem3A_524, %dma_start3A_527, %dma_start3A_528] : memref<2x1x128xi32, #tpu.memory_space<vmem>> -> memref<1x1x128xi32, #tpu.memory_space<vmem>>
            %dma_start3A_530 = tpu.memref_squeeze %dma_start3A_529 : memref<1x1x128xi32, #tpu.memory_space<vmem>> -> memref<1x128xi32, #tpu.memory_space<vmem>>
            %dma_start3A_531 = arith.constant 0 : i32
            %dma_start3A_532 = tpu.memref_slice %arg5[%mul3A_526, %dma_start3A_531] : memref<2500x128xi32, #tpu.memory_space<hbm>> -> memref<1x128xi32, #tpu.memory_space<hbm>>
            %dma_start3A_533 = tpu.memref_slice %run_scoped3A_19[%rem3A_524] : memref<2x!tpu.dma_semaphore, #tpu.memory_space<semaphore_mem>> -> memref<1x!tpu.dma_semaphore, #tpu.memory_space<semaphore_mem>>
            %dma_start3A_534 = tpu.memref_squeeze %dma_start3A_533 : memref<1x!tpu.dma_semaphore, #tpu.memory_space<semaphore_mem>> -> memref<!tpu.dma_semaphore, #tpu.memory_space<semaphore_mem>>
            %dma_start3A_535 = arith.constant 0 : i32
            %dma_start3A_536 = arith.constant 0 : i32
            %dma_start3A_537 = tpu.memref_slice %run_scoped3A_18[%rem3A_524, %dma_start3A_535, %dma_start3A_536] : memref<2x1x128xi32, #tpu.memory_space<vmem>> -> memref<1x1x128xi32, #tpu.memory_space<vmem>>
            %dma_start3A_538 = tpu.memref_squeeze %dma_start3A_537 : memref<1x1x128xi32, #tpu.memory_space<vmem>> -> memref<1x128xi32, #tpu.memory_space<vmem>>
            %dma_start3A_539 = arith.constant 0 : i32
            %dma_start3A_540 = tpu.memref_slice %arg5[%mul3A_526, %dma_start3A_539] : memref<2500x128xi32, #tpu.memory_space<hbm>> -> memref<1x128xi32, #tpu.memory_space<hbm>>
            tpu.enqueue_dma source(%dma_start3A_540 : memref<1x128xi32, #tpu.memory_space<hbm>>) target(%dma_start3A_538 : memref<1x128xi32, #tpu.memory_space<vmem>>) target_semaphore(%dma_start3A_534 : memref<!tpu.dma_semaphore, #tpu.memory_space<semaphore_mem>>)
            "tpu.trace_stop"() : () -> ()
          } else {
          }
          %and3A_256 = arith.constant true
          %and3A_257 = arith.andi %and3A_252, %and3A_256 : i1
          %add3A_258 = arith.constant 1 : i32
          %add3A_259 = arith.addi %while3A_183, %add3A_258 : i32
          %select_n3A_260 = arith.select %and3A_257, %add3A_259, %while3A_183 : i32
          %ne3A_261 = arith.cmpi ne, %add3A_197, %add3A_215 : i32
          %or3A_262 = arith.constant false
          %or3A_263 = arith.ori %or3A_262, %ne3A_261 : i1
          %or3A_264 = arith.constant false
          %or3A_265 = arith.ori %or3A_263, %or3A_264 : i1
          %sub3A_266 = arith.constant 2 : i32
          %sub3A_267 = arith.subi %mul3A_191, %sub3A_266 : i32
          %add3A_268 = arith.constant 1 : i32
          %add3A_269 = arith.addi %sub3A_267, %add3A_268 : i32
          %ge3A_270 = arith.cmpi sge, %while3A_180, %add3A_269 : i32
          %not3A_271 = arith.constant true
          %not3A_272 = arith.xori %ge3A_270, %not3A_271 : i1
          %and3A_273 = arith.andi %or3A_265, %not3A_272 : i1
          %ne3A_274 = arith.cmpi ne, %add3A_197, %add3A_215 : i32
          %or3A_275 = arith.constant false
          %or3A_276 = arith.ori %or3A_275, %ne3A_274 : i1
          %or3A_277 = arith.constant false
          %or3A_278 = arith.ori %or3A_276, %or3A_277 : i1
          %sub3A_279 = arith.constant 2 : i32
          %sub3A_280 = arith.subi %mul3A_191, %sub3A_279 : i32
          %add3A_281 = arith.constant 1 : i32
          %add3A_282 = arith.addi %sub3A_280, %add3A_281 : i32
          %ge3A_283 = arith.cmpi sge, %while3A_180, %add3A_282 : i32
          %not3A_284 = arith.constant true
          %not3A_285 = arith.xori %ge3A_283, %not3A_284 : i1
          %and3A_286 = arith.andi %or3A_278, %not3A_285 : i1
          %ne3A_287 = arith.cmpi ne, %add3A_197, %add3A_207 : i32
          %or3A_288 = arith.constant false
          %or3A_289 = arith.ori %or3A_288, %ne3A_287 : i1
          %or3A_290 = arith.constant false
          %or3A_291 = arith.ori %or3A_289, %or3A_290 : i1
          %or3A_292 = arith.ori %or3A_291, %eq3A_193 : i1
          %convert_element_type3A_293 = arith.extui %or3A_292 : i1 to i32
          %cond3A_294 = arith.constant 0 : i32
          %cond3A_295 = arith.cmpi ne, %convert_element_type3A_293, %cond3A_294 : i32
          scf.if %cond3A_295 {
            "tpu.trace_start"() <{level = 10 : i32, message = "ep_wait_in"}> : () -> ()
            %mul3A_523 = arith.constant 1 : i32
            %mul3A_524 = arith.muli %mul3A_523, %add3A_197 : i32
            %rem3A_525 = arith.constant 2 : i32
            %rem3A_526 = arith.remui %while3A_182, %rem3A_525 : i32
            %dma_wait3A_527 = arith.constant 0 : i32
            %dma_wait3A_528 = arith.constant 0 : i32
            %dma_wait3A_529 = tpu.memref_slice %run_scoped3A[%rem3A_526, %dma_wait3A_527, %dma_wait3A_528] : memref<2x1x128xi32, #tpu.memory_space<vmem>> -> memref<1x1x128xi32, #tpu.memory_space<vmem>>
            %dma_wait3A_530 = tpu.memref_squeeze %dma_wait3A_529 : memref<1x1x128xi32, #tpu.memory_space<vmem>> -> memref<1x128xi32, #tpu.memory_space<vmem>>
            %dma_wait3A_531 = arith.constant 0 : i32
            %dma_wait3A_532 = tpu.memref_slice %arg4[%mul3A_524, %dma_wait3A_531] : memref<2500x128xi32, #tpu.memory_space<hbm>> -> memref<1x128xi32, #tpu.memory_space<hbm>>
            %dma_wait3A_533 = tpu.memref_slice %run_scoped3A_17[%rem3A_526] : memref<2x!tpu.dma_semaphore, #tpu.memory_space<semaphore_mem>> -> memref<1x!tpu.dma_semaphore, #tpu.memory_space<semaphore_mem>>
            %dma_wait3A_534 = tpu.memref_squeeze %dma_wait3A_533 : memref<1x!tpu.dma_semaphore, #tpu.memory_space<semaphore_mem>> -> memref<!tpu.dma_semaphore, #tpu.memory_space<semaphore_mem>>
            %dma_wait3A_535 = arith.constant 0 : i32
            %dma_wait3A_536 = arith.constant 0 : i32
            %dma_wait3A_537 = tpu.memref_slice %run_scoped3A[%rem3A_526, %dma_wait3A_535, %dma_wait3A_536] : memref<2x1x128xi32, #tpu.memory_space<vmem>> -> memref<1x1x128xi32, #tpu.memory_space<vmem>>
            %dma_wait3A_538 = tpu.memref_squeeze %dma_wait3A_537 : memref<1x1x128xi32, #tpu.memory_space<vmem>> -> memref<1x128xi32, #tpu.memory_space<vmem>>
            %dma_wait3A_539 = arith.constant 0 : i32
            %dma_wait3A_540 = tpu.memref_slice %arg4[%mul3A_524, %dma_wait3A_539] : memref<2500x128xi32, #tpu.memory_space<hbm>> -> memref<1x128xi32, #tpu.memory_space<hbm>>
            tpu.wait_dma2 semaphore(%dma_wait3A_534 : memref<!tpu.dma_semaphore, #tpu.memory_space<semaphore_mem>>) src(%dma_wait3A_540 : memref<1x128xi32, #tpu.memory_space<hbm>>) dst(%dma_wait3A_538 : memref<1x128xi32, #tpu.memory_space<vmem>>)
            "tpu.trace_stop"() : () -> ()
          } else {
          }
          %ne3A_296 = arith.cmpi ne, %add3A_197, %add3A_207 : i32
          %or3A_297 = arith.constant false
          %or3A_298 = arith.ori %or3A_297, %ne3A_296 : i1
          %or3A_299 = arith.constant false
          %or3A_300 = arith.ori %or3A_298, %or3A_299 : i1
          %or3A_301 = arith.ori %or3A_300, %eq3A_193 : i1
          %convert_element_type3A_302 = arith.extui %or3A_301 : i1 to i32
          %cond3A_303 = arith.constant 0 : i32
          %cond3A_304 = arith.cmpi ne, %convert_element_type3A_302, %cond3A_303 : i32
          scf.if %cond3A_304 {
            "tpu.trace_start"() <{level = 10 : i32, message = "ep_wait_in"}> : () -> ()
            %mul3A_523 = arith.constant 1 : i32
            %mul3A_524 = arith.muli %mul3A_523, %add3A_197 : i32
            %rem3A_525 = arith.constant 2 : i32
            %rem3A_526 = arith.remui %while3A_184, %rem3A_525 : i32
            %dma_wait3A_527 = arith.constant 0 : i32
            %dma_wait3A_528 = arith.constant 0 : i32
            %dma_wait3A_529 = tpu.memref_slice %run_scoped3A_18[%rem3A_526, %dma_wait3A_527, %dma_wait3A_528] : memref<2x1x128xi32, #tpu.memory_space<vmem>> -> memref<1x1x128xi32, #tpu.memory_space<vmem>>
            %dma_wait3A_530 = tpu.memref_squeeze %dma_wait3A_529 : memref<1x1x128xi32, #tpu.memory_space<vmem>> -> memref<1x128xi32, #tpu.memory_space<vmem>>
            %dma_wait3A_531 = arith.constant 0 : i32
            %dma_wait3A_532 = tpu.memref_slice %arg5[%mul3A_524, %dma_wait3A_531] : memref<2500x128xi32, #tpu.memory_space<hbm>> -> memref<1x128xi32, #tpu.memory_space<hbm>>
            %dma_wait3A_533 = tpu.memref_slice %run_scoped3A_19[%rem3A_526] : memref<2x!tpu.dma_semaphore, #tpu.memory_space<semaphore_mem>> -> memref<1x!tpu.dma_semaphore, #tpu.memory_space<semaphore_mem>>
            %dma_wait3A_534 = tpu.memref_squeeze %dma_wait3A_533 : memref<1x!tpu.dma_semaphore, #tpu.memory_space<semaphore_mem>> -> memref<!tpu.dma_semaphore, #tpu.memory_space<semaphore_mem>>
            %dma_wait3A_535 = arith.constant 0 : i32
            %dma_wait3A_536 = arith.constant 0 : i32
            %dma_wait3A_537 = tpu.memref_slice %run_scoped3A_18[%rem3A_526, %dma_wait3A_535, %dma_wait3A_536] : memref<2x1x128xi32, #tpu.memory_space<vmem>> -> memref<1x1x128xi32, #tpu.memory_space<vmem>>
            %dma_wait3A_538 = tpu.memref_squeeze %dma_wait3A_537 : memref<1x1x128xi32, #tpu.memory_space<vmem>> -> memref<1x128xi32, #tpu.memory_space<vmem>>
            %dma_wait3A_539 = arith.constant 0 : i32
            %dma_wait3A_540 = tpu.memref_slice %arg5[%mul3A_524, %dma_wait3A_539] : memref<2500x128xi32, #tpu.memory_space<hbm>> -> memref<1x128xi32, #tpu.memory_space<hbm>>
            tpu.wait_dma2 semaphore(%dma_wait3A_534 : memref<!tpu.dma_semaphore, #tpu.memory_space<semaphore_mem>>) src(%dma_wait3A_540 : memref<1x128xi32, #tpu.memory_space<hbm>>) dst(%dma_wait3A_538 : memref<1x128xi32, #tpu.memory_space<vmem>>)
            "tpu.trace_stop"() : () -> ()
          } else {
          }
          %ne3A_305 = arith.cmpi ne, %add3A_197, %add3A_207 : i32
          %or3A_306 = arith.constant false
          %or3A_307 = arith.ori %or3A_306, %ne3A_305 : i1
          %or3A_308 = arith.constant false
          %or3A_309 = arith.ori %or3A_307, %or3A_308 : i1
          %or3A_310 = arith.ori %or3A_309, %eq3A_193 : i1
          %convert_element_type3A_311 = arith.extui %or3A_310 : i1 to i32
          %cond3A_312 = arith.constant 0 : i32
          %cond3A_313 = arith.cmpi ne, %convert_element_type3A_311, %cond3A_312 : i32
          scf.if %cond3A_313 {
          } else {
          }
          %ne3A_314 = arith.cmpi ne, %add3A_197, %add3A_207 : i32
          %or3A_315 = arith.constant false
          %or3A_316 = arith.ori %or3A_315, %ne3A_314 : i1
          %or3A_317 = arith.constant false
          %or3A_318 = arith.ori %or3A_316, %or3A_317 : i1
          %or3A_319 = arith.ori %or3A_318, %eq3A_193 : i1
          %convert_element_type3A_320 = arith.extui %or3A_319 : i1 to i32
          %cond3A_321 = arith.constant 0 : i32
          %cond3A_322 = arith.cmpi ne, %convert_element_type3A_320, %cond3A_321 : i32
          scf.if %cond3A_322 {
          } else {
          }
          %rem3A_323 = arith.constant 2 : i32
          %rem3A_324 = arith.remui %while3A_182, %rem3A_323 : i32
          %rem3A_325 = arith.constant 2 : i32
          %rem3A_326 = arith.remui %while3A_184, %rem3A_325 : i32
          %rem3A_327 = arith.constant 2 : i32
          %rem3A_328 = arith.remui %while3A_185, %rem3A_327 : i32
          %rem3A_329 = arith.constant 2 : i32
          %rem3A_330 = arith.remui %while3A_187, %rem3A_329 : i32
          %dma_start3A_331 = arith.constant 0 : i32
          "tpu.trace_start"() <{level = 10 : i32, message = "ep_run_kernel"}> : () -> ()
          %dma_start3A_332 = arith.constant 0 : i32
          %dma_start3A_333 = arith.constant 0 : i32
          %dma_start3A_334 = tpu.memref_slice %run_scoped3A_20[%rem3A_328, %dma_start3A_332, %dma_start3A_333] : memref<2x128x128xf32, #tpu.memory_space<vmem>> -> memref<1x128x128xf32, #tpu.memory_space<vmem>>
          %dma_start3A_335 = tpu.memref_squeeze %dma_start3A_334 : memref<1x128x128xf32, #tpu.memory_space<vmem>> -> memref<128x128xf32, #tpu.memory_space<vmem>>
          %dma_start3A_336 = arith.constant 0 : i32
          %dma_start3A_337 = arith.constant 0 : i32
          %dma_start3A_338 = tpu.memref_slice %run_scoped3A[%rem3A_324, %dma_start3A_336, %dma_start3A_337] : memref<2x1x128xi32, #tpu.memory_space<vmem>> -> memref<1x1x128xi32, #tpu.memory_space<vmem>>
          %dma_start3A_339 = tpu.memref_squeeze %dma_start3A_338 : memref<1x1x128xi32, #tpu.memory_space<vmem>> -> memref<1x128xi32, #tpu.memory_space<vmem>>
          %dma_start3A_340 = arith.constant 0 : i32
          %dma_start3A_341 = tpu.memref_slice %dma_start3A_339[%dma_start3A_331, %dma_start3A_340] : memref<1x128xi32, #tpu.memory_space<vmem>> -> memref<1x128xi32, #tpu.memory_space<vmem>>
          %dma_start3A_342 = tpu.memref_squeeze %dma_start3A_341 : memref<1x128xi32, #tpu.memory_space<vmem>> -> memref<128xi32, #tpu.memory_space<vmem>>
          %dma_start3A_343 = arith.constant 0 : i32
          %dma_start3A_344 = arith.constant 0 : i32
          %dma_start3A_345 = tpu.memref_slice %arg2[%dma_start3A_343, %dma_start3A_344] : memref<10000x128xf32, #tpu.memory_space<hbm>> -> memref<10000x128xf32, #tpu.memory_space<hbm>>
          tpu.enqueue_indirect_dma source(%dma_start3A_345 : memref<10000x128xf32, #tpu.memory_space<hbm>>) target(%dma_start3A_335 : memref<128x128xf32, #tpu.memory_space<vmem>>) offsets(%dma_start3A_342 : memref<128xi32, #tpu.memory_space<vmem>>) semaphore(%arg8 : memref<!tpu.dma_semaphore, #tpu.memory_space<semaphore_mem>>)
          %dma_start3A_346 = arith.constant 0 : i32
          %dma_start3A_347 = arith.constant 0 : i32
          %dma_start3A_348 = arith.constant 0 : i32
          %dma_start3A_349 = tpu.memref_slice %run_scoped3A_22[%rem3A_330, %dma_start3A_347, %dma_start3A_348] : memref<2x128x128xf32, #tpu.memory_space<vmem>> -> memref<1x128x128xf32, #tpu.memory_space<vmem>>
          %dma_start3A_350 = tpu.memref_squeeze %dma_start3A_349 : memref<1x128x128xf32, #tpu.memory_space<vmem>> -> memref<128x128xf32, #tpu.memory_space<vmem>>
          %dma_start3A_351 = arith.constant 0 : i32
          %dma_start3A_352 = arith.constant 0 : i32
          %dma_start3A_353 = tpu.memref_slice %run_scoped3A_18[%rem3A_326, %dma_start3A_351, %dma_start3A_352] : memref<2x1x128xi32, #tpu.memory_space<vmem>> -> memref<1x1x128xi32, #tpu.memory_space<vmem>>
          %dma_start3A_354 = tpu.memref_squeeze %dma_start3A_353 : memref<1x1x128xi32, #tpu.memory_space<vmem>> -> memref<1x128xi32, #tpu.memory_space<vmem>>
          %dma_start3A_355 = arith.constant 0 : i32
          %dma_start3A_356 = tpu.memref_slice %dma_start3A_354[%dma_start3A_346, %dma_start3A_355] : memref<1x128xi32, #tpu.memory_space<vmem>> -> memref<1x128xi32, #tpu.memory_space<vmem>>
          %dma_start3A_357 = tpu.memref_squeeze %dma_start3A_356 : memref<1x128xi32, #tpu.memory_space<vmem>> -> memref<128xi32, #tpu.memory_space<vmem>>
          %dma_start3A_358 = arith.constant 0 : i32
          %dma_start3A_359 = arith.constant 0 : i32
          %dma_start3A_360 = tpu.memref_slice %arg3[%dma_start3A_358, %dma_start3A_359] : memref<10000x128xf32, #tpu.memory_space<hbm>> -> memref<10000x128xf32, #tpu.memory_space<hbm>>
          tpu.enqueue_indirect_dma source(%dma_start3A_360 : memref<10000x128xf32, #tpu.memory_space<hbm>>) target(%dma_start3A_350 : memref<128x128xf32, #tpu.memory_space<vmem>>) offsets(%dma_start3A_357 : memref<128xi32, #tpu.memory_space<vmem>>) semaphore(%arg9 : memref<!tpu.dma_semaphore, #tpu.memory_space<semaphore_mem>>)
          %dma_wait3A = arith.constant 0 : i32
          %dma_wait3A_361 = arith.constant 0 : i32
          %dma_wait3A_362 = arith.constant 0 : i32
          %dma_wait3A_363 = tpu.memref_slice %run_scoped3A_20[%rem3A_328, %dma_wait3A_361, %dma_wait3A_362] : memref<2x128x128xf32, #tpu.memory_space<vmem>> -> memref<1x128x128xf32, #tpu.memory_space<vmem>>
          %dma_wait3A_364 = tpu.memref_squeeze %dma_wait3A_363 : memref<1x128x128xf32, #tpu.memory_space<vmem>> -> memref<128x128xf32, #tpu.memory_space<vmem>>
          %dma_wait3A_365 = arith.constant 0 : i32
          %dma_wait3A_366 = arith.constant 0 : i32
          %dma_wait3A_367 = tpu.memref_slice %run_scoped3A[%rem3A_324, %dma_wait3A_365, %dma_wait3A_366] : memref<2x1x128xi32, #tpu.memory_space<vmem>> -> memref<1x1x128xi32, #tpu.memory_space<vmem>>
          %dma_wait3A_368 = tpu.memref_squeeze %dma_wait3A_367 : memref<1x1x128xi32, #tpu.memory_space<vmem>> -> memref<1x128xi32, #tpu.memory_space<vmem>>
          %dma_wait3A_369 = arith.constant 0 : i32
          %dma_wait3A_370 = tpu.memref_slice %dma_wait3A_368[%dma_wait3A, %dma_wait3A_369] : memref<1x128xi32, #tpu.memory_space<vmem>> -> memref<1x128xi32, #tpu.memory_space<vmem>>
          %dma_wait3A_371 = tpu.memref_squeeze %dma_wait3A_370 : memref<1x128xi32, #tpu.memory_space<vmem>> -> memref<128xi32, #tpu.memory_space<vmem>>
          %dma_wait3A_372 = arith.constant 0 : i32
          %dma_wait3A_373 = arith.constant 0 : i32
          %dma_wait3A_374 = tpu.memref_slice %arg2[%dma_wait3A_372, %dma_wait3A_373] : memref<10000x128xf32, #tpu.memory_space<hbm>> -> memref<10000x128xf32, #tpu.memory_space<hbm>>
          tpu.wait_indirect_dma semaphore(%arg8 : memref<!tpu.dma_semaphore, #tpu.memory_space<semaphore_mem>>) src(%dma_wait3A_374 : memref<10000x128xf32, #tpu.memory_space<hbm>>) dst(%dma_wait3A_364 : memref<128x128xf32, #tpu.memory_space<vmem>>)
          %dma_wait3A_375 = arith.constant 0 : i32
          %dma_wait3A_376 = arith.constant 0 : i32
          %dma_wait3A_377 = arith.constant 0 : i32
          %dma_wait3A_378 = tpu.memref_slice %run_scoped3A_22[%rem3A_330, %dma_wait3A_376, %dma_wait3A_377] : memref<2x128x128xf32, #tpu.memory_space<vmem>> -> memref<1x128x128xf32, #tpu.memory_space<vmem>>
          %dma_wait3A_379 = tpu.memref_squeeze %dma_wait3A_378 : memref<1x128x128xf32, #tpu.memory_space<vmem>> -> memref<128x128xf32, #tpu.memory_space<vmem>>
          %dma_wait3A_380 = arith.constant 0 : i32
          %dma_wait3A_381 = arith.constant 0 : i32
          %dma_wait3A_382 = tpu.memref_slice %run_scoped3A_18[%rem3A_326, %dma_wait3A_380, %dma_wait3A_381] : memref<2x1x128xi32, #tpu.memory_space<vmem>> -> memref<1x1x128xi32, #tpu.memory_space<vmem>>
          %dma_wait3A_383 = tpu.memref_squeeze %dma_wait3A_382 : memref<1x1x128xi32, #tpu.memory_space<vmem>> -> memref<1x128xi32, #tpu.memory_space<vmem>>
          %dma_wait3A_384 = arith.constant 0 : i32
          %dma_wait3A_385 = tpu.memref_slice %dma_wait3A_383[%dma_wait3A_375, %dma_wait3A_384] : memref<1x128xi32, #tpu.memory_space<vmem>> -> memref<1x128xi32, #tpu.memory_space<vmem>>
          %dma_wait3A_386 = tpu.memref_squeeze %dma_wait3A_385 : memref<1x128xi32, #tpu.memory_space<vmem>> -> memref<128xi32, #tpu.memory_space<vmem>>
          %dma_wait3A_387 = arith.constant 0 : i32
          %dma_wait3A_388 = arith.constant 0 : i32
          %dma_wait3A_389 = tpu.memref_slice %arg3[%dma_wait3A_387, %dma_wait3A_388] : memref<10000x128xf32, #tpu.memory_space<hbm>> -> memref<10000x128xf32, #tpu.memory_space<hbm>>
          tpu.wait_indirect_dma semaphore(%arg9 : memref<!tpu.dma_semaphore, #tpu.memory_space<semaphore_mem>>) src(%dma_wait3A_389 : memref<10000x128xf32, #tpu.memory_space<hbm>>) dst(%dma_wait3A_379 : memref<128x128xf32, #tpu.memory_space<vmem>>)
          "tpu.trace_stop"() : () -> ()
          %ne3A_390 = arith.cmpi ne, %add3A_197, %add3A_215 : i32
          %or3A_391 = arith.constant false
          %or3A_392 = arith.ori %or3A_391, %ne3A_390 : i1
          %or3A_393 = arith.constant false
          %or3A_394 = arith.ori %or3A_392, %or3A_393 : i1
          %or3A_395 = arith.ori %or3A_394, %eq3A_196 : i1
          %convert_element_type3A_396 = arith.extui %or3A_395 : i1 to i32
          %cond3A_397 = arith.constant 0 : i32
          %cond3A_398 = arith.cmpi ne, %convert_element_type3A_396, %cond3A_397 : i32
          scf.if %cond3A_398 {
          } else {
          }
          %and3A_399 = arith.constant false
          %and3A_400 = arith.andi %or3A_395, %and3A_399 : i1
          %ne3A_401 = arith.cmpi ne, %add3A_197, %add3A_215 : i32
          %or3A_402 = arith.constant false
          %or3A_403 = arith.ori %or3A_402, %ne3A_401 : i1
          %or3A_404 = arith.constant false
          %or3A_405 = arith.ori %or3A_403, %or3A_404 : i1
          %or3A_406 = arith.ori %or3A_405, %eq3A_196 : i1
          %convert_element_type3A_407 = arith.extui %or3A_406 : i1 to i32
          %cond3A_408 = arith.constant 0 : i32
          %cond3A_409 = arith.cmpi ne, %convert_element_type3A_407, %cond3A_408 : i32
          scf.if %cond3A_409 {
          } else {
          }
          %and3A_410 = arith.constant false
          %and3A_411 = arith.andi %or3A_406, %and3A_410 : i1
          %ne3A_412 = arith.cmpi ne, %add3A_197, %add3A_215 : i32
          %or3A_413 = arith.constant false
          %or3A_414 = arith.ori %or3A_413, %ne3A_412 : i1
          %or3A_415 = arith.constant false
          %or3A_416 = arith.ori %or3A_414, %or3A_415 : i1
          %or3A_417 = arith.ori %or3A_416, %eq3A_196 : i1
          %convert_element_type3A_418 = arith.extui %or3A_417 : i1 to i32
          %cond3A_419 = arith.constant 0 : i32
          %cond3A_420 = arith.cmpi ne, %convert_element_type3A_418, %cond3A_419 : i32
          scf.if %cond3A_420 {
            "tpu.trace_start"() <{level = 10 : i32, message = "ep_copy_out"}> : () -> ()
            %rem3A_523 = arith.constant 2 : i32
            %rem3A_524 = arith.remui %while3A_185, %rem3A_523 : i32
            %mul3A_525 = arith.constant 128 : i32
            %mul3A_526 = arith.muli %mul3A_525, %add3A_197 : i32
            %dma_start3A_527 = arith.constant 0 : i32
            %dma_start3A_528 = arith.constant 0 : i32
            %dma_start3A_529 = tpu.memref_slice %run_scoped3A_20[%rem3A_524, %dma_start3A_527, %dma_start3A_528] : memref<2x128x128xf32, #tpu.memory_space<vmem>> -> memref<1x128x128xf32, #tpu.memory_space<vmem>>
            %dma_start3A_530 = tpu.memref_squeeze %dma_start3A_529 : memref<1x128x128xf32, #tpu.memory_space<vmem>> -> memref<128x128xf32, #tpu.memory_space<vmem>>
            %dma_start3A_531 = arith.constant 0 : i32
            %dma_start3A_532 = tpu.memref_slice %arg6[%mul3A_526, %dma_start3A_531] : memref<320000x128xf32, #tpu.memory_space<hbm>> -> memref<128x128xf32, #tpu.memory_space<hbm>>
            %dma_start3A_533 = tpu.memref_slice %run_scoped3A_21[%rem3A_524] : memref<2x!tpu.dma_semaphore, #tpu.memory_space<semaphore_mem>> -> memref<1x!tpu.dma_semaphore, #tpu.memory_space<semaphore_mem>>
            %dma_start3A_534 = tpu.memref_squeeze %dma_start3A_533 : memref<1x!tpu.dma_semaphore, #tpu.memory_space<semaphore_mem>> -> memref<!tpu.dma_semaphore, #tpu.memory_space<semaphore_mem>>
            %dma_start3A_535 = arith.constant 0 : i32
            %dma_start3A_536 = tpu.memref_slice %arg6[%mul3A_526, %dma_start3A_535] : memref<320000x128xf32, #tpu.memory_space<hbm>> -> memref<128x128xf32, #tpu.memory_space<hbm>>
            %dma_start3A_537 = arith.constant 0 : i32
            %dma_start3A_538 = arith.constant 0 : i32
            %dma_start3A_539 = tpu.memref_slice %run_scoped3A_20[%rem3A_524, %dma_start3A_537, %dma_start3A_538] : memref<2x128x128xf32, #tpu.memory_space<vmem>> -> memref<1x128x128xf32, #tpu.memory_space<vmem>>
            %dma_start3A_540 = tpu.memref_squeeze %dma_start3A_539 : memref<1x128x128xf32, #tpu.memory_space<vmem>> -> memref<128x128xf32, #tpu.memory_space<vmem>>
            tpu.enqueue_dma source(%dma_start3A_540 : memref<128x128xf32, #tpu.memory_space<vmem>>) target(%dma_start3A_536 : memref<128x128xf32, #tpu.memory_space<hbm>>) target_semaphore(%dma_start3A_534 : memref<!tpu.dma_semaphore, #tpu.memory_space<semaphore_mem>>)
            "tpu.trace_stop"() : () -> ()
          } else {
          }
          %and3A_421 = arith.constant true
          %and3A_422 = arith.andi %or3A_417, %and3A_421 : i1
          %add3A_423 = arith.constant 1 : i32
          %add3A_424 = arith.addi %while3A_185, %add3A_423 : i32
          %select_n3A_425 = arith.select %and3A_422, %add3A_424, %while3A_185 : i32
          %ne3A_426 = arith.cmpi ne, %add3A_197, %add3A_215 : i32
          %or3A_427 = arith.constant false
          %or3A_428 = arith.ori %or3A_427, %ne3A_426 : i1
          %or3A_429 = arith.constant false
          %or3A_430 = arith.ori %or3A_428, %or3A_429 : i1
          %or3A_431 = arith.ori %or3A_430, %eq3A_196 : i1
          %convert_element_type3A_432 = arith.extui %or3A_431 : i1 to i32
          %cond3A_433 = arith.constant 0 : i32
          %cond3A_434 = arith.cmpi ne, %convert_element_type3A_432, %cond3A_433 : i32
          scf.if %cond3A_434 {
            "tpu.trace_start"() <{level = 10 : i32, message = "ep_copy_out"}> : () -> ()
            %rem3A_523 = arith.constant 2 : i32
            %rem3A_524 = arith.remui %while3A_187, %rem3A_523 : i32
            %mul3A_525 = arith.constant 128 : i32
            %mul3A_526 = arith.muli %mul3A_525, %add3A_197 : i32
            %dma_start3A_527 = arith.constant 0 : i32
            %dma_start3A_528 = arith.constant 0 : i32
            %dma_start3A_529 = tpu.memref_slice %run_scoped3A_22[%rem3A_524, %dma_start3A_527, %dma_start3A_528] : memref<2x128x128xf32, #tpu.memory_space<vmem>> -> memref<1x128x128xf32, #tpu.memory_space<vmem>>
            %dma_start3A_530 = tpu.memref_squeeze %dma_start3A_529 : memref<1x128x128xf32, #tpu.memory_space<vmem>> -> memref<128x128xf32, #tpu.memory_space<vmem>>
            %dma_start3A_531 = arith.constant 0 : i32
            %dma_start3A_532 = tpu.memref_slice %arg7[%mul3A_526, %dma_start3A_531] : memref<320000x128xf32, #tpu.memory_space<hbm>> -> memref<128x128xf32, #tpu.memory_space<hbm>>
            %dma_start3A_533 = tpu.memref_slice %run_scoped3A_23[%rem3A_524] : memref<2x!tpu.dma_semaphore, #tpu.memory_space<semaphore_mem>> -> memref<1x!tpu.dma_semaphore, #tpu.memory_space<semaphore_mem>>
            %dma_start3A_534 = tpu.memref_squeeze %dma_start3A_533 : memref<1x!tpu.dma_semaphore, #tpu.memory_space<semaphore_mem>> -> memref<!tpu.dma_semaphore, #tpu.memory_space<semaphore_mem>>
            %dma_start3A_535 = arith.constant 0 : i32
            %dma_start3A_536 = tpu.memref_slice %arg7[%mul3A_526, %dma_start3A_535] : memref<320000x128xf32, #tpu.memory_space<hbm>> -> memref<128x128xf32, #tpu.memory_space<hbm>>
            %dma_start3A_537 = arith.constant 0 : i32
            %dma_start3A_538 = arith.constant 0 : i32
            %dma_start3A_539 = tpu.memref_slice %run_scoped3A_22[%rem3A_524, %dma_start3A_537, %dma_start3A_538] : memref<2x128x128xf32, #tpu.memory_space<vmem>> -> memref<1x128x128xf32, #tpu.memory_space<vmem>>
            %dma_start3A_540 = tpu.memref_squeeze %dma_start3A_539 : memref<1x128x128xf32, #tpu.memory_space<vmem>> -> memref<128x128xf32, #tpu.memory_space<vmem>>
            tpu.enqueue_dma source(%dma_start3A_540 : memref<128x128xf32, #tpu.memory_space<vmem>>) target(%dma_start3A_536 : memref<128x128xf32, #tpu.memory_space<hbm>>) target_semaphore(%dma_start3A_534 : memref<!tpu.dma_semaphore, #tpu.memory_space<semaphore_mem>>)
            "tpu.trace_stop"() : () -> ()
          } else {
          }
          %and3A_435 = arith.constant true
          %and3A_436 = arith.andi %or3A_431, %and3A_435 : i1
          %add3A_437 = arith.constant 1 : i32
          %add3A_438 = arith.addi %while3A_187, %add3A_437 : i32
          %select_n3A_439 = arith.select %and3A_436, %add3A_438, %while3A_187 : i32
          %ne3A_440 = arith.cmpi ne, %add3A_197, %add3A_207 : i32
          %or3A_441 = arith.constant false
          %or3A_442 = arith.ori %or3A_441, %ne3A_440 : i1
          %or3A_443 = arith.constant false
          %or3A_444 = arith.ori %or3A_442, %or3A_443 : i1
          %not3A_445 = arith.constant true
          %not3A_446 = arith.xori %eq3A_193, %not3A_445 : i1
          %and3A_447 = arith.andi %or3A_444, %not3A_446 : i1
          %convert_element_type3A_448 = arith.extui %and3A_447 : i1 to i32
          %cond3A_449 = arith.constant 0 : i32
          %cond3A_450 = arith.cmpi ne, %convert_element_type3A_448, %cond3A_449 : i32
          scf.if %cond3A_450 {
          } else {
          }
          %and3A_451 = arith.constant false
          %and3A_452 = arith.andi %and3A_447, %and3A_451 : i1
          %ne3A_453 = arith.cmpi ne, %add3A_197, %add3A_207 : i32
          %or3A_454 = arith.constant false
          %or3A_455 = arith.ori %or3A_454, %ne3A_453 : i1
          %or3A_456 = arith.constant false
          %or3A_457 = arith.ori %or3A_455, %or3A_456 : i1
          %not3A_458 = arith.constant true
          %not3A_459 = arith.xori %eq3A_193, %not3A_458 : i1
          %and3A_460 = arith.andi %or3A_457, %not3A_459 : i1
          %convert_element_type3A_461 = arith.extui %and3A_460 : i1 to i32
          %cond3A_462 = arith.constant 0 : i32
          %cond3A_463 = arith.cmpi ne, %convert_element_type3A_461, %cond3A_462 : i32
          scf.if %cond3A_463 {
          } else {
          }
          %and3A_464 = arith.constant false
          %and3A_465 = arith.andi %and3A_460, %and3A_464 : i1
          %ne3A_466 = arith.cmpi ne, %add3A_197, %add3A_207 : i32
          %or3A_467 = arith.constant false
          %or3A_468 = arith.ori %or3A_467, %ne3A_466 : i1
          %or3A_469 = arith.constant false
          %or3A_470 = arith.ori %or3A_468, %or3A_469 : i1
          %not3A_471 = arith.constant true
          %not3A_472 = arith.xori %eq3A_193, %not3A_471 : i1
          %and3A_473 = arith.andi %or3A_470, %not3A_472 : i1
          %convert_element_type3A_474 = arith.extui %and3A_473 : i1 to i32
          %cond3A_475 = arith.constant 0 : i32
          %cond3A_476 = arith.cmpi ne, %convert_element_type3A_474, %cond3A_475 : i32
          scf.if %cond3A_476 {
            "tpu.trace_start"() <{level = 10 : i32, message = "ep_wait_out"}> : () -> ()
            %rem3A_523 = arith.constant 2 : i32
            %rem3A_524 = arith.remui %while3A_186, %rem3A_523 : i32
            %mul3A_525 = arith.constant 128 : i32
            %mul3A_526 = arith.muli %mul3A_525, %add3A_207 : i32
            %dma_wait3A_527 = arith.constant 0 : i32
            %dma_wait3A_528 = arith.constant 0 : i32
            %dma_wait3A_529 = tpu.memref_slice %run_scoped3A_20[%rem3A_524, %dma_wait3A_527, %dma_wait3A_528] : memref<2x128x128xf32, #tpu.memory_space<vmem>> -> memref<1x128x128xf32, #tpu.memory_space<vmem>>
            %dma_wait3A_530 = tpu.memref_squeeze %dma_wait3A_529 : memref<1x128x128xf32, #tpu.memory_space<vmem>> -> memref<128x128xf32, #tpu.memory_space<vmem>>
            %dma_wait3A_531 = arith.constant 0 : i32
            %dma_wait3A_532 = tpu.memref_slice %arg6[%mul3A_526, %dma_wait3A_531] : memref<320000x128xf32, #tpu.memory_space<hbm>> -> memref<128x128xf32, #tpu.memory_space<hbm>>
            %dma_wait3A_533 = tpu.memref_slice %run_scoped3A_21[%rem3A_524] : memref<2x!tpu.dma_semaphore, #tpu.memory_space<semaphore_mem>> -> memref<1x!tpu.dma_semaphore, #tpu.memory_space<semaphore_mem>>
            %dma_wait3A_534 = tpu.memref_squeeze %dma_wait3A_533 : memref<1x!tpu.dma_semaphore, #tpu.memory_space<semaphore_mem>> -> memref<!tpu.dma_semaphore, #tpu.memory_space<semaphore_mem>>
            %dma_wait3A_535 = arith.constant 0 : i32
            %dma_wait3A_536 = tpu.memref_slice %arg6[%mul3A_526, %dma_wait3A_535] : memref<320000x128xf32, #tpu.memory_space<hbm>> -> memref<128x128xf32, #tpu.memory_space<hbm>>
            %dma_wait3A_537 = arith.constant 0 : i32
            %dma_wait3A_538 = arith.constant 0 : i32
            %dma_wait3A_539 = tpu.memref_slice %run_scoped3A_20[%rem3A_524, %dma_wait3A_537, %dma_wait3A_538] : memref<2x128x128xf32, #tpu.memory_space<vmem>> -> memref<1x128x128xf32, #tpu.memory_space<vmem>>
            %dma_wait3A_540 = tpu.memref_squeeze %dma_wait3A_539 : memref<1x128x128xf32, #tpu.memory_space<vmem>> -> memref<128x128xf32, #tpu.memory_space<vmem>>
            tpu.wait_dma2 semaphore(%dma_wait3A_534 : memref<!tpu.dma_semaphore, #tpu.memory_space<semaphore_mem>>) src(%dma_wait3A_540 : memref<128x128xf32, #tpu.memory_space<vmem>>) dst(%dma_wait3A_536 : memref<128x128xf32, #tpu.memory_space<hbm>>)
            "tpu.trace_stop"() : () -> ()
          } else {
          }
          %and3A_477 = arith.constant true
          %and3A_478 = arith.andi %and3A_473, %and3A_477 : i1
          %add3A_479 = arith.constant 1 : i32
          %add3A_480 = arith.addi %while3A_186, %add3A_479 : i32
          %select_n3A_481 = arith.select %and3A_478, %add3A_480, %while3A_186 : i32
          %ne3A_482 = arith.cmpi ne, %add3A_197, %add3A_207 : i32
          %or3A_483 = arith.constant false
          %or3A_484 = arith.ori %or3A_483, %ne3A_482 : i1
          %or3A_485 = arith.constant false
          %or3A_486 = arith.ori %or3A_484, %or3A_485 : i1
          %not3A_487 = arith.constant true
          %not3A_488 = arith.xori %eq3A_193, %not3A_487 : i1
          %and3A_489 = arith.andi %or3A_486, %not3A_488 : i1
          %convert_element_type3A_490 = arith.extui %and3A_489 : i1 to i32
          %cond3A_491 = arith.constant 0 : i32
          %cond3A_492 = arith.cmpi ne, %convert_element_type3A_490, %cond3A_491 : i32
          scf.if %cond3A_492 {
            "tpu.trace_start"() <{level = 10 : i32, message = "ep_wait_out"}> : () -> ()
            %rem3A_523 = arith.constant 2 : i32
            %rem3A_524 = arith.remui %while3A_188, %rem3A_523 : i32
            %mul3A_525 = arith.constant 128 : i32
            %mul3A_526 = arith.muli %mul3A_525, %add3A_207 : i32
            %dma_wait3A_527 = arith.constant 0 : i32
            %dma_wait3A_528 = arith.constant 0 : i32
            %dma_wait3A_529 = tpu.memref_slice %run_scoped3A_22[%rem3A_524, %dma_wait3A_527, %dma_wait3A_528] : memref<2x128x128xf32, #tpu.memory_space<vmem>> -> memref<1x128x128xf32, #tpu.memory_space<vmem>>
            %dma_wait3A_530 = tpu.memref_squeeze %dma_wait3A_529 : memref<1x128x128xf32, #tpu.memory_space<vmem>> -> memref<128x128xf32, #tpu.memory_space<vmem>>
            %dma_wait3A_531 = arith.constant 0 : i32
            %dma_wait3A_532 = tpu.memref_slice %arg7[%mul3A_526, %dma_wait3A_531] : memref<320000x128xf32, #tpu.memory_space<hbm>> -> memref<128x128xf32, #tpu.memory_space<hbm>>
            %dma_wait3A_533 = tpu.memref_slice %run_scoped3A_23[%rem3A_524] : memref<2x!tpu.dma_semaphore, #tpu.memory_space<semaphore_mem>> -> memref<1x!tpu.dma_semaphore, #tpu.memory_space<semaphore_mem>>
            %dma_wait3A_534 = tpu.memref_squeeze %dma_wait3A_533 : memref<1x!tpu.dma_semaphore, #tpu.memory_space<semaphore_mem>> -> memref<!tpu.dma_semaphore, #tpu.memory_space<semaphore_mem>>
            %dma_wait3A_535 = arith.constant 0 : i32
            %dma_wait3A_536 = tpu.memref_slice %arg7[%mul3A_526, %dma_wait3A_535] : memref<320000x128xf32, #tpu.memory_space<hbm>> -> memref<128x128xf32, #tpu.memory_space<hbm>>
            %dma_wait3A_537 = arith.constant 0 : i32
            %dma_wait3A_538 = arith.constant 0 : i32
            %dma_wait3A_539 = tpu.memref_slice %run_scoped3A_22[%rem3A_524, %dma_wait3A_537, %dma_wait3A_538] : memref<2x128x128xf32, #tpu.memory_space<vmem>> -> memref<1x128x128xf32, #tpu.memory_space<vmem>>
            %dma_wait3A_540 = tpu.memref_squeeze %dma_wait3A_539 : memref<1x128x128xf32, #tpu.memory_space<vmem>> -> memref<128x128xf32, #tpu.memory_space<vmem>>
            tpu.wait_dma2 semaphore(%dma_wait3A_534 : memref<!tpu.dma_semaphore, #tpu.memory_space<semaphore_mem>>) src(%dma_wait3A_540 : memref<128x128xf32, #tpu.memory_space<vmem>>) dst(%dma_wait3A_536 : memref<128x128xf32, #tpu.memory_space<hbm>>)
            "tpu.trace_stop"() : () -> ()
          } else {
          }
          %and3A_493 = arith.constant true
          %and3A_494 = arith.andi %and3A_489, %and3A_493 : i1
          %add3A_495 = arith.constant 1 : i32
          %add3A_496 = arith.addi %while3A_188, %add3A_495 : i32
          %select_n3A_497 = arith.select %and3A_494, %add3A_496, %while3A_188 : i32
          %ne3A_498 = arith.cmpi ne, %add3A_197, %add3A_215 : i32
          %or3A_499 = arith.constant false
          %or3A_500 = arith.ori %or3A_499, %ne3A_498 : i1
          %or3A_501 = arith.constant false
          %or3A_502 = arith.ori %or3A_500, %or3A_501 : i1
          %or3A_503 = arith.ori %or3A_502, %eq3A_196 : i1
          %add3A_504 = arith.constant 1 : i32
          %add3A_505 = arith.addi %while3A_182, %add3A_504 : i32
          %select_n3A_506 = arith.select %or3A_503, %add3A_505, %while3A_182 : i32
          %ne3A_507 = arith.cmpi ne, %add3A_197, %add3A_215 : i32
          %or3A_508 = arith.constant false
          %or3A_509 = arith.ori %or3A_508, %ne3A_507 : i1
          %or3A_510 = arith.constant false
          %or3A_511 = arith.ori %or3A_509, %or3A_510 : i1
          %or3A_512 = arith.ori %or3A_511, %eq3A_196 : i1
          %add3A_513 = arith.constant 1 : i32
          %add3A_514 = arith.addi %while3A_184, %add3A_513 : i32
          %select_n3A_515 = arith.select %or3A_512, %add3A_514, %while3A_184 : i32
          %add3A_516 = arith.constant 1 : i32
          %add3A_517 = arith.addi %while3A_189, %add3A_516 : i32
          %select_n3A_518 = arith.constant true
          %select_n3A_519 = arith.select %select_n3A_518, %add3A_517, %while3A_189 : i32
          %eq3A_520 = arith.cmpi eq, %select_n3A_519, %select_n3A : i32
          %select_n3A_521 = arith.constant 0 : i32
          %select_n3A_522 = arith.select %eq3A_520, %select_n3A_521, %select_n3A_519 : i32
          scf.yield %select_n3A_239, %select_n3A_506, %select_n3A_260, %select_n3A_515, %select_n3A_425, %select_n3A_481, %select_n3A_439, %select_n3A_497, %select_n3A_522 : i32, i32, i32, i32, i32, i32, i32, i32, i32
        }
        %sub3A_123 = arith.constant 1 : i32
        %sub3A_124 = arith.subi %while3A_122#8, %sub3A_123 : i32
        %select_n3A_125 = arith.constant true
        %select_n3A_126 = arith.select %select_n3A_125, %sub3A_124, %while3A_122#8 : i32
        %eq3A_127 = arith.constant -1 : i32
        %eq3A_128 = arith.cmpi eq, %select_n3A_126, %eq3A_127 : i32
        %sub3A_129 = arith.constant 1 : i32
        %sub3A_130 = arith.subi %select_n3A, %sub3A_129 : i32
        %select_n3A_131 = arith.select %eq3A_128, %sub3A_130, %select_n3A_126 : i32
        %sub3A_132 = arith.constant 1 : i32
        %sub3A_133 = arith.subi %mul3A_16, %sub3A_132 : i32
        %mul3A_134 = arith.constant 1 : i32
        %mul3A_135 = arith.muli %mul3A_134, %select_n3A : i32
        %eq3A_136 = arith.constant 0 : i32
        %eq3A_137 = arith.cmpi eq, %sub3A_133, %eq3A_136 : i32
        %sub3A_138 = arith.constant 1 : i32
        %sub3A_139 = arith.subi %mul3A_135, %sub3A_138 : i32
        %eq3A_140 = arith.cmpi eq, %sub3A_133, %sub3A_139 : i32
        %add3A_141 = arith.addi %select_n3A_131, %select_n3A_14 : i32
        %sub3A_142 = arith.constant 1 : i32
        %sub3A_143 = arith.subi %select_n3A_131, %sub3A_142 : i32
        %select_n3A_144 = arith.constant true
        %select_n3A_145 = arith.select %select_n3A_144, %sub3A_143, %select_n3A_131 : i32
        %eq3A_146 = arith.constant -1 : i32
        %eq3A_147 = arith.cmpi eq, %select_n3A_145, %eq3A_146 : i32
        %sub3A_148 = arith.constant 1 : i32
        %sub3A_149 = arith.subi %select_n3A, %sub3A_148 : i32
        %select_n3A_150 = arith.select %eq3A_147, %sub3A_149, %select_n3A_145 : i32
        %add3A_151 = arith.addi %select_n3A_150, %select_n3A_14 : i32
        %add3A_152 = arith.constant 1 : i32
        %add3A_153 = arith.addi %select_n3A_131, %add3A_152 : i32
        %select_n3A_154 = arith.constant true
        %select_n3A_155 = arith.select %select_n3A_154, %add3A_153, %select_n3A_131 : i32
        %eq3A_156 = arith.cmpi eq, %select_n3A_155, %select_n3A : i32
        %select_n3A_157 = arith.constant 0 : i32
        %select_n3A_158 = arith.select %eq3A_156, %select_n3A_157, %select_n3A_155 : i32
        %add3A_159 = arith.addi %select_n3A_158, %select_n3A_14 : i32
        %add3A_160 = arith.constant 1 : i32
        %add3A_161 = arith.addi %select_n3A_158, %add3A_160 : i32
        %select_n3A_162 = arith.constant true
        %select_n3A_163 = arith.select %select_n3A_162, %add3A_161, %select_n3A_158 : i32
        %eq3A_164 = arith.cmpi eq, %select_n3A_163, %select_n3A : i32
        %select_n3A_165 = arith.constant 0 : i32
        %select_n3A_166 = arith.select %eq3A_164, %select_n3A_165, %select_n3A_163 : i32
        %add3A_167 = arith.addi %select_n3A_166, %select_n3A_14 : i32
        %convert_element_type3A_168 = arith.extui %eq3A_140 : i1 to i32
        %cond3A_169 = arith.constant 0 : i32
        %cond3A_170 = arith.cmpi ne, %convert_element_type3A_168, %cond3A_169 : i32
        scf.if %cond3A_170 {
        } else {
        }
        %convert_element_type3A_171 = arith.extui %eq3A_140 : i1 to i32
        %cond3A_172 = arith.constant 0 : i32
        %cond3A_173 = arith.cmpi ne, %convert_element_type3A_171, %cond3A_172 : i32
        scf.if %cond3A_173 {
        } else {
        }
        %convert_element_type3A_174 = arith.extui %eq3A_140 : i1 to i32
        %cond3A_175 = arith.constant 0 : i32
        %cond3A_176 = arith.cmpi ne, %convert_element_type3A_174, %cond3A_175 : i32
        scf.if %cond3A_176 {
          "tpu.trace_start"() <{level = 10 : i32, message = "ep_finalize"}> : () -> ()
          %rem3A_180 = arith.constant 2 : i32
          %rem3A_181 = arith.remui %while3A_122#5, %rem3A_180 : i32
          %mul3A_182 = arith.constant 128 : i32
          %mul3A_183 = arith.muli %mul3A_182, %add3A_141 : i32
          %dma_wait3A = arith.constant 0 : i32
          %dma_wait3A_184 = arith.constant 0 : i32
          %dma_wait3A_185 = tpu.memref_slice %run_scoped3A_20[%rem3A_181, %dma_wait3A, %dma_wait3A_184] : memref<2x128x128xf32, #tpu.memory_space<vmem>> -> memref<1x128x128xf32, #tpu.memory_space<vmem>>
          %dma_wait3A_186 = tpu.memref_squeeze %dma_wait3A_185 : memref<1x128x128xf32, #tpu.memory_space<vmem>> -> memref<128x128xf32, #tpu.memory_space<vmem>>
          %dma_wait3A_187 = arith.constant 0 : i32
          %dma_wait3A_188 = tpu.memref_slice %arg6[%mul3A_183, %dma_wait3A_187] : memref<320000x128xf32, #tpu.memory_space<hbm>> -> memref<128x128xf32, #tpu.memory_space<hbm>>
          %dma_wait3A_189 = tpu.memref_slice %run_scoped3A_21[%rem3A_181] : memref<2x!tpu.dma_semaphore, #tpu.memory_space<semaphore_mem>> -> memref<1x!tpu.dma_semaphore, #tpu.memory_space<semaphore_mem>>
          %dma_wait3A_190 = tpu.memref_squeeze %dma_wait3A_189 : memref<1x!tpu.dma_semaphore, #tpu.memory_space<semaphore_mem>> -> memref<!tpu.dma_semaphore, #tpu.memory_space<semaphore_mem>>
          %dma_wait3A_191 = arith.constant 0 : i32
          %dma_wait3A_192 = tpu.memref_slice %arg6[%mul3A_183, %dma_wait3A_191] : memref<320000x128xf32, #tpu.memory_space<hbm>> -> memref<128x128xf32, #tpu.memory_space<hbm>>
          %dma_wait3A_193 = arith.constant 0 : i32
          %dma_wait3A_194 = arith.constant 0 : i32
          %dma_wait3A_195 = tpu.memref_slice %run_scoped3A_20[%rem3A_181, %dma_wait3A_193, %dma_wait3A_194] : memref<2x128x128xf32, #tpu.memory_space<vmem>> -> memref<1x128x128xf32, #tpu.memory_space<vmem>>
          %dma_wait3A_196 = tpu.memref_squeeze %dma_wait3A_195 : memref<1x128x128xf32, #tpu.memory_space<vmem>> -> memref<128x128xf32, #tpu.memory_space<vmem>>
          tpu.wait_dma2 semaphore(%dma_wait3A_190 : memref<!tpu.dma_semaphore, #tpu.memory_space<semaphore_mem>>) src(%dma_wait3A_196 : memref<128x128xf32, #tpu.memory_space<vmem>>) dst(%dma_wait3A_192 : memref<128x128xf32, #tpu.memory_space<hbm>>)
          "tpu.trace_stop"() : () -> ()
        } else {
        }
        %convert_element_type3A_177 = arith.extui %eq3A_140 : i1 to i32
        %cond3A_178 = arith.constant 0 : i32
        %cond3A_179 = arith.cmpi ne, %convert_element_type3A_177, %cond3A_178 : i32
        scf.if %cond3A_179 {
          "tpu.trace_start"() <{level = 10 : i32, message = "ep_finalize"}> : () -> ()
          %rem3A_180 = arith.constant 2 : i32
          %rem3A_181 = arith.remui %while3A_122#7, %rem3A_180 : i32
          %mul3A_182 = arith.constant 128 : i32
          %mul3A_183 = arith.muli %mul3A_182, %add3A_141 : i32
          %dma_wait3A = arith.constant 0 : i32
          %dma_wait3A_184 = arith.constant 0 : i32
          %dma_wait3A_185 = tpu.memref_slice %run_scoped3A_22[%rem3A_181, %dma_wait3A, %dma_wait3A_184] : memref<2x128x128xf32, #tpu.memory_space<vmem>> -> memref<1x128x128xf32, #tpu.memory_space<vmem>>
          %dma_wait3A_186 = tpu.memref_squeeze %dma_wait3A_185 : memref<1x128x128xf32, #tpu.memory_space<vmem>> -> memref<128x128xf32, #tpu.memory_space<vmem>>
          %dma_wait3A_187 = arith.constant 0 : i32
          %dma_wait3A_188 = tpu.memref_slice %arg7[%mul3A_183, %dma_wait3A_187] : memref<320000x128xf32, #tpu.memory_space<hbm>> -> memref<128x128xf32, #tpu.memory_space<hbm>>
          %dma_wait3A_189 = tpu.memref_slice %run_scoped3A_23[%rem3A_181] : memref<2x!tpu.dma_semaphore, #tpu.memory_space<semaphore_mem>> -> memref<1x!tpu.dma_semaphore, #tpu.memory_space<semaphore_mem>>
          %dma_wait3A_190 = tpu.memref_squeeze %dma_wait3A_189 : memref<1x!tpu.dma_semaphore, #tpu.memory_space<semaphore_mem>> -> memref<!tpu.dma_semaphore, #tpu.memory_space<semaphore_mem>>
          %dma_wait3A_191 = arith.constant 0 : i32
          %dma_wait3A_192 = tpu.memref_slice %arg7[%mul3A_183, %dma_wait3A_191] : memref<320000x128xf32, #tpu.memory_space<hbm>> -> memref<128x128xf32, #tpu.memory_space<hbm>>
          %dma_wait3A_193 = arith.constant 0 : i32
          %dma_wait3A_194 = arith.constant 0 : i32
          %dma_wait3A_195 = tpu.memref_slice %run_scoped3A_22[%rem3A_181, %dma_wait3A_193, %dma_wait3A_194] : memref<2x128x128xf32, #tpu.memory_space<vmem>> -> memref<1x128x128xf32, #tpu.memory_space<vmem>>
          %dma_wait3A_196 = tpu.memref_squeeze %dma_wait3A_195 : memref<1x128x128xf32, #tpu.memory_space<vmem>> -> memref<128x128xf32, #tpu.memory_space<vmem>>
          tpu.wait_dma2 semaphore(%dma_wait3A_190 : memref<!tpu.dma_semaphore, #tpu.memory_space<semaphore_mem>>) src(%dma_wait3A_196 : memref<128x128xf32, #tpu.memory_space<vmem>>) dst(%dma_wait3A_192 : memref<128x128xf32, #tpu.memory_space<hbm>>)
          "tpu.trace_stop"() : () -> ()
        } else {
        }
      } else {
      }
      tpu.yield
    }) : () -> ()
    return
  }
}

module attributes {stable_mosaic.version = 14 : i64} {
  func.func @_proj_body(%arg0: i32, %arg1: memref<2000x128xf32, #tpu.memory_space<vmem>>, %arg2: memref<2000x128xf32, #tpu.memory_space<vmem>>, %arg3: memref<128x128xf32, #tpu.memory_space<vmem>>, %arg4: memref<128x128xf32, #tpu.memory_space<vmem>>, %arg5: memref<2000x128xf32, #tpu.memory_space<vmem>>, %arg6: memref<2000x128xf32, #tpu.memory_space<vmem>>) attributes {dimension_semantics = [#tpu.dimension_semantics<arbitrary>], iteration_bounds = array<i64: 5>, scalar_prefetch = 0 : i64, scratch_operands = 0 : i64, tpu.core_type = #tpu.core_type<tc>, window_params = [{transform_indices = @transform_0, window_bounds = array<i64: 2000, 128>}, {transform_indices = @transform_1, window_bounds = array<i64: 2000, 128>}, {pipeline_mode = #tpu.pipeline_mode<synchronous>, transform_indices = @transform_2, window_bounds = array<i64: 128, 128>}, {pipeline_mode = #tpu.pipeline_mode<synchronous>, transform_indices = @transform_3, window_bounds = array<i64: 128, 128>}, {transform_indices = @transform_4, window_bounds = array<i64: 2000, 128>}, {transform_indices = @transform_5, window_bounds = array<i64: 2000, 128>}]} {
    %get3A = arith.constant 0 : index
    %get3A_0 = arith.constant 0 : index
    %get3A_1 = vector.load %arg1[%get3A, %get3A_0] : memref<2000x128xf32, #tpu.memory_space<vmem>>, vector<2000x128xf32>
    %get3A_2 = arith.constant 0 : index
    %get3A_3 = arith.constant 0 : index
    %get3A_4 = vector.load %arg3[%get3A_2, %get3A_3] : memref<128x128xf32, #tpu.memory_space<vmem>>, vector<128x128xf32>
    %dot_general3A = arith.constant dense<0.000000e+00> : vector<2000x128xf32>
    %dot_general3A_5 = tpu.matmul %get3A_1, %get3A_4, %dot_general3A {dimension_numbers = #tpu.dot_dimension_numbers<[1], [0], [0], [1], [0, 0, 1, 1], [], []>, transpose_lhs_hint = false} : vector<2000x128xf32>, vector<128x128xf32>, vector<2000x128xf32> -> vector<2000x128xf32>
    %swap3A = arith.constant 0 : index
    %swap3A_6 = arith.constant 0 : index
    %swap3A_7 = vector.load %arg5[%swap3A, %swap3A_6] : memref<2000x128xf32, #tpu.memory_space<vmem>>, vector<2000x128xf32>
    tpu.vector_store %arg5[%swap3A, %swap3A_6], %dot_general3A_5 {strides = array<i32>} : memref<2000x128xf32, #tpu.memory_space<vmem>>, vector<2000x128xf32>,
    %get3A_8 = arith.constant 0 : index
    %get3A_9 = arith.constant 0 : index
    %get3A_10 = vector.load %arg2[%get3A_8, %get3A_9] : memref<2000x128xf32, #tpu.memory_space<vmem>>, vector<2000x128xf32>
    %get3A_11 = arith.constant 0 : index
    %get3A_12 = arith.constant 0 : index
    %get3A_13 = vector.load %arg4[%get3A_11, %get3A_12] : memref<128x128xf32, #tpu.memory_space<vmem>>, vector<128x128xf32>
    %dot_general3A_14 = arith.constant dense<0.000000e+00> : vector<2000x128xf32>
    %dot_general3A_15 = tpu.matmul %get3A_10, %get3A_13, %dot_general3A_14 {dimension_numbers = #tpu.dot_dimension_numbers<[1], [0], [0], [1], [0, 0, 1, 1], [], []>, transpose_lhs_hint = false} : vector<2000x128xf32>, vector<128x128xf32>, vector<2000x128xf32> -> vector<2000x128xf32>
    %swap3A_16 = arith.constant 0 : index
    %swap3A_17 = arith.constant 0 : index
    %swap3A_18 = vector.load %arg6[%swap3A_16, %swap3A_17] : memref<2000x128xf32, #tpu.memory_space<vmem>>, vector<2000x128xf32>
    tpu.vector_store %arg6[%swap3A_16, %swap3A_17], %dot_general3A_15 {strides = array<i32>} : memref<2000x128xf32, #tpu.memory_space<vmem>>, vector<2000x128xf32>,
    return
  }
  func.func @transform_0(%arg0: i32) -> (i32, i32) {
    %c0_i32 = arith.constant 0 : i32
    %c0_i32_0 = arith.constant 0 : i32
    return %arg0, %c0_i32 : i32, i32
  }
  func.func @transform_1(%arg0: i32) -> (i32, i32) {
    %c0_i32 = arith.constant 0 : i32
    %c0_i32_0 = arith.constant 0 : i32
    return %arg0, %c0_i32 : i32, i32
  }
  func.func @transform_2(%arg0: i32) -> (i32, i32) {
    %c0_i32 = arith.constant 0 : i32
    %c0_i32_0 = arith.constant 0 : i32
    %c0_i32_1 = arith.constant 0 : i32
    return %c0_i32, %c0_i32_0 : i32, i32
  }
  func.func @transform_3(%arg0: i32) -> (i32, i32) {
    %c0_i32 = arith.constant 0 : i32
    %c0_i32_0 = arith.constant 0 : i32
    %c0_i32_1 = arith.constant 0 : i32
    return %c0_i32, %c0_i32_0 : i32, i32
  }
  func.func @transform_4(%arg0: i32) -> (i32, i32) {
    %c0_i32 = arith.constant 0 : i32
    %c0_i32_0 = arith.constant 0 : i32
    return %arg0, %c0_i32 : i32, i32
  }
  func.func @transform_5(%arg0: i32) -> (i32, i32) {
    %c0_i32 = arith.constant 0 : i32
    %c0_i32_0 = arith.constant 0 : i32
    return %arg0, %c0_i32 : i32, i32
  }
}

module attributes {stable_mosaic.version = 14 : i64} {
  func.func @_edge_body(%arg0: i32, %arg1: memref<6400x128xf32, #tpu.memory_space<vmem>>, %arg2: memref<6400x128xf32, #tpu.memory_space<vmem>>, %arg3: memref<6400x128xf32, #tpu.memory_space<vmem>>, %arg4: memref<128x128xf32, #tpu.memory_space<vmem>>, %arg5: memref<128x128xf32, #tpu.memory_space<vmem>>, %arg6: memref<1x128xf32, #tpu.memory_space<vmem>>, %arg7: memref<1x128xf32, #tpu.memory_space<vmem>>, %arg8: memref<1x128xf32, #tpu.memory_space<vmem>>, %arg9: memref<1x128xf32, #tpu.memory_space<vmem>>, %arg10: memref<6400x128xf32, #tpu.memory_space<vmem>>) attributes {dimension_semantics = [#tpu.dimension_semantics<arbitrary>], iteration_bounds = array<i64: 50>, scalar_prefetch = 0 : i64, scratch_operands = 0 : i64, tpu.core_type = #tpu.core_type<tc>, window_params = [{transform_indices = @transform_0, window_bounds = array<i64: 6400, 128>}, {transform_indices = @transform_1, window_bounds = array<i64: 6400, 128>}, {transform_indices = @transform_2, window_bounds = array<i64: 6400, 128>}, {pipeline_mode = #tpu.pipeline_mode<synchronous>, transform_indices = @transform_3, window_bounds = array<i64: 128, 128>}, {pipeline_mode = #tpu.pipeline_mode<synchronous>, transform_indices = @transform_4, window_bounds = array<i64: 128, 128>}, {pipeline_mode = #tpu.pipeline_mode<synchronous>, transform_indices = @transform_5, window_bounds = array<i64: 1, 128>}, {pipeline_mode = #tpu.pipeline_mode<synchronous>, transform_indices = @transform_6, window_bounds = array<i64: 1, 128>}, {pipeline_mode = #tpu.pipeline_mode<synchronous>, transform_indices = @transform_7, window_bounds = array<i64: 1, 128>}, {pipeline_mode = #tpu.pipeline_mode<synchronous>, transform_indices = @transform_8, window_bounds = array<i64: 1, 128>}, {transform_indices = @transform_9, window_bounds = array<i64: 6400, 128>}]} {
    %get3A = arith.constant 0 : index
    %get3A_0 = arith.constant 0 : index
    %get3A_1 = vector.load %arg1[%get3A, %get3A_0] : memref<6400x128xf32, #tpu.memory_space<vmem>>, vector<6400x128xf32>
    %get3A_2 = arith.constant 0 : index
    %get3A_3 = arith.constant 0 : index
    %get3A_4 = vector.load %arg4[%get3A_2, %get3A_3] : memref<128x128xf32, #tpu.memory_space<vmem>>, vector<128x128xf32>
    %dot_general3A = arith.constant dense<0.000000e+00> : vector<6400x128xf32>
    %dot_general3A_5 = tpu.matmul %get3A_1, %get3A_4, %dot_general3A {dimension_numbers = #tpu.dot_dimension_numbers<[1], [0], [0], [1], [0, 0, 1, 1], [], []>, transpose_lhs_hint = false} : vector<6400x128xf32>, vector<128x128xf32>, vector<6400x128xf32> -> vector<6400x128xf32>
    %get3A_6 = arith.constant 0 : index
    %get3A_7 = arith.constant 0 : index
    %get3A_8 = vector.load %arg2[%get3A_6, %get3A_7] : memref<6400x128xf32, #tpu.memory_space<vmem>>, vector<6400x128xf32>
    %add3A = arith.addf %dot_general3A_5, %get3A_8 : vector<6400x128xf32>
    %get3A_9 = arith.constant 0 : index
    %get3A_10 = arith.constant 0 : index
    %get3A_11 = vector.load %arg3[%get3A_9, %get3A_10] : memref<6400x128xf32, #tpu.memory_space<vmem>>, vector<6400x128xf32>
    %add3A_12 = arith.addf %add3A, %get3A_11 : vector<6400x128xf32>
    %get3A_13 = arith.constant 0 : index
    %get3A_14 = arith.constant 0 : index
    %get3A_15 = vector.load %arg6[%get3A_13, %get3A_14] : memref<1x128xf32, #tpu.memory_space<vmem>>, vector<1x128xf32>
    %add3A_16 = vector.broadcast %get3A_15 : vector<1x128xf32> to vector<6400x128xf32>
    %add3A_17 = arith.addf %add3A_12, %add3A_16 : vector<6400x128xf32>
    %logistic3A = arith.negf %add3A_17 : vector<6400x128xf32>
    %logistic3A_18 = math.exp %logistic3A : vector<6400x128xf32>
    %logistic3A_19 = arith.constant 1.000000e+00 : f32
    %logistic3A_20 = vector.broadcast %logistic3A_19 : f32 to vector<6400x128xf32>
    %logistic3A_21 = arith.addf %logistic3A_20, %logistic3A_18 : vector<6400x128xf32>
    %logistic3A_22 = arith.divf %logistic3A_20, %logistic3A_21 : vector<6400x128xf32>
    %mul3A = arith.mulf %add3A_17, %logistic3A_22 : vector<6400x128xf32>
    %get3A_23 = arith.constant 0 : index
    %get3A_24 = arith.constant 0 : index
    %get3A_25 = vector.load %arg5[%get3A_23, %get3A_24] : memref<128x128xf32, #tpu.memory_space<vmem>>, vector<128x128xf32>
    %dot_general3A_26 = arith.constant dense<0.000000e+00> : vector<6400x128xf32>
    %dot_general3A_27 = tpu.matmul %mul3A, %get3A_25, %dot_general3A_26 {dimension_numbers = #tpu.dot_dimension_numbers<[1], [0], [0], [1], [0, 0, 1, 1], [], []>, transpose_lhs_hint = false} : vector<6400x128xf32>, vector<128x128xf32>, vector<6400x128xf32> -> vector<6400x128xf32>
    %get3A_28 = arith.constant 0 : index
    %get3A_29 = arith.constant 0 : index
    %get3A_30 = vector.load %arg7[%get3A_28, %get3A_29] : memref<1x128xf32, #tpu.memory_space<vmem>>, vector<1x128xf32>
    %add3A_31 = vector.broadcast %get3A_30 : vector<1x128xf32> to vector<6400x128xf32>
    %add3A_32 = arith.addf %dot_general3A_27, %add3A_31 : vector<6400x128xf32>
    %reduce_sum3A = arith.constant dense<0.000000e+00> : vector<6400xf32>
    %reduce_sum3A_33 = vector.multi_reduction <add>, %add3A_32, %reduce_sum3A [1] : vector<6400x128xf32> to vector<6400xf32>
    %broadcast_in_dim3A = vector.shape_cast %reduce_sum3A_33 : vector<6400xf32> to vector<6400x1xf32>
    %div3A = arith.constant 1.280000e+02 : f32
    %div3A_34 = vector.broadcast %div3A : f32 to vector<6400x1xf32>
    %div3A_35 = arith.divf %broadcast_in_dim3A, %div3A_34 : vector<6400x1xf32>
    %sub3A = vector.broadcast %div3A_35 : vector<6400x1xf32> to vector<6400x128xf32>
    %sub3A_36 = arith.subf %add3A_32, %sub3A : vector<6400x128xf32>
    %integer_pow3A = arith.mulf %sub3A_36, %sub3A_36 : vector<6400x128xf32>
    %reduce_sum3A_37 = arith.constant dense<0.000000e+00> : vector<6400xf32>
    %reduce_sum3A_38 = vector.multi_reduction <add>, %integer_pow3A, %reduce_sum3A_37 [1] : vector<6400x128xf32> to vector<6400xf32>
    %broadcast_in_dim3A_39 = vector.shape_cast %reduce_sum3A_38 : vector<6400xf32> to vector<6400x1xf32>
    %div3A_40 = arith.constant 1.280000e+02 : f32
    %div3A_41 = vector.broadcast %div3A_40 : f32 to vector<6400x1xf32>
    %div3A_42 = arith.divf %broadcast_in_dim3A_39, %div3A_41 : vector<6400x1xf32>
    %sub3A_43 = vector.broadcast %div3A_35 : vector<6400x1xf32> to vector<6400x128xf32>
    %sub3A_44 = arith.subf %add3A_32, %sub3A_43 : vector<6400x128xf32>
    %add3A_45 = arith.constant 9.99999974E-6 : f32
    %add3A_46 = vector.broadcast %add3A_45 : f32 to vector<6400x1xf32>
    %add3A_47 = arith.addf %div3A_42, %add3A_46 : vector<6400x1xf32>
    %rsqrt3A = math.rsqrt %add3A_47 : vector<6400x1xf32>
    %mul3A_48 = vector.broadcast %rsqrt3A : vector<6400x1xf32> to vector<6400x128xf32>
    %mul3A_49 = arith.mulf %sub3A_44, %mul3A_48 : vector<6400x128xf32>
    %get3A_50 = arith.constant 0 : index
    %get3A_51 = arith.constant 0 : index
    %get3A_52 = vector.load %arg8[%get3A_50, %get3A_51] : memref<1x128xf32, #tpu.memory_space<vmem>>, vector<1x128xf32>
    %mul3A_53 = vector.broadcast %get3A_52 : vector<1x128xf32> to vector<6400x128xf32>
    %mul3A_54 = arith.mulf %mul3A_49, %mul3A_53 : vector<6400x128xf32>
    %get3A_55 = arith.constant 0 : index
    %get3A_56 = arith.constant 0 : index
    %get3A_57 = vector.load %arg9[%get3A_55, %get3A_56] : memref<1x128xf32, #tpu.memory_space<vmem>>, vector<1x128xf32>
    %add3A_58 = vector.broadcast %get3A_57 : vector<1x128xf32> to vector<6400x128xf32>
    %add3A_59 = arith.addf %mul3A_54, %add3A_58 : vector<6400x128xf32>
    %swap3A = arith.constant 0 : index
    %swap3A_60 = arith.constant 0 : index
    %swap3A_61 = vector.load %arg10[%swap3A, %swap3A_60] : memref<6400x128xf32, #tpu.memory_space<vmem>>, vector<6400x128xf32>
    tpu.vector_store %arg10[%swap3A, %swap3A_60], %add3A_59 {strides = array<i32>} : memref<6400x128xf32, #tpu.memory_space<vmem>>, vector<6400x128xf32>,
    return
  }
  func.func @transform_0(%arg0: i32) -> (i32, i32) {
    %c0_i32 = arith.constant 0 : i32
    %c0_i32_0 = arith.constant 0 : i32
    return %arg0, %c0_i32 : i32, i32
  }
  func.func @transform_1(%arg0: i32) -> (i32, i32) {
    %c0_i32 = arith.constant 0 : i32
    %c0_i32_0 = arith.constant 0 : i32
    return %arg0, %c0_i32 : i32, i32
  }
  func.func @transform_2(%arg0: i32) -> (i32, i32) {
    %c0_i32 = arith.constant 0 : i32
    %c0_i32_0 = arith.constant 0 : i32
    return %arg0, %c0_i32 : i32, i32
  }
  func.func @transform_3(%arg0: i32) -> (i32, i32) {
    %c0_i32 = arith.constant 0 : i32
    %c0_i32_0 = arith.constant 0 : i32
    %c0_i32_1 = arith.constant 0 : i32
    return %c0_i32, %c0_i32_0 : i32, i32
  }
  func.func @transform_4(%arg0: i32) -> (i32, i32) {
    %c0_i32 = arith.constant 0 : i32
    %c0_i32_0 = arith.constant 0 : i32
    %c0_i32_1 = arith.constant 0 : i32
    return %c0_i32, %c0_i32_0 : i32, i32
  }
  func.func @transform_5(%arg0: i32) -> (i32, i32) {
    %c0_i32 = arith.constant 0 : i32
    %c0_i32_0 = arith.constant 0 : i32
    %c0_i32_1 = arith.constant 0 : i32
    return %c0_i32, %c0_i32_0 : i32, i32
  }
  func.func @transform_6(%arg0: i32) -> (i32, i32) {
    %c0_i32 = arith.constant 0 : i32
    %c0_i32_0 = arith.constant 0 : i32
    %c0_i32_1 = arith.constant 0 : i32
    return %c0_i32, %c0_i32_0 : i32, i32
  }
  func.func @transform_7(%arg0: i32) -> (i32, i32) {
    %c0_i32 = arith.constant 0 : i32
    %c0_i32_0 = arith.constant 0 : i32
    %c0_i32_1 = arith.constant 0 : i32
    return %c0_i32, %c0_i32_0 : i32, i32
  }
  func.func @transform_8(%arg0: i32) -> (i32, i32) {
    %c0_i32 = arith.constant 0 : i32
    %c0_i32_0 = arith.constant 0 : i32
    %c0_i32_1 = arith.constant 0 : i32
    return %c0_i32, %c0_i32_0 : i32, i32
  }
  func.func @transform_9(%arg0: i32) -> (i32, i32) {
    %c0_i32 = arith.constant 0 : i32
    %c0_i32_0 = arith.constant 0 : i32
    return %arg0, %c0_i32 : i32, i32
  }
}

module attributes {stable_mosaic.version = 14 : i64} {
  func.func @_node_body(%arg0: i32, %arg1: memref<2x2000x128xf32, #tpu.memory_space<vmem>>, %arg2: memref<2000x128xf32, #tpu.memory_space<vmem>>, %arg3: memref<128x128xf32, #tpu.memory_space<vmem>>, %arg4: memref<128x128xf32, #tpu.memory_space<vmem>>, %arg5: memref<128x128xf32, #tpu.memory_space<vmem>>, %arg6: memref<1x128xf32, #tpu.memory_space<vmem>>, %arg7: memref<1x128xf32, #tpu.memory_space<vmem>>, %arg8: memref<1x128xf32, #tpu.memory_space<vmem>>, %arg9: memref<1x128xf32, #tpu.memory_space<vmem>>, %arg10: memref<2000x128xf32, #tpu.memory_space<vmem>>) attributes {dimension_semantics = [#tpu.dimension_semantics<arbitrary>], iteration_bounds = array<i64: 5>, scalar_prefetch = 0 : i64, scratch_operands = 0 : i64, tpu.core_type = #tpu.core_type<tc>, window_params = [{transform_indices = @transform_0, window_bounds = array<i64: 2, 2000, 128>}, {transform_indices = @transform_1, window_bounds = array<i64: 2000, 128>}, {pipeline_mode = #tpu.pipeline_mode<synchronous>, transform_indices = @transform_2, window_bounds = array<i64: 128, 128>}, {pipeline_mode = #tpu.pipeline_mode<synchronous>, transform_indices = @transform_3, window_bounds = array<i64: 128, 128>}, {pipeline_mode = #tpu.pipeline_mode<synchronous>, transform_indices = @transform_4, window_bounds = array<i64: 128, 128>}, {pipeline_mode = #tpu.pipeline_mode<synchronous>, transform_indices = @transform_5, window_bounds = array<i64: 1, 128>}, {pipeline_mode = #tpu.pipeline_mode<synchronous>, transform_indices = @transform_6, window_bounds = array<i64: 1, 128>}, {pipeline_mode = #tpu.pipeline_mode<synchronous>, transform_indices = @transform_7, window_bounds = array<i64: 1, 128>}, {pipeline_mode = #tpu.pipeline_mode<synchronous>, transform_indices = @transform_8, window_bounds = array<i64: 1, 128>}, {transform_indices = @transform_9, window_bounds = array<i64: 2000, 128>}]} {
    %broadcast_in_dim3A = arith.constant 0.000000e+00 : f32
    %broadcast_in_dim3A_0 = vector.broadcast %broadcast_in_dim3A : f32 to vector<2000x128xf32>
    %get3A = arith.constant 0 : index
    %get3A_1 = arith.constant 0 : index
    %get3A_2 = arith.constant 0 : index
    %get3A_3 = vector.load %arg1[%get3A, %get3A_1, %get3A_2] : memref<2x2000x128xf32, #tpu.memory_space<vmem>>, vector<1x2000x128xf32>
    %get3A_4 = vector.shape_cast %get3A_3 : vector<1x2000x128xf32> to vector<2000x128xf32>
    %add3A = arith.addf %broadcast_in_dim3A_0, %get3A_4 : vector<2000x128xf32>
    %get3A_5 = arith.constant 1 : index
    %get3A_6 = arith.constant 0 : index
    %get3A_7 = arith.constant 0 : index
    %get3A_8 = vector.load %arg1[%get3A_5, %get3A_6, %get3A_7] : memref<2x2000x128xf32, #tpu.memory_space<vmem>>, vector<1x2000x128xf32>
    %get3A_9 = vector.shape_cast %get3A_8 : vector<1x2000x128xf32> to vector<2000x128xf32>
    %add3A_10 = arith.addf %add3A, %get3A_9 : vector<2000x128xf32>
    %get3A_11 = arith.constant 0 : index
    %get3A_12 = arith.constant 0 : index
    %get3A_13 = vector.load %arg2[%get3A_11, %get3A_12] : memref<2000x128xf32, #tpu.memory_space<vmem>>, vector<2000x128xf32>
    %get3A_14 = arith.constant 0 : index
    %get3A_15 = arith.constant 0 : index
    %get3A_16 = vector.load %arg3[%get3A_14, %get3A_15] : memref<128x128xf32, #tpu.memory_space<vmem>>, vector<128x128xf32>
    %dot_general3A = arith.constant dense<0.000000e+00> : vector<2000x128xf32>
    %dot_general3A_17 = tpu.matmul %add3A_10, %get3A_16, %dot_general3A {dimension_numbers = #tpu.dot_dimension_numbers<[1], [0], [0], [1], [0, 0, 1, 1], [], []>, transpose_lhs_hint = false} : vector<2000x128xf32>, vector<128x128xf32>, vector<2000x128xf32> -> vector<2000x128xf32>
    %get3A_18 = arith.constant 0 : index
    %get3A_19 = arith.constant 0 : index
    %get3A_20 = vector.load %arg4[%get3A_18, %get3A_19] : memref<128x128xf32, #tpu.memory_space<vmem>>, vector<128x128xf32>
    %dot_general3A_21 = arith.constant dense<0.000000e+00> : vector<2000x128xf32>
    %dot_general3A_22 = tpu.matmul %get3A_13, %get3A_20, %dot_general3A_21 {dimension_numbers = #tpu.dot_dimension_numbers<[1], [0], [0], [1], [0, 0, 1, 1], [], []>, transpose_lhs_hint = false} : vector<2000x128xf32>, vector<128x128xf32>, vector<2000x128xf32> -> vector<2000x128xf32>
    %add3A_23 = arith.addf %dot_general3A_17, %dot_general3A_22 : vector<2000x128xf32>
    %get3A_24 = arith.constant 0 : index
    %get3A_25 = arith.constant 0 : index
    %get3A_26 = vector.load %arg6[%get3A_24, %get3A_25] : memref<1x128xf32, #tpu.memory_space<vmem>>, vector<1x128xf32>
    %add3A_27 = vector.broadcast %get3A_26 : vector<1x128xf32> to vector<2000x128xf32>
    %add3A_28 = arith.addf %add3A_23, %add3A_27 : vector<2000x128xf32>
    %logistic3A = arith.negf %add3A_28 : vector<2000x128xf32>
    %logistic3A_29 = math.exp %logistic3A : vector<2000x128xf32>
    %logistic3A_30 = arith.constant 1.000000e+00 : f32
    %logistic3A_31 = vector.broadcast %logistic3A_30 : f32 to vector<2000x128xf32>
    %logistic3A_32 = arith.addf %logistic3A_31, %logistic3A_29 : vector<2000x128xf32>
    %logistic3A_33 = arith.divf %logistic3A_31, %logistic3A_32 : vector<2000x128xf32>
    %mul3A = arith.mulf %add3A_28, %logistic3A_33 : vector<2000x128xf32>
    %get3A_34 = arith.constant 0 : index
    %get3A_35 = arith.constant 0 : index
    %get3A_36 = vector.load %arg5[%get3A_34, %get3A_35] : memref<128x128xf32, #tpu.memory_space<vmem>>, vector<128x128xf32>
    %dot_general3A_37 = arith.constant dense<0.000000e+00> : vector<2000x128xf32>
    %dot_general3A_38 = tpu.matmul %mul3A, %get3A_36, %dot_general3A_37 {dimension_numbers = #tpu.dot_dimension_numbers<[1], [0], [0], [1], [0, 0, 1, 1], [], []>, transpose_lhs_hint = false} : vector<2000x128xf32>, vector<128x128xf32>, vector<2000x128xf32> -> vector<2000x128xf32>
    %get3A_39 = arith.constant 0 : index
    %get3A_40 = arith.constant 0 : index
    %get3A_41 = vector.load %arg7[%get3A_39, %get3A_40] : memref<1x128xf32, #tpu.memory_space<vmem>>, vector<1x128xf32>
    %add3A_42 = vector.broadcast %get3A_41 : vector<1x128xf32> to vector<2000x128xf32>
    %add3A_43 = arith.addf %dot_general3A_38, %add3A_42 : vector<2000x128xf32>
    %reduce_sum3A = arith.constant dense<0.000000e+00> : vector<2000xf32>
    %reduce_sum3A_44 = vector.multi_reduction <add>, %add3A_43, %reduce_sum3A [1] : vector<2000x128xf32> to vector<2000xf32>
    %broadcast_in_dim3A_45 = vector.shape_cast %reduce_sum3A_44 : vector<2000xf32> to vector<2000x1xf32>
    %div3A = arith.constant 1.280000e+02 : f32
    %div3A_46 = vector.broadcast %div3A : f32 to vector<2000x1xf32>
    %div3A_47 = arith.divf %broadcast_in_dim3A_45, %div3A_46 : vector<2000x1xf32>
    %sub3A = vector.broadcast %div3A_47 : vector<2000x1xf32> to vector<2000x128xf32>
    %sub3A_48 = arith.subf %add3A_43, %sub3A : vector<2000x128xf32>
    %integer_pow3A = arith.mulf %sub3A_48, %sub3A_48 : vector<2000x128xf32>
    %reduce_sum3A_49 = arith.constant dense<0.000000e+00> : vector<2000xf32>
    %reduce_sum3A_50 = vector.multi_reduction <add>, %integer_pow3A, %reduce_sum3A_49 [1] : vector<2000x128xf32> to vector<2000xf32>
    %broadcast_in_dim3A_51 = vector.shape_cast %reduce_sum3A_50 : vector<2000xf32> to vector<2000x1xf32>
    %div3A_52 = arith.constant 1.280000e+02 : f32
    %div3A_53 = vector.broadcast %div3A_52 : f32 to vector<2000x1xf32>
    %div3A_54 = arith.divf %broadcast_in_dim3A_51, %div3A_53 : vector<2000x1xf32>
    %sub3A_55 = vector.broadcast %div3A_47 : vector<2000x1xf32> to vector<2000x128xf32>
    %sub3A_56 = arith.subf %add3A_43, %sub3A_55 : vector<2000x128xf32>
    %add3A_57 = arith.constant 9.99999974E-6 : f32
    %add3A_58 = vector.broadcast %add3A_57 : f32 to vector<2000x1xf32>
    %add3A_59 = arith.addf %div3A_54, %add3A_58 : vector<2000x1xf32>
    %rsqrt3A = math.rsqrt %add3A_59 : vector<2000x1xf32>
    %mul3A_60 = vector.broadcast %rsqrt3A : vector<2000x1xf32> to vector<2000x128xf32>
    %mul3A_61 = arith.mulf %sub3A_56, %mul3A_60 : vector<2000x128xf32>
    %get3A_62 = arith.constant 0 : index
    %get3A_63 = arith.constant 0 : index
    %get3A_64 = vector.load %arg8[%get3A_62, %get3A_63] : memref<1x128xf32, #tpu.memory_space<vmem>>, vector<1x128xf32>
    %mul3A_65 = vector.broadcast %get3A_64 : vector<1x128xf32> to vector<2000x128xf32>
    %mul3A_66 = arith.mulf %mul3A_61, %mul3A_65 : vector<2000x128xf32>
    %get3A_67 = arith.constant 0 : index
    %get3A_68 = arith.constant 0 : index
    %get3A_69 = vector.load %arg9[%get3A_67, %get3A_68] : memref<1x128xf32, #tpu.memory_space<vmem>>, vector<1x128xf32>
    %add3A_70 = vector.broadcast %get3A_69 : vector<1x128xf32> to vector<2000x128xf32>
    %add3A_71 = arith.addf %mul3A_66, %add3A_70 : vector<2000x128xf32>
    %add3A_72 = arith.addf %add3A_71, %get3A_13 : vector<2000x128xf32>
    %swap3A = arith.constant 0 : index
    %swap3A_73 = arith.constant 0 : index
    %swap3A_74 = vector.load %arg10[%swap3A, %swap3A_73] : memref<2000x128xf32, #tpu.memory_space<vmem>>, vector<2000x128xf32>
    tpu.vector_store %arg10[%swap3A, %swap3A_73], %add3A_72 {strides = array<i32>} : memref<2000x128xf32, #tpu.memory_space<vmem>>, vector<2000x128xf32>,
    return
  }
  func.func @transform_0(%arg0: i32) -> (i32, i32, i32) {
    %c0_i32 = arith.constant 0 : i32
    %c0_i32_0 = arith.constant 0 : i32
    %c0_i32_1 = arith.constant 0 : i32
    return %c0_i32, %arg0, %c0_i32_0 : i32, i32, i32
  }
  func.func @transform_1(%arg0: i32) -> (i32, i32) {
    %c0_i32 = arith.constant 0 : i32
    %c0_i32_0 = arith.constant 0 : i32
    return %arg0, %c0_i32 : i32, i32
  }
  func.func @transform_2(%arg0: i32) -> (i32, i32) {
    %c0_i32 = arith.constant 0 : i32
    %c0_i32_0 = arith.constant 0 : i32
    %c0_i32_1 = arith.constant 0 : i32
    return %c0_i32, %c0_i32_0 : i32, i32
  }
  func.func @transform_3(%arg0: i32) -> (i32, i32) {
    %c0_i32 = arith.constant 0 : i32
    %c0_i32_0 = arith.constant 0 : i32
    %c0_i32_1 = arith.constant 0 : i32
    return %c0_i32, %c0_i32_0 : i32, i32
  }
  func.func @transform_4(%arg0: i32) -> (i32, i32) {
    %c0_i32 = arith.constant 0 : i32
    %c0_i32_0 = arith.constant 0 : i32
    %c0_i32_1 = arith.constant 0 : i32
    return %c0_i32, %c0_i32_0 : i32, i32
  }
  func.func @transform_5(%arg0: i32) -> (i32, i32) {
    %c0_i32 = arith.constant 0 : i32
    %c0_i32_0 = arith.constant 0 : i32
    %c0_i32_1 = arith.constant 0 : i32
    return %c0_i32, %c0_i32_0 : i32, i32
  }
  func.func @transform_6(%arg0: i32) -> (i32, i32) {
    %c0_i32 = arith.constant 0 : i32
    %c0_i32_0 = arith.constant 0 : i32
    %c0_i32_1 = arith.constant 0 : i32
    return %c0_i32, %c0_i32_0 : i32, i32
  }
  func.func @transform_7(%arg0: i32) -> (i32, i32) {
    %c0_i32 = arith.constant 0 : i32
    %c0_i32_0 = arith.constant 0 : i32
    %c0_i32_1 = arith.constant 0 : i32
    return %c0_i32, %c0_i32_0 : i32, i32
  }
  func.func @transform_8(%arg0: i32) -> (i32, i32) {
    %c0_i32 = arith.constant 0 : i32
    %c0_i32_0 = arith.constant 0 : i32
    %c0_i32_1 = arith.constant 0 : i32
    return %c0_i32, %c0_i32_0 : i32, i32
  }
  func.func @transform_9(%arg0: i32) -> (i32, i32) {
    %c0_i32 = arith.constant 0 : i32
    %c0_i32_0 = arith.constant 0 : i32
    return %arg0, %c0_i32 : i32, i32
  }
}

</mosaic_0001>

<sc_bundles>
// kernel: kernel.10.cloned.1.call-start
scs
__scs_entry_jumppad:
0x0: {  	(pc) =	sbr.rel $0x88, $3  }
0x1: {  	(tag) =	ssettag $0x0;
	lr =	simm.s32 $0x1  }
0x2: {  	[smem:$0x3F91] =	sst lr;
	_ =	strace $0xD0000000  }
0x3: {  	_ = 	snop  }
0x4: {  	_ = 	snop  }
0x5: {  	_ = 	snop  }
0x6: {  	_ = 	snop  }
0x7: {  	_ = 	snop  }
__scs_overlays_trampoline_lowered:
0x8: {  	[smem:$0x3FA0] =	sst s0  }
0x9: {  	[smem:$0x3FA1] =	sst s1  }
0xa: {  	[smem:$0x3FA2] =	sst s2  }
0xb: {  	[smem:$0x3FA3] =	sst s3  }
0xc: {  	[smem:$0x3FA4] =	sst s4  }
0xd: {  	[smem:$0x3FA5] =	sst s5  }
0xe: {  	[smem:$0x3FA6] =	sst s6  }
0xf: {  	[smem:$0x3FA7] =	sst s7  }
0x10: {  	[smem:$0x3FA8] =	sst s8  }
0x11: {  	[smem:$0x3FA9] =	sst s9;
	s0 =	simm.s32 @!p0 $0x0  }
0x12: {  	s1 =	sld [smem:$0x3F8F];
	s0 =	simm.s32 @p0 $0x1  }
0x13: {  	[smem:$0x3FAA] =	sst s0;
	s0 =	simm.s32 @!p1 $0x0  }
0x14: {  	s2 =	sld [smem:$0x3F8E];
	s0 =	simm.s32 @p1 $0x1  }
0x15: {  	[smem:$0x3FAB] =	sst s0;
	s0 =	simm.s32 @!p2 $0x0  }
0x16: {  	s3 =	sld [smem:$0x3FDB];
	s0 =	simm.s32 @p2 $0x1  }
0x17: {  	s4 =	simm.s32 $0x1BF5;
	[smem:$0x3FAD] =	sst s0  }
0x18: {  	s0 =	sld [smem:$0x3F90];
	_ =	swait.ge [sflag:s4], $0x0  }
0x19: {  	s7 =	sld [smem:$0x3F91]  }
0x1a: {  	s8 =	sadd.s32 $0xFFFFE003, lr  }
0x1b: {  	s9 =	sadd.s32 $0xFFFFFEF7, lr;
	s5 =	simm.s32 $0xFFFFFFFF;
	p2 =	slt.u32 s8, $0xFFFFF086  }
0x1c: {  	p1 =	slt.u32 s9, $0xF7A;
	s5 =	simm.s32 @!p2 $0x0  }
0x1d: {  	s5 =	simm.s32 @p1 $0x1;
	p0 =	seq.s32 s7, s2  }
0x1e: {  	s7 =	smul.u32 @!p0 $0xF7A, s2;
	p2 =	seq.s32 @!p0 s5, $0x0  }
0x1f: {  	s9 =	smul.u32 $0xF7A, s1;
	s8 =	simm.s32 @!p0 $0x1BF5;
	p2 =	por !p2, p0  }
0x20: {  	[sflag:s8] =	ssyncset.s32 @!p0 $0xFFFFF086;
	s6 =	sadd.s32 @!p0 s3, s7;
	s7 =	simm.s32 @!p0 $0x108  }
0x21: {  	s3 =	sadd.s32 s3, s9;
	s6 =	sadd.s32 @!p0 $0x88, s6;
	s7 =	simm.s32 @p2 $0x1082  }
0x22: {  	[simem:s7], [sflag:s8] =	dma.local @!p0 [hbm:s6], $0xF7A  }
0x23: {  	s9 =	sor.u32 $0xD0000000, s2;
	s6 =	simm.s32 $0x108;
	_ =	swait.ge @!p0 [sflag:s8], $0x0  }
0x24: {  	s3 =	sadd.s32 $0x88, s3;
	s6 =	simm.s32 @!p1 $0x1082;
	[sflag:s4] =	ssyncset.s32 $0xFFFFF086  }
0x25: {  	[simem:s6], [sflag:s4] =	dma.local [hbm:s3], $0xF7A  }
0x26: {  	[smem:$0x3F91] =	sst s1;
	(tag) =	ssettag s2;
	_ =	strace s9  }
0x27: {  	s1 =	sld [smem:$0x3FA1]  }
0x28: {  	s2 =	sld [smem:$0x3FA2]  }
0x29: {  	s4 =	sld [smem:$0x3FA4]  }
0x2a: {  	p0 =	seq.s32 s5, $0x0;
	s5 =	sld [smem:$0x3FA5]  }
0x2b: {  	s6 =	sld [smem:$0x3FA6]  }
0x2c: {  	s7 =	sld [smem:$0x3FA7]  }
0x2d: {  	s3 =	simm.s32 $0x108;
	s8 =	sld [smem:$0x3FA8]  }
0x2e: {  	s3 =	simm.s32 @!p0 $0x1082;
	s9 =	sld [smem:$0x3FA9]  }
0x2f: {  	lr =	sadd.s32 s0, s3;
	s0 =	sld [smem:$0x3FA0]  }
0x30: {  	s3 =	sld [smem:$0x3FA3]  }
0x31: {  	[smem:$0x3FAC] =	sst s10  }
0x32: {  	s10 =	sld [smem:$0x3FAA];
	_ =	sdelay $0x3  }
0x33: {  	p0 =	seq.s32 s10, $0x1;
	s10 =	sld [smem:$0x3FAC];
	_ =	sdelay $0x3  }
0x34: {  	[smem:$0x3FAC] =	sst s10  }
0x35: {  	s10 =	sld [smem:$0x3FAB];
	_ =	sdelay $0x3  }
0x36: {  	p1 =	seq.s32 s10, $0x1;
	s10 =	sld [smem:$0x3FAC];
	_ =	sdelay $0x3  }
0x37: {  	[smem:$0x3FAC] =	sst s10  }
0x38: {  	s10 =	sld [smem:$0x3FAD]  }
0x39: {  	_ = 	snop;
	(pc) =	sbr.ind lr, $3  }
0x3a: {  	_ = 	snop  }
0x3b: {  	_ = 	snop  }
0x3c: {  	p2 =	seq.s32 s10, $0x1;
	s10 =	sld [smem:$0x3FAC]  }
0x3d: {  	_ =	shalt  }
0x3e: {  	_ =	shalt  }
0x3f: {  	_ =	shalt  }
0x40: {  	_ =	shalt  }
0x41: {  	_ =	shalt  }
0x42: {  	_ =	shalt  }
0x43: {  	_ =	shalt  }
0x44: {  	_ =	shalt  }
0x45: {  	_ =	shalt  }
0x46: {  	_ =	shalt  }
0x47: {  	_ =	shalt  }
0x48: {  	_ =	shalt  }
0x49: {  	_ =	shalt  }
0x4a: {  	_ =	shalt  }
0x4b: {  	_ =	shalt  }
0x4c: {  	_ =	shalt  }
0x4d: {  	_ =	shalt  }
0x4e: {  	_ =	shalt  }
0x4f: {  	_ =	shalt  }
0x50: {  	_ =	shalt  }
0x51: {  	_ =	shalt  }
0x52: {  	_ =	shalt  }
0x53: {  	_ =	shalt  }
0x54: {  	_ =	shalt  }
0x55: {  	_ =	shalt  }
0x56: {  	_ =	shalt  }
0x57: {  	_ =	shalt  }
0x58: {  	_ =	shalt  }
0x59: {  	_ =	shalt  }
0x5a: {  	_ =	shalt  }
0x5b: {  	_ =	shalt  }
0x5c: {  	_ =	shalt  }
0x5d: {  	_ =	shalt  }
0x5e: {  	_ =	shalt  }
0x5f: {  	_ =	shalt  }
0x60: {  	_ =	shalt  }
0x61: {  	_ =	shalt  }
0x62: {  	_ =	shalt  }
0x63: {  	_ =	shalt  }
0x64: {  	_ =	shalt  }
0x65: {  	_ =	shalt  }
0x66: {  	_ =	shalt  }
0x67: {  	_ =	shalt  }
0x68: {  	_ =	shalt  }
0x69: {  	_ =	shalt  }
0x6a: {  	_ =	shalt  }
0x6b: {  	_ =	shalt  }
0x6c: {  	_ =	shalt  }
0x6d: {  	_ =	shalt  }
0x6e: {  	_ =	shalt  }
0x6f: {  	_ =	shalt  }
0x70: {  	_ =	shalt  }
0x71: {  	_ =	shalt  }
0x72: {  	_ =	shalt  }
0x73: {  	_ =	shalt  }
0x74: {  	_ =	shalt  }
0x75: {  	_ =	shalt  }
0x76: {  	_ =	shalt  }
0x77: {  	_ =	shalt  }
0x78: {  	_ =	shalt  }
0x79: {  	_ =	shalt  }
0x7a: {  	_ =	shalt  }
0x7b: {  	_ =	shalt  }
0x7c: {  	_ =	shalt  }
0x7d: {  	_ =	shalt  }
0x7e: {  	_ =	shalt  }
0x7f: {  	_ =	shalt  }
0x80: {  	_ =	shalt  }
0x81: {  	_ =	shalt  }
0x82: {  	_ =	shalt  }
0x83: {  	_ =	shalt  }
0x84: {  	_ =	shalt  }
0x85: {  	_ =	shalt  }
0x86: {  	_ =	shalt  }
0x87: {  	_ =	shalt  }
.Lfunc_end0:
.L_simem_size_0:
called_computation.1_lowered:
.L_overlay_start_0:
0x88: {  	s2 =	sld [smem:$0x3FD9]  }
0x89: {  	s3 =	sld [smem:$0x3FFE];
	_ =	sdelay $0x1  }
0x8a: {  	s1 =	srdreg.scid  }
0x8b: {  	s0 =	sand.u32 $0x1, s1  }
0x8c: {  	s17 =	sshll.u32 s0, $0xA;
	s2 =	sadd.s32 s3, s2  }
0x8d: {  	s2 =	sadd.s32 s2, s17  }
0x8e: {  	[smem:$0x3FB8] =	sst s2  }
0x8f: {  	_ = 	snop  }
0x90: {  	s2 =	sld [smem:$0x3FD0];
	(tm) =	ssettm $0x1  }
0x91: {  	s18 =	sld [smem:$0x3FFB];
	_ =	sdelay $0x3  }
0x92: {  	_ =	strace s18  }
0x93: {  	s3 =	sld [smem:$0x3FFC];
	_ =	sdelay $0x3  }
0x94: {  	_ =	strace s3  }
0x95: {  	s3 =	sld [smem:$0x3FFD];
	_ =	sdelay $0x3  }
0x96: {  	_ =	strace s3  }
0x97: {  	_ =	strace $0x8FFFFFFF  }
0x98: {  	s19 =	sld [smem:$0x3FDB];
	_ =	sdelay $0x1  }
0x99: {  	s4 =	simm.s32 $_scs_section_size  }
0x9a: {  	s5 =	simm.s32 $_size__tile_overlayer_lowered;
	s6 =	simm.s32 $_tile_overlayer_lowered  }
0x9b: {  	s22 =	simm.s32 $0x1BFF;
	s21 =	sshll.u32 s6, $0x1;
	s3 =	sadd.s32 s4, s19  }
0x9c: {  	s7 =	simm.s32 $0x0;
	s20 =	sshll.u32 s5, $0x1;
	s5 =	sadd.s32 s21, s3  }
0x9d: {  	[timem:s7], [sflag:s22] =	dma.local [hbm:s5], s20  }
0x9e: {  	_ =	swait.ge [sflag:s22], s20  }
0x9f: {  	s4 =	ssub.s32 $0x0, s20;
	[sflag:s22] =	ssyncset.done $0x0  }
0xa0: {  	[sflag:s22] =	ssyncadd.s32 s4;
	_ =	sdelay $0x1  }
0xa1: {  	s23 =	simm.s32 $0x1B8B  }
0xa2: {  	_ =	swait.ge [sflag:s23], $0x1  }
0xa3: {  	[sflag:s23] =	ssyncset.done $0x0  }
0xa4: {  	s25 =	simm.s32 $0x1B8E;
	s24 =	sld [smem:$0x3FFE];
	[sflag:s23] =	ssyncadd.s32 $0xFFFFFFFF  }
0xa5: {  	s26 =	simm.s32 $execute0_lowered;
	[smem:$0x3FD2] =	sst s25  }
0xa6: {  	s5 =	sshll.u32 s26, $0x1;
	_ =	strace $0x80000055;
	[dreg:$0x1] =	wrdreg $0xFFFFFFFF  }
0xa7: {  	s28 =	simm.s32 $_size_execute0_lowered;
	s3 =	sadd.s32 s3, s5;
	[dreg:$0x0] =	wrdreg $0x0  }
0xa8: {  	s5 =	sshll.u32 s28, $0x1;
	[dreg:$0x2] =	wrdreg s3  }
0xa9: {  	[dreg:$0x3] =	wrdreg s5  }
0xaa: {  	[dreg:$0x4] =	wrdreg $0xC0  }
0xab: {  	_ =	task [dreg:s7], $0x5FFFF  }
0xac: {  	[dreg:$0x1] =	wrdreg $0xFFFFFFFF  }
0xad: {  	[dreg:$0x0] =	wrdreg $0x60  }
0xae: {  	[dreg:$0x2] =	wrdreg s24  }
0xaf: {  	[dreg:$0x3] =	wrdreg s2  }
0xb0: {  	[dreg:$0x4] =	wrdreg $0x0  }
0xb1: {  	[dreg:$0x5] =	wrdreg $0x9  }
0xb2: {  	_ =	task.clear_ibuf [dreg:s7], $0x6FFFF;
	_ =	strace $0x90000055  }
0xb3: {  	s29 =	simm.s32 $0x9;
	_ =	strace $0x8000005D  }
0xb4: {  	_ =	swait.ge [sflag:s29], $0x1  }
0xb5: {  	[sflag:s29] =	ssyncadd.s32 $0xFFFFFFFF  }
0xb6: {  	_ =	strace $0x9000005D  }
0xb7: {  	_ =	sfence  }
0xb8: {  	s30 =	sld [smem:$0x0];
	_ =	sdelay $0x2  }
0xb9: {  	s31 =	sshll.u32 s1, $0xD;
	s1 =	sshrl.u32 s1, $0x2  }
0xba: {  	s3 =	sand.u32 $0x4000, s31;
	s1 =	sadd.s32 s1, s30  }
0xbb: {  	s0 =	sor.u32 s3, s0;
	s1 =	sshll.u32 s1, $0x11  }
0xbc: {  	s0 =	sor.u32 s1, s0  }
0xbd: {  	s0 =	sadd.s32 $0x8F2B, s0  }
0xbe: {  	[sflag:s0] =	ssyncadd.remote.s32 $0x1  }
0xbf: {  	_ =	sfence.sel $0xFFFF  }
0xc0: {  	[dreg:$0x0] =	wrdreg $0xFFFFFFFF;
	(pc) =	sbr.abs _section_cstart, $3  }
0xc1: {  	[dreg:$0x1] =	wrdreg $0xFFFFFFFF  }
0xc2: {  	_ =	task.clear_ibuf [dreg:s7], $0x2FFFF;
	_ =	strace $0x9FFFFFFF  }
0xc3: {  	(tm) =	ssettm $0x7FFFFFFF  }
tec
execute0_lowered:
.L_overlay_start_1:
0x0: {  	(tag) =	ssettag $0x1  }
0x1: {  	s0 =	rddreg [dreg:$0x0]  }
0x2: {  	s2 =	rddreg [dreg:$0x2]  }
0x3: {  	s14 =	simm.s32 $0x0;
	s1 =	srdreg.scid;
	s3 =	stileid.u32  }
0x4: {  	s17 =	simm.s32 $0x1;
	s21 =	simm.s32 $0x80;
	s22 =	simm.s32 $0x5  }
0x5: {  	s23 =	simm.s32 $0x0;
	[smem:$0x7FF] =	sst s14;
	s5 =	sadd.s32 $0xA01A00, s0  }
0x6: {  	s1 =	sand.u32 $0x1, s1;
	s6 =	sadd.s32 $0xCA00, s0;
	s8 =	smul.u32 $0x4E000, s3  }
0x7: {  	s0 =	sadd.s32 $0x16800, s0;
	s11 =	sshll.u32 s3, $0x6;
	s12 =	smul.u32 $0x13800, s3  }
0x8: {  	_ =	strace $0x80000056;
	s4 =	sshll.u32 s1, $0x4;
	s7 =	ssub.s32 $0x2, s1  }
0x9: {  	s1 =	smul.u32 $0x138800, s1;
	s4 =	sor.u32 s3, s4;
	s9 =	sshrl.u32 s7, $0x1  }
0xa: {  	s8 =	sshrl.u32 s8, $0x2;
	s10 =	smul.u32 $0x4E, s4;
	s15 =	ssub.s32 s7, s9  }
0xb: {  	s9 =	smul.u32 $0x4F, s4;
	p0 =	slt.u32 s4, $0x4;
	s26 =	sadd.s32 s8, s2  }
0xc: {  	s8 =	sor.u32 $0x1C01, s11;
	s13 =	sadd.s32 s12, s1;
	s1 =	sshrl.u32 s1, $0x3  }
0xd: {  	s13 =	sshrl.u32 s13, $0x3;
	s1 =	sadd.s32 s0, s1;
	s31 =	smax.u32 s15, $0x1  }
0xe: {  	s16 =	sshrl.u32 s26, $0x3;
	s7 =	sadd.s32 $0x4, s10;
	s10 =	sadd.s32 $0x138000, s2  }
0xf: {  	s0 =	sadd.s32 s0, s13;
	[dreg:$0x8] =	wrdreg s31;
	s7 =	smov.u32 @p0 s9  }
0x10: {  	s30 =	sadd.s32 $0x27000, s1;
	[dreg:$0x6] =	wrdreg s0;
	s28 =	sshll.u32 s7, $0xB  }
0x11: {  	s9 =	simm.s32 $0x4F;
	[dreg:$0x7] =	wrdreg s30;
	s11 =	sand.u32 $0x1FFFF800, s28  }
0x12: {  	s9 =	simm.s32 @!p0 $0x4E;
	s29 =	sshll.u32 s7, $0x4;
	s11 =	sadd.s32 s5, s11  }
0x13: {  	p0 =	sne.s32 s3, $0xF;
	[dreg:$0x4] =	wrdreg s11;
	s11 =	sadd.s32 s6, s29  }
0x14: {  	s12 =	sadd.s32 $0xFFFFFFFF, s9;
	s18 =	sshrl.u32 @!p0 s10, $0x3;
	[dreg:$0x5] =	wrdreg s11  }
.LBB2_1:
0x15: {  	s0 =	rddreg [dreg:$0x1]  }
0x16: {  	[spmem:s16], [sflag:s8] =	dma.local [hbm:s0], $0x2700  }
0x17: {  	_ =	swait.ge [sflag:s17], $0x2700  }
0x18: {  	[sflag:s17] =	ssyncset.done $0x0  }
0x19: {  	s24 =	simm.s32 @!p0 $0x1;
	[sflag:s17] =	ssyncadd.s32 $0xFFFFD900  }
0x1a: {  	[spmem:s18], [sflag:s8] =	dma.local @!p0 [hbm:s0], $0x100  }
0x1b: {  	_ =	swait.ge @!p0 [sflag:s24], $0x100  }
0x1c: {  	[sflag:s24] =	ssyncset.done @!p0 $0x0  }
0x1d: {  	[sflag:s24] =	ssyncadd.s32 @!p0 $0xFFFFFF00  }
0x1e: {  	s1 =	simm.s32 $0x13880;
	[bflag:$0x0] =	sbarrier.arrive $0xFFFF  }
0x1f: {  	s31 =	simm.s32 $0x1B880;
	p2 =	sne.s32 s12, $0x1;
	_ =	strace $0x80000057  }
.Ltmp0:
0x20: {  	p1 =	seq.s32 s9, $0x1;
	s29 =	rddreg [dreg:$0x4];
	(pc) =	sbr.rel @!p2 .LBB2_2-.Ltmp0, $4  }
0x21: {  	[tilespmem:s1], [sflag:$0x1] =	stream.linear.gather [hbm4b:s29+s14], $0x4000, $0x200038;
	[tilespmem:$0x1B980] =	vst v63  }
0x22: {  	s26 =	simm.s32 $0x1;
	s0 =	simm.s32 $0x1;
	s30 =	rddreg [dreg:$0x5]  }
0x23: {  	[tilespmem:s31], [sflag:$0x3] =	stream.linear.gather [hbm4b:s30+s14], $0x80, $0x200038;
	[tilespmem:$0x1B980] =	vst v63  }
0x24: {  	s0 =	simm.s32 @p1 $0x0;
	p1 =	por $0x0, $0x0;
	_ =	strace $0x90000057  }
0x25: {  	p1 =	seq.s32 s0, $0x0;
	s26 =	simm.s32 $0x2;
	s15 =	simm.s32 $0x0  }
0x26: {  	p2 =	sne.s32 s12, $0x2;
	s31 =	simm.s32 $0x0;
	s1 =	sadd.s32 @!p1 s7, s0  }
0x27: {  	s4 =	sand.u32 @!p1 $0x1, s17;
	s25 =	simm.s32 @!p1 $0x0;
	_ =	strace @!p1 $0x80000058  }
0x28: {  	s30 =	simm.s32 @!p1 $0x2;
	s10 =	sshll.u32 @!p1 s1, $0xB;
	s19 =	sshll.u32 @!p1 s4, $0xE  }
0x29: {  	s20 =	sadd.s32 @!p1 $0x1, s4;
	s1 =	sshll.u32 @!p1 s1, $0x4;
	s28 =	sshll.u32 @!p1 s4, $0x7  }
0x2a: {  	s4 =	sadd.s32 @!p1 $0x3, s4;
	s30 =	smov.u32 @p1 s17;
	s10 =	sand.u32 @!p1 $0x1FFFF800, s10  }
0x2b: {  	s19 =	sor.u32 @!p1 $0x13880, s19;
	s1 =	sand.u32 @!p1 $0x1FFFFFF0, s1;
	s10 =	sadd.s32 @!p1 s5, s10  }
0x2c: {  	[tilespmem:s19], [sflag:s20] =	stream.linear.gather @!p1 [hbm4b:s10+s25], $0x4000, $0x200038;
	[tilespmem:$0x1B980] =	vst v63  }
0x2d: {  	s29 =	sadd.s32 @!p1 $0x1B880, s28;
	s28 =	simm.s32 @!p1 $0x1;
	_ =	strace @!p1 $0x90000058  }
0x2e: {  	s28 =	simm.s32 @p1 $0x0;
	s1 =	sadd.s32 @!p1 s6, s1;
	_ =	strace @!p1 $0x80000059  }
0x2f: {  	[tilespmem:s29], [sflag:s4] =	stream.linear.gather @!p1 [hbm4b:s1+s25], $0x80, $0x200038;
	[tilespmem:$0x1B980] =	vst v63  }
0x30: {  	s28 =	sadd.s32 $0x1, s28;
	s19 =	sand.u32 $0x1, s14;
	_ =	strace @!p1 $0x90000059  }
0x31: {  	s20 =	simm.s32 $0x0;
	s25 =	sadd.s32 $0x1, s19;
	_ =	strace $0x8000005A  }
0x32: {  	s10 =	sand.u32 $0x80, s20;
	s20 =	sadd.s32 $0x3, s19;
	_ =	swait.ge [sflag:s25], $0x4000  }
0x33: {  	s10 =	sadd.s32 $0x1B880, s10;
	s1 =	sand.u32 $0x4000, s15;
	[sflag:s25] =	ssyncset.done $0x0  }
.Ltmp1:
0x34: {  	s19 =	simm.s32 $0x1;
	[sflag:s25] =	ssyncadd.s32 $0xFFFFC000;
	(pc) =	sbr.rel @!p2 .LBB2_4-.Ltmp1, $4  }
0x35: {  	p1 =	sne.s32 s0, $0x0;
	s1 =	sor.u32 $0x13880, s1;
	_ =	strace $0x9000005A  }
0x36: {  	s19 =	simm.s32 @!p1 $0x0;
	s25 =	sadd.s32 $0x1, s0;
	_ =	strace $0x8000005B  }
0x37: {  	s29 =	sadd.s32 $0x0, s19;
	p1 =	seq.s32 s25, s9;
	_ =	swait.ge [sflag:s20], $0x80  }
0x38: {  	s25 =	simm.s32 @p1 $0x0;
	p1 =	por $0x1, $0x1;
	[sflag:s20] =	ssyncset.done $0x0  }
.LBB2_5:
0x39: {  	s4 =	smov.u32 s30  }
0x3a: {  	s26 =	sadd.s32 $0x1, s26;
	p2 =	seq.s32 s0, s25;
	s31 =	sadd.s32 s19, s31  }
0x3b: {  	s19 =	sadd.s32 @!p2 s7, s25;
	s30 =	sand.u32 @!p2 $0x1, s30;
	[sflag:s20] =	ssyncadd.s32 $0xFFFFFF80  }
0x3c: {  	s20 =	sshll.u32 @!p2 s30, $0xE;
	s11 =	sshll.u32 @!p2 s19, $0xB;
	_ =	strace $0x9000005B  }
0x3d: {  	s13 =	sand.u32 @!p2 $0x1, s28;
	s11 =	sand.u32 @!p2 $0x1FFFF800, s11;
	_ =	strace $0x8000005C  }
0x3e: {  	[spmem:s2] =	stream.indirect.scatter.add.f32 [tilespmem:s1], [sflag:$0x5], $0x80, s10, s21, $0x2000b8;
	[tilespmem:$0x1B980] =	vst v63  }
0x3f: {  	s19 =	sshll.u32 @!p2 s19, $0x4;
	s1 =	sadd.s32 @!p2 $0x1, s30;
	s10 =	simm.s32 @!p2 $0x0  }
0x40: {  	s20 =	sor.u32 @!p2 $0x13880, s20;
	s19 =	sand.u32 @!p2 $0x1FFFFFF0, s19;
	s30 =	sshll.u32 @!p2 s13, $0x7  }
0x41: {  	s14 =	sadd.s32 @!p2 $0x1B880, s30;
	s30 =	simm.s32 @!p2 $0x1;
	_ =	swait.ge [sflag:s22], $0x4000  }
0x42: {  	s11 =	sadd.s32 @!p2 s5, s11;
	s13 =	sadd.s32 @!p2 $0x3, s13;
	[sflag:s22] =	ssyncset.done $0x0  }
0x43: {  	s19 =	sadd.s32 @!p2 s6, s19;
	s30 =	simm.s32 @p2 $0x0;
	[sflag:s22] =	ssyncadd.s32 $0xFFFFC000  }
0x44: {  	s15 =	sshll.u32 s31, $0xE;
	s28 =	sadd.s32 s28, s30;
	_ =	strace $0x9000005C  }
0x45: {  	s3 =	sshll.u32 s29, $0x7;
	s30 =	sand.u32 $0x1, s31;
	_ =	strace @!p2 $0x80000058  }
0x46: {  	[tilespmem:s20], [sflag:s1] =	stream.linear.gather @!p2 [hbm4b:s11+s10], $0x4000, $0x200038;
	[tilespmem:$0x1B980] =	vst v63  }
0x47: {  	s3 =	sand.u32 $0x80, s3;
	s1 =	sadd.s32 $0x1, s30;
	_ =	strace @!p2 $0x90000058  }
0x48: {  	s30 =	sadd.s32 @!p2 $0x1, s4;
	s11 =	sand.u32 $0x1, s29;
	_ =	strace @!p2 $0x80000059  }
0x49: {  	[tilespmem:s14], [sflag:s13] =	stream.linear.gather @!p2 [hbm4b:s19+s10], $0x80, $0x200038;
	[tilespmem:$0x1B980] =	vst v63  }
0x4a: {  	s30 =	smov.u32 @p2 s4;
	s20 =	sadd.s32 $0x3, s11;
	_ =	strace @!p2 $0x90000059  }
0x4b: {  	p2 =	sne.s32 s12, s26;
	_ =	strace $0x8000005A  }
0x4c: {  	p3 =	sne.s32 s0, s25;
	_ =	swait.ge [sflag:s1], $0x4000  }
0x4d: {  	s0 =	smov.u32 s25;
	s19 =	simm.s32 $0x1;
	[sflag:s1] =	ssyncset.done $0x0  }
.Ltmp2:
0x4e: {  	[sflag:s1] =	ssyncadd.s32 $0xFFFFC000;
	s1 =	sand.u32 $0x4000, s15;
	(pc) =	sbr.rel @p2 .LBB2_5-.Ltmp2, $4  }
0x4f: {  	s25 =	sadd.s32 $0x1, s25;
	s19 =	simm.s32 @!p3 $0x0;
	_ =	strace $0x9000005A  }
0x50: {  	p3 =	seq.s32 s25, s9;
	s1 =	sor.u32 $0x13880, s1;
	_ =	strace $0x8000005B  }
0x51: {  	s10 =	sadd.s32 $0x1B880, s3;
	s25 =	simm.s32 @p3 $0x0;
	_ =	swait.ge [sflag:s20], $0x80  }
0x52: {  	s29 =	sadd.s32 s19, s29;
	[sflag:s20] =	ssyncset.done $0x0  }
0x53: {  	s4 =	smov.u32 s0;
	s0 =	smov.u32 s25;
	s14 =	simm.s32 $0x0  }
.LBB2_7:
0x54: {  	[sflag:s20] =	ssyncadd.s32 @p1 $0xFFFFFF80  }
0x55: {  	_ =	strace @p1 $0x9000005B  }
0x56: {  	p2 =	seq.s32 s4, s0;
	_ =	strace @p1 $0x8000005C  }
0x57: {  	[spmem:s2] =	stream.indirect.scatter.add.f32 @p1 [tilespmem:s1], [sflag:$0x5], $0x80, s10, s21, $0x2000b8;
	[tilespmem:$0x1B980] =	vst v63  }
0x58: {  	s3 =	sand.u32 @!p2 $0x1, s30;
	s13 =	simm.s32 @!p2 $0x0;
	_ =	swait.ge @p1 [sflag:s22], $0x4000  }
0x59: {  	s11 =	sshll.u32 @!p2 s3, $0xE;
	s1 =	sadd.s32 @!p2 s7, s0;
	[sflag:s22] =	ssyncset.done @p1 $0x0  }
0x5a: {  	s11 =	sor.u32 @!p2 $0x13880, s11;
	s10 =	sshll.u32 @!p2 s1, $0xB;
	[sflag:s22] =	ssyncadd.s32 @p1 $0xFFFFC000  }
0x5b: {  	s3 =	sadd.s32 @!p2 $0x1, s3;
	s10 =	sand.u32 @!p2 $0x1FFFF800, s10;
	_ =	strace @p1 $0x9000005C  }
0x5c: {  	s1 =	sshll.u32 @!p2 s1, $0x4;
	s10 =	sadd.s32 @!p2 s5, s10;
	_ =	strace @!p2 $0x80000058  }
0x5d: {  	[tilespmem:s11], [sflag:s3] =	stream.linear.gather @!p2 [hbm4b:s10+s13], $0x4000, $0x200038;
	[tilespmem:$0x1B980] =	vst v63  }
0x5e: {  	s1 =	sand.u32 @!p2 $0x1FFFFFF0, s1;
	s3 =	sand.u32 @!p2 $0x1, s28  }
0x5f: {  	s1 =	sadd.s32 @!p2 s6, s1;
	s10 =	sshll.u32 @!p2 s3, $0x7;
	_ =	strace @!p2 $0x90000058  }
0x60: {  	s3 =	sadd.s32 @!p2 $0x3, s3;
	s10 =	sadd.s32 @!p2 $0x1B880, s10;
	_ =	strace @!p2 $0x80000059  }
0x61: {  	[tilespmem:s10], [sflag:s3] =	stream.linear.gather @!p2 [hbm4b:s1+s13], $0x80, $0x200038;
	[tilespmem:$0x1B980] =	vst v63  }
0x62: {  	s1 =	sadd.s32 @p1 s19, s31;
	s19 =	simm.s32 $0x0  }
0x63: {  	s19 =	smov.u32 @p1 s1  }
0x64: {  	_ =	strace @!p2 $0x90000059;
	s1 =	sand.u32 $0x1, s19  }
0x65: {  	_ =	strace $0x8000005A;
	s1 =	sadd.s32 $0x1, s1  }
0x66: {  	_ =	swait.ge [sflag:s1], $0x4000  }
0x67: {  	[sflag:s1] =	ssyncset.done $0x0  }
0x68: {  	[sflag:s1] =	ssyncadd.s32 $0xFFFFC000  }
0x69: {  	s13 =	sand.u32 $0x1, s29;
	_ =	strace $0x9000005A  }
0x6a: {  	s1 =	sadd.s32 $0x3, s13;
	_ =	strace $0x8000005B  }
0x6b: {  	_ =	swait.ge [sflag:s1], $0x80  }
0x6c: {  	[sflag:s1] =	ssyncset.done $0x0  }
0x6d: {  	s20 =	sshll.u32 s29, $0x7;
	s15 =	sshll.u32 s19, $0xE;
	[sflag:s1] =	ssyncadd.s32 $0xFFFFFF80  }
0x6e: {  	s25 =	sand.u32 $0x80, s20;
	s3 =	sand.u32 $0x4000, s15;
	_ =	strace $0x9000005B  }
0x6f: {  	s3 =	sor.u32 $0x13880, s3;
	s1 =	sadd.s32 $0x1B880, s25;
	_ =	strace $0x8000005C  }
0x70: {  	[spmem:s2] =	stream.indirect.scatter.add.f32 [tilespmem:s3], [sflag:$0x5], $0x80, s1, s21, $0x2000b8;
	[tilespmem:$0x1B980] =	vst v63  }
0x71: {  	s1 =	sadd.s32 $0x1, s0  }
0x72: {  	p1 =	seq.s32 s1, s9  }
0x73: {  	_ =	swait.ge [sflag:s22], $0x4000;
	s1 =	simm.s32 @p1 $0x0;
	p1 =	sge.u32 s26, s12  }
0x74: {  	[sflag:s22] =	ssyncset.done $0x0;
	p3 =	seq.s32 @!p1 s0, s1  }
0x75: {  	s3 =	sadd.s32 @!p2 $0x1, s30;
	[sflag:s22] =	ssyncadd.s32 $0xFFFFC000;
	p1 =	por p3, p1  }
0x76: {  	s3 =	smov.u32 @p2 s30;
	_ =	strace $0x9000005C;
	s1 =	sadd.s32 @!p1 s7, s1  }
0x77: {  	s3 =	sand.u32 @!p1 $0x1, s3;
	_ =	strace @!p1 $0x80000058;
	s11 =	sshll.u32 @!p1 s1, $0xB  }
0x78: {  	s13 =	simm.s32 @!p1 $0x0;
	s10 =	sshll.u32 @!p1 s3, $0xE;
	s11 =	sand.u32 @!p1 $0x1FFFF800, s11  }
0x79: {  	s3 =	sadd.s32 @!p1 $0x1, s3;
	s10 =	sor.u32 @!p1 $0x13880, s10;
	s11 =	sadd.s32 @!p1 s5, s11  }
0x7a: {  	[tilespmem:s10], [sflag:s3] =	stream.linear.gather @!p1 [hbm4b:s11+s13], $0x4000, $0x200038;
	[tilespmem:$0x1B980] =	vst v63  }
0x7b: {  	s1 =	sshll.u32 @!p1 s1, $0x4;
	s3 =	simm.s32 @!p2 $0x1  }
0x7c: {  	s1 =	sand.u32 @!p1 $0x1FFFFFF0, s1;
	s3 =	simm.s32 @p2 $0x0  }
0x7d: {  	s1 =	sadd.s32 @!p1 s6, s1;
	_ =	strace @!p1 $0x90000058;
	s3 =	sadd.s32 s28, s3  }
0x7e: {  	p2 =	sne.s32 s4, s0;
	s0 =	simm.s32 $0x1;
	s3 =	sand.u32 @!p1 $0x1, s3  }
0x7f: {  	_ =	strace @!p1 $0x80000059;
	s0 =	simm.s32 @!p2 $0x0;
	s10 =	sshll.u32 @!p1 s3, $0x7  }
0x80: {  	s26 =	sadd.s32 s0, s19;
	s3 =	sadd.s32 @!p1 $0x3, s3;
	s10 =	sadd.s32 @!p1 $0x1B880, s10  }
0x81: {  	[tilespmem:s10], [sflag:s3] =	stream.linear.gather @!p1 [hbm4b:s1+s13], $0x80, $0x200038;
	[tilespmem:$0x1B980] =	vst v63  }
0x82: {  	s28 =	sand.u32 $0x1, s26;
	_ =	strace @!p1 $0x90000059  }
0x83: {  	s3 =	sadd.s32 $0x1, s28;
	_ =	strace $0x8000005A  }
0x84: {  	_ =	swait.ge [sflag:s3], $0x4000  }
0x85: {  	[sflag:s3] =	ssyncset.done $0x0  }
0x86: {  	s0 =	sadd.s32 s0, s29;
	[sflag:s3] =	ssyncadd.s32 $0xFFFFC000  }
0x87: {  	s29 =	sand.u32 $0x1, s0;
	_ =	strace $0x9000005A  }
0x88: {  	s3 =	sadd.s32 $0x3, s29;
	_ =	strace $0x8000005B  }
0x89: {  	_ =	swait.ge [sflag:s3], $0x80  }
0x8a: {  	[sflag:s3] =	ssyncset.done $0x0  }
0x8b: {  	s0 =	sshll.u32 s0, $0x7;
	s1 =	sshll.u32 s26, $0xE;
	[sflag:s3] =	ssyncadd.s32 $0xFFFFFF80  }
0x8c: {  	s0 =	sand.u32 $0x80, s0;
	s1 =	sand.u32 $0x4000, s1;
	_ =	strace $0x9000005B  }
0x8d: {  	s0 =	sadd.s32 $0x1B880, s0;
	s1 =	sor.u32 $0x13880, s1;
	_ =	strace $0x8000005C  }
0x8e: {  	[spmem:s2] =	stream.indirect.scatter.add.f32 [tilespmem:s1], [sflag:$0x5], $0x80, s0, s21, $0x2000b8;
	[tilespmem:$0x1B980] =	vst v63  }
0x8f: {  	_ =	swait.ge [sflag:s22], $0x4000  }
0x90: {  	[sflag:s22] =	ssyncset.done $0x0  }
0x91: {  	[sflag:s22] =	ssyncadd.s32 $0xFFFFC000  }
0x92: {  	_ =	strace $0x9000005C  }
0x93: {  	[bflag:$0x0] =	sbarrier.arrive $0xFFFF  }
0x94: {  	s30 =	rddreg [dreg:$0x6]  }
0x95: {  	[hbm:s30], [sflag:s8] =	dma.local [spmem:s16], $0x2700  }
0x96: {  	_ =	swait.ge [sflag:s17], $0x2700  }
0x97: {  	[sflag:s17] =	ssyncset.done $0x0  }
0x98: {  	s0 =	rddreg [dreg:$0x7];
	[sflag:s17] =	ssyncadd.s32 $0xFFFFD900  }
0x99: {  	[hbm:s0], [sflag:s8] =	dma.local @!p0 [spmem:s18], $0x100  }
0x9a: {  	_ =	swait.ge @!p0 [sflag:s24], $0x100  }
0x9b: {  	s23 =	sadd.s32 $0x1, s23;
	s31 =	rddreg [dreg:$0x8]  }
0x9c: {  	p1 =	sne.s32 s23, s31  }
.Ltmp3:
0x9d: {  	_ = 	snop;
	(pc) =	sbr.rel @p1 .LBB2_1-.Ltmp3, $4  }
.Ltmp4:
0x9e: {  	_ = 	snop;
	(pc) =	sbr.rel @!p1 .LBB2_8-.Ltmp4, $4  }
0x9f: {  	_ = 	snop  }
0xa0: {  	[sflag:s24] =	ssyncset.done @!p0 $0x0  }
0xa1: {  	[sflag:s24] =	ssyncadd.s32 @!p0 $0xFFFFFF00  }
0xa2: {  	_ = 	snop  }
.LBB2_2:
.Ltmp5:
0xa3: {  	(pc) =	sbr.rel .LBB2_7-.Ltmp5, $3  }
0xa4: {  	_ =	sdelay $0x1  }
0xa5: {  	s4 =	simm.s32 $0x0;
	s31 =	simm.s32 $0x0  }
0xa6: {  	s30 =	simm.s32 $0x1;
	s28 =	simm.s32 $0x1;
	s29 =	simm.s32 $0x0  }
.LBB2_4:
.Ltmp6:
0xa7: {  	(pc) =	sbr.rel .LBB2_7-.Ltmp6, $3  }
0xa8: {  	_ =	sdelay $0x1  }
0xa9: {  	s4 =	smov.u32 s0  }
0xaa: {  	s0 =	smov.u32 s25;
	s31 =	simm.s32 $0x0;
	s14 =	simm.s32 $0x0  }
.LBB2_8:
0xab: {  	_ =	sfence.sel $0x180000  }
0xac: {  	[bflag:$0x0] =	sbarrier.arrive $0xFFFF  }
0xad: {  	_ =	strace $0x90000056  }
0xae: {  	s0 =	stileid.u32;
	[bflag:$0x2] =	sbarrier.arrive $0xFFFF  }
0xaf: {  	p0 =	sne.s32 s0, $0x0;
	s0 =	rddreg [dreg:$0x3]  }
0xb0: {  	s0 =	sadd.s32 @!p0 $0x100000, s0  }
0xb1: {  	[sflag:s0] =	ssyncadd.tile.s32 @!p0 $0x1;
	_ =	shalt  }
.Lfunc_end2:
_tile_overlayer_lowered:
.L_overlay_start_2:
0xb2: {  	(tag) =	ssettag $0x2  }
0xb3: {  	s0 =	rddreg [dreg:$0x0];
	s2 =	stileid.u32  }
0xb4: {  	s1 =	rddreg [dreg:$0x1];
	p0 =	sne.s32 s2, $0x0  }
0xb5: {  	s3 =	rddreg [dreg:$0x2];
	[bflag:$0x3] =	sbarrier.arrive $0xFFFF;
	s2 =	simm.s32 @!p0 $0x1C01  }
0xb6: {  	[timem:s3], [sflag:s2] =	dma.local @!p0 [hbm:s0], s1  }
0xb7: {  	s0 =	simm.s32 @!p0 $0x1  }
0xb8: {  	_ =	swait.ge @!p0 [sflag:s0], s1  }
0xb9: {  	s1 =	ssub.s32 @!p0 $0x0, s1;
	[sflag:s0] =	ssyncset.done @!p0 $0x0  }
0xba: {  	[sflag:s0] =	ssyncadd.s32 @!p0 s1  }
0xbb: {  	[bflag:$0x3] =	sbarrier.arrive $0xFFFF  }
0xbc: {  	_ =	shalt  }

// kernel: kernel.7.cloned.1.call-start
scs
__scs_entry_jumppad:
0x0: {  	(pc) =	sbr.rel $0x88, $3  }
0x1: {  	(tag) =	ssettag $0x0;
	lr =	simm.s32 $0x1  }
0x2: {  	[smem:$0x3F91] =	sst lr;
	_ =	strace $0xD0000000  }
0x3: {  	_ = 	snop  }
0x4: {  	_ = 	snop  }
0x5: {  	_ = 	snop  }
0x6: {  	_ = 	snop  }
0x7: {  	_ = 	snop  }
__scs_overlays_trampoline_lowered:
0x8: {  	[smem:$0x3FA0] =	sst s0  }
0x9: {  	[smem:$0x3FA1] =	sst s1  }
0xa: {  	[smem:$0x3FA2] =	sst s2  }
0xb: {  	[smem:$0x3FA3] =	sst s3  }
0xc: {  	[smem:$0x3FA4] =	sst s4  }
0xd: {  	[smem:$0x3FA5] =	sst s5  }
0xe: {  	[smem:$0x3FA6] =	sst s6  }
0xf: {  	[smem:$0x3FA7] =	sst s7  }
0x10: {  	[smem:$0x3FA8] =	sst s8  }
0x11: {  	[smem:$0x3FA9] =	sst s9;
	s0 =	simm.s32 @!p0 $0x0  }
0x12: {  	s1 =	sld [smem:$0x3F8F];
	s0 =	simm.s32 @p0 $0x1  }
0x13: {  	[smem:$0x3FAA] =	sst s0;
	s0 =	simm.s32 @!p1 $0x0  }
0x14: {  	s2 =	sld [smem:$0x3F8E];
	s0 =	simm.s32 @p1 $0x1  }
0x15: {  	[smem:$0x3FAB] =	sst s0;
	s0 =	simm.s32 @!p2 $0x0  }
0x16: {  	s3 =	sld [smem:$0x3FDB];
	s0 =	simm.s32 @p2 $0x1  }
0x17: {  	s4 =	simm.s32 $0x1BF5;
	[smem:$0x3FAD] =	sst s0  }
0x18: {  	s0 =	sld [smem:$0x3F90];
	_ =	swait.ge [sflag:s4], $0x0  }
0x19: {  	s7 =	sld [smem:$0x3F91]  }
0x1a: {  	s8 =	sadd.s32 $0xFFFFE003, lr  }
0x1b: {  	s9 =	sadd.s32 $0xFFFFFEF7, lr;
	s5 =	simm.s32 $0xFFFFFFFF;
	p2 =	slt.u32 s8, $0xFFFFF086  }
0x1c: {  	p1 =	slt.u32 s9, $0xF7A;
	s5 =	simm.s32 @!p2 $0x0  }
0x1d: {  	s5 =	simm.s32 @p1 $0x1;
	p0 =	seq.s32 s7, s2  }
0x1e: {  	s7 =	smul.u32 @!p0 $0xF7A, s2;
	p2 =	seq.s32 @!p0 s5, $0x0  }
0x1f: {  	s9 =	smul.u32 $0xF7A, s1;
	s8 =	simm.s32 @!p0 $0x1BF5;
	p2 =	por !p2, p0  }
0x20: {  	[sflag:s8] =	ssyncset.s32 @!p0 $0xFFFFF086;
	s6 =	sadd.s32 @!p0 s3, s7;
	s7 =	simm.s32 @!p0 $0x108  }
0x21: {  	s3 =	sadd.s32 s3, s9;
	s6 =	sadd.s32 @!p0 $0x88, s6;
	s7 =	simm.s32 @p2 $0x1082  }
0x22: {  	[simem:s7], [sflag:s8] =	dma.local @!p0 [hbm:s6], $0xF7A  }
0x23: {  	s9 =	sor.u32 $0xD0000000, s2;
	s6 =	simm.s32 $0x108;
	_ =	swait.ge @!p0 [sflag:s8], $0x0  }
0x24: {  	s3 =	sadd.s32 $0x88, s3;
	s6 =	simm.s32 @!p1 $0x1082;
	[sflag:s4] =	ssyncset.s32 $0xFFFFF086  }
0x25: {  	[simem:s6], [sflag:s4] =	dma.local [hbm:s3], $0xF7A  }
0x26: {  	[smem:$0x3F91] =	sst s1;
	(tag) =	ssettag s2;
	_ =	strace s9  }
0x27: {  	s1 =	sld [smem:$0x3FA1]  }
0x28: {  	s2 =	sld [smem:$0x3FA2]  }
0x29: {  	s4 =	sld [smem:$0x3FA4]  }
0x2a: {  	p0 =	seq.s32 s5, $0x0;
	s5 =	sld [smem:$0x3FA5]  }
0x2b: {  	s6 =	sld [smem:$0x3FA6]  }
0x2c: {  	s7 =	sld [smem:$0x3FA7]  }
0x2d: {  	s3 =	simm.s32 $0x108;
	s8 =	sld [smem:$0x3FA8]  }
0x2e: {  	s3 =	simm.s32 @!p0 $0x1082;
	s9 =	sld [smem:$0x3FA9]  }
0x2f: {  	lr =	sadd.s32 s0, s3;
	s0 =	sld [smem:$0x3FA0]  }
0x30: {  	s3 =	sld [smem:$0x3FA3]  }
0x31: {  	[smem:$0x3FAC] =	sst s10  }
0x32: {  	s10 =	sld [smem:$0x3FAA];
	_ =	sdelay $0x3  }
0x33: {  	p0 =	seq.s32 s10, $0x1;
	s10 =	sld [smem:$0x3FAC];
	_ =	sdelay $0x3  }
0x34: {  	[smem:$0x3FAC] =	sst s10  }
0x35: {  	s10 =	sld [smem:$0x3FAB];
	_ =	sdelay $0x3  }
0x36: {  	p1 =	seq.s32 s10, $0x1;
	s10 =	sld [smem:$0x3FAC];
	_ =	sdelay $0x3  }
0x37: {  	[smem:$0x3FAC] =	sst s10  }
0x38: {  	s10 =	sld [smem:$0x3FAD]  }
0x39: {  	_ = 	snop;
	(pc) =	sbr.ind lr, $3  }
0x3a: {  	_ = 	snop  }
0x3b: {  	_ = 	snop  }
0x3c: {  	p2 =	seq.s32 s10, $0x1;
	s10 =	sld [smem:$0x3FAC]  }
0x3d: {  	_ =	shalt  }
0x3e: {  	_ =	shalt  }
0x3f: {  	_ =	shalt  }
0x40: {  	_ =	shalt  }
0x41: {  	_ =	shalt  }
0x42: {  	_ =	shalt  }
0x43: {  	_ =	shalt  }
0x44: {  	_ =	shalt  }
0x45: {  	_ =	shalt  }
0x46: {  	_ =	shalt  }
0x47: {  	_ =	shalt  }
0x48: {  	_ =	shalt  }
0x49: {  	_ =	shalt  }
0x4a: {  	_ =	shalt  }
0x4b: {  	_ =	shalt  }
0x4c: {  	_ =	shalt  }
0x4d: {  	_ =	shalt  }
0x4e: {  	_ =	shalt  }
0x4f: {  	_ =	shalt  }
0x50: {  	_ =	shalt  }
0x51: {  	_ =	shalt  }
0x52: {  	_ =	shalt  }
0x53: {  	_ =	shalt  }
0x54: {  	_ =	shalt  }
0x55: {  	_ =	shalt  }
0x56: {  	_ =	shalt  }
0x57: {  	_ =	shalt  }
0x58: {  	_ =	shalt  }
0x59: {  	_ =	shalt  }
0x5a: {  	_ =	shalt  }
0x5b: {  	_ =	shalt  }
0x5c: {  	_ =	shalt  }
0x5d: {  	_ =	shalt  }
0x5e: {  	_ =	shalt  }
0x5f: {  	_ =	shalt  }
0x60: {  	_ =	shalt  }
0x61: {  	_ =	shalt  }
0x62: {  	_ =	shalt  }
0x63: {  	_ =	shalt  }
0x64: {  	_ =	shalt  }
0x65: {  	_ =	shalt  }
0x66: {  	_ =	shalt  }
0x67: {  	_ =	shalt  }
0x68: {  	_ =	shalt  }
0x69: {  	_ =	shalt  }
0x6a: {  	_ =	shalt  }
0x6b: {  	_ =	shalt  }
0x6c: {  	_ =	shalt  }
0x6d: {  	_ =	shalt  }
0x6e: {  	_ =	shalt  }
0x6f: {  	_ =	shalt  }
0x70: {  	_ =	shalt  }
0x71: {  	_ =	shalt  }
0x72: {  	_ =	shalt  }
0x73: {  	_ =	shalt  }
0x74: {  	_ =	shalt  }
0x75: {  	_ =	shalt  }
0x76: {  	_ =	shalt  }
0x77: {  	_ =	shalt  }
0x78: {  	_ =	shalt  }
0x79: {  	_ =	shalt  }
0x7a: {  	_ =	shalt  }
0x7b: {  	_ =	shalt  }
0x7c: {  	_ =	shalt  }
0x7d: {  	_ =	shalt  }
0x7e: {  	_ =	shalt  }
0x7f: {  	_ =	shalt  }
0x80: {  	_ =	shalt  }
0x81: {  	_ =	shalt  }
0x82: {  	_ =	shalt  }
0x83: {  	_ =	shalt  }
0x84: {  	_ =	shalt  }
0x85: {  	_ =	shalt  }
0x86: {  	_ =	shalt  }
0x87: {  	_ =	shalt  }
.Lfunc_end0:
.L_simem_size_0:
called_computation_lowered:
.L_overlay_start_0:
0x88: {  	s2 =	sld [smem:$0x3FD9]  }
0x89: {  	s3 =	sld [smem:$0x3FFE];
	_ =	sdelay $0x1  }
0x8a: {  	s1 =	srdreg.scid  }
0x8b: {  	s0 =	sand.u32 $0x1, s1  }
0x8c: {  	s17 =	sshll.u32 s0, $0xA;
	s2 =	sadd.s32 s3, s2  }
0x8d: {  	s2 =	sadd.s32 s2, s17  }
0x8e: {  	[smem:$0x3FB8] =	sst s2  }
0x8f: {  	_ = 	snop  }
0x90: {  	s2 =	sld [smem:$0x3FD0];
	(tm) =	ssettm $0x1  }
0x91: {  	s18 =	sld [smem:$0x3FFB];
	_ =	sdelay $0x3  }
0x92: {  	_ =	strace s18  }
0x93: {  	s3 =	sld [smem:$0x3FFC];
	_ =	sdelay $0x3  }
0x94: {  	_ =	strace s3  }
0x95: {  	s3 =	sld [smem:$0x3FFD];
	_ =	sdelay $0x3  }
0x96: {  	_ =	strace s3  }
0x97: {  	_ =	strace $0x8FFFFFFF  }
0x98: {  	s19 =	sld [smem:$0x3FDB];
	_ =	sdelay $0x1  }
0x99: {  	s4 =	simm.s32 $_scs_section_size  }
0x9a: {  	s5 =	simm.s32 $_size__tile_overlayer_lowered;
	s6 =	simm.s32 $_tile_overlayer_lowered  }
0x9b: {  	s22 =	simm.s32 $0x1BFF;
	s21 =	sshll.u32 s6, $0x1;
	s3 =	sadd.s32 s4, s19  }
0x9c: {  	s7 =	simm.s32 $0x0;
	s20 =	sshll.u32 s5, $0x1;
	s5 =	sadd.s32 s21, s3  }
0x9d: {  	[timem:s7], [sflag:s22] =	dma.local [hbm:s5], s20  }
0x9e: {  	_ =	swait.ge [sflag:s22], s20  }
0x9f: {  	s4 =	ssub.s32 $0x0, s20;
	[sflag:s22] =	ssyncset.done $0x0  }
0xa0: {  	[sflag:s22] =	ssyncadd.s32 s4;
	_ =	sdelay $0x1  }
0xa1: {  	s23 =	simm.s32 $0x1B8B  }
0xa2: {  	_ =	swait.ge [sflag:s23], $0x1  }
0xa3: {  	[sflag:s23] =	ssyncset.done $0x0  }
0xa4: {  	s25 =	simm.s32 $0x1B8E;
	s24 =	sld [smem:$0x3FFE];
	[sflag:s23] =	ssyncadd.s32 $0xFFFFFFFF  }
0xa5: {  	s26 =	simm.s32 $execute0_lowered;
	[smem:$0x3FD2] =	sst s25  }
0xa6: {  	s5 =	sshll.u32 s26, $0x1;
	_ =	strace $0x80000046;
	[dreg:$0x1] =	wrdreg $0xFFFFFFFF  }
0xa7: {  	s28 =	simm.s32 $_size_execute0_lowered;
	s3 =	sadd.s32 s3, s5;
	[dreg:$0x0] =	wrdreg $0x0  }
0xa8: {  	s5 =	sshll.u32 s28, $0x1;
	[dreg:$0x2] =	wrdreg s3  }
0xa9: {  	[dreg:$0x3] =	wrdreg s5  }
0xaa: {  	[dreg:$0x4] =	wrdreg $0xC0  }
0xab: {  	_ =	task [dreg:s7], $0x5FFFF  }
0xac: {  	[dreg:$0x1] =	wrdreg $0xFFFFFFFF  }
0xad: {  	[dreg:$0x0] =	wrdreg $0x60  }
0xae: {  	[dreg:$0x2] =	wrdreg s2  }
0xaf: {  	[dreg:$0x3] =	wrdreg s24  }
0xb0: {  	[dreg:$0x4] =	wrdreg $0x9  }
0xb1: {  	_ =	task.clear_ibuf [dreg:s7], $0x5FFFF;
	_ =	strace $0x90000046  }
0xb2: {  	s29 =	simm.s32 $0x9;
	_ =	strace $0x80000054  }
0xb3: {  	_ =	swait.ge [sflag:s29], $0x1  }
0xb4: {  	[sflag:s29] =	ssyncadd.s32 $0xFFFFFFFF  }
0xb5: {  	_ =	strace $0x90000054  }
0xb6: {  	_ =	sfence  }
0xb7: {  	s30 =	sld [smem:$0x0];
	_ =	sdelay $0x2  }
0xb8: {  	s31 =	sshll.u32 s1, $0xD;
	s1 =	sshrl.u32 s1, $0x2  }
0xb9: {  	s3 =	sand.u32 $0x4000, s31;
	s1 =	sadd.s32 s1, s30  }
0xba: {  	s0 =	sor.u32 s3, s0;
	s1 =	sshll.u32 s1, $0x11  }
0xbb: {  	s0 =	sor.u32 s1, s0  }
0xbc: {  	s0 =	sadd.s32 $0x8F2B, s0  }
0xbd: {  	[sflag:s0] =	ssyncadd.remote.s32 $0x1  }
0xbe: {  	_ =	sfence.sel $0xFFFF  }
0xbf: {  	[dreg:$0x0] =	wrdreg $0xFFFFFFFF;
	(pc) =	sbr.abs _section_cstart, $3  }
0xc0: {  	[dreg:$0x1] =	wrdreg $0xFFFFFFFF  }
0xc1: {  	_ =	task.clear_ibuf [dreg:s7], $0x2FFFF;
	_ =	strace $0x9FFFFFFF  }
0xc2: {  	(tm) =	ssettm $0x7FFFFFFF  }
0xc3: {  	_ =	shalt  }
tec
execute0_lowered:
.L_overlay_start_1:
0x0: {  	(tag) =	ssettag $0x1  }
0x1: {  	s1 =	rddreg [dreg:$0x0]  }
0x2: {  	s0 =	rddreg [dreg:$0x1];
	s2 =	srdreg.scid  }
0x3: {  	s3 =	simm.s32 $0x0;
	s6 =	stileid.u32;
	s2 =	sand.u32 $0x1, s2  }
0x4: {  	s16 =	simm.s32 $0x80;
	s17 =	simm.s32 $0x1;
	s5 =	sshll.u32 s2, $0x4  }
0x5: {  	s18 =	simm.s32 $0x2;
	s4 =	sadd.s32 $0x16800, s0;
	s9 =	sor.u32 s6, s5  }
0x6: {  	s7 =	sadd.s32 $0x3DA00, s0;
	s8 =	sadd.s32 $0x51FA00, s0;
	s10 =	smul.u32 $0x4E, s9  }
0x7: {  	s5 =	sadd.s32 $0x2C00, s0;
	s6 =	sadd.s32 $0xCA00, s0;
	s0 =	smul.u32 $0x4F, s9  }
0x8: {  	s19 =	simm.s32 $0x0;
	p0 =	slt.u32 s9, $0x4;
	s9 =	sadd.s32 $0x4, s10  }
0x9: {  	[smem:$0x7FF] =	sst s3;
	s2 =	ssub.s32 $0x2, s2;
	s9 =	smov.u32 @p0 s0  }
0xa: {  	_ =	strace $0x80000047;
	s11 =	sshrl.u32 s2, $0x1;
	s30 =	sshll.u32 s9, $0x4  }
0xb: {  	s29 =	ssub.s32 s2, s11;
	s10 =	simm.s32 $0x4F;
	s31 =	sadd.s32 s5, s30  }
0xc: {  	s10 =	simm.s32 @!p0 $0x4E;
	s2 =	sadd.s32 s6, s30;
	[dreg:$0x3] =	wrdreg s31  }
0xd: {  	s14 =	smax.u32 s29, $0x1;
	s13 =	sadd.s32 $0xFFFFFFFF, s10;
	[dreg:$0x4] =	wrdreg s2  }
.LBB2_1:
0xe: {  	_ =	strace $0x80000048;
	s2 =	simm.s32 $0x100;
	s31 =	simm.s32 $0x0  }
0xf: {  	s20 =	simm.s32 $0x0;
	s21 =	simm.s32 $0x0;
	s28 =	simm.s32 $0x0  }
0x10: {  	s22 =	simm.s32 $0x0;
	s23 =	simm.s32 $0x0;
	s0 =	rddreg [dreg:$0x3]  }
0x11: {  	[tilespmem:s3], [sflag:$0x3] =	stream.linear.gather [hbm4b:s0+s3], $0x80, $0x200038;
	[tilespmem:$0x10200] =	vst v63  }
0x12: {  	s24 =	simm.s32 $0x1;
	s25 =	simm.s32 $0x0;
	s29 =	rddreg [dreg:$0x4]  }
0x13: {  	[tilespmem:s2], [sflag:$0x5] =	stream.linear.gather [hbm4b:s29+s3], $0x80, $0x200038;
	[tilespmem:$0x10200] =	vst v63  }
0x14: {  	s30 =	simm.s32 $0x1;
	s26 =	simm.s32 $0x0;
	_ =	strace $0x90000048  }
.LBB2_2:
0x15: {  	s29 =	sadd.s32 $0x1, s31  }
0x16: {  	p0 =	seq.s32 s29, s10  }
0x17: {  	s29 =	simm.s32 @p0 $0x0;
	p0 =	sge.u32 s26, s13  }
0x18: {  	p1 =	seq.s32 @!p0 s31, s29  }
0x19: {  	p2 =	por p1, p0  }
0x1a: {  	s0 =	sadd.s32 @!p2 s9, s29  }
0x1b: {  	s2 =	sand.u32 @!p2 $0x1, s30;
	s0 =	sshll.u32 @!p2 s0, $0x4  }
0x1c: {  	_ =	strace @!p2 $0x80000049;
	s15 =	simm.s32 @!p2 $0x0;
	s0 =	sand.u32 @!p2 $0x1FFFFFF0, s0  }
0x1d: {  	s11 =	sshll.u32 @!p2 s2, $0x7;
	s2 =	sadd.s32 @!p2 $0x3, s2;
	s12 =	sadd.s32 @!p2 s5, s0  }
0x1e: {  	[tilespmem:s11], [sflag:s2] =	stream.linear.gather @!p2 [hbm4b:s12+s15], $0x80, $0x200038;
	[tilespmem:$0x10200] =	vst v63  }
0x1f: {  	s2 =	sand.u32 @!p2 $0x1, s24  }
0x20: {  	s0 =	sadd.s32 @!p2 s6, s0;
	_ =	strace @!p2 $0x90000049;
	s11 =	sshll.u32 @!p2 s2, $0x7  }
0x21: {  	s2 =	sadd.s32 @!p2 $0x5, s2;
	_ =	strace @!p2 $0x8000004A;
	s11 =	sor.u32 @!p2 $0x100, s11  }
0x22: {  	[tilespmem:s11], [sflag:s2] =	stream.linear.gather @!p2 [hbm4b:s0+s15], $0x80, $0x200038;
	[tilespmem:$0x10200] =	vst v63  }
0x23: {  	s2 =	sand.u32 $0x1, s25;
	_ =	strace @!p2 $0x9000004A  }
0x24: {  	s0 =	sadd.s32 $0x3, s2;
	_ =	strace $0x8000004B  }
0x25: {  	_ =	swait.ge [sflag:s0], $0x80  }
0x26: {  	[sflag:s0] =	ssyncset.done $0x0  }
0x27: {  	[sflag:s0] =	ssyncadd.s32 $0xFFFFFF80  }
0x28: {  	s11 =	sand.u32 $0x1, s23;
	_ =	strace $0x9000004B  }
0x29: {  	s0 =	sadd.s32 $0x5, s11;
	_ =	strace $0x8000004C  }
0x2a: {  	_ =	swait.ge [sflag:s0], $0x80  }
0x2b: {  	[sflag:s0] =	ssyncset.done $0x0  }
0x2c: {  	s2 =	sand.u32 $0x1, s22;
	[sflag:s0] =	ssyncadd.s32 $0xFFFFFF80  }
0x2d: {  	s15 =	sshll.u32 s25, $0x7;
	s12 =	sshll.u32 s2, $0xE;
	_ =	strace $0x9000004C  }
0x2e: {  	s15 =	sand.u32 $0x80, s15;
	s11 =	sor.u32 $0x200, s12;
	_ =	strace $0x8000004D  }
0x2f: {  	[tilespmem:s11], [sflag:$0x1] =	stream.indirect.gather [hbm4b:s1+s16], $0x80, s15, s16, $0x2000b8;
	[tilespmem:$0x10200] =	vst v63  }
0x30: {  	s0 =	sshll.u32 s23, $0x7;
	s15 =	sand.u32 $0x1, s21  }
0x31: {  	s0 =	sand.u32 $0x80, s0;
	s12 =	sshll.u32 s15, $0xE  }
0x32: {  	s0 =	sor.u32 $0x100, s0;
	s12 =	sor.u32 $0x8200, s12  }
0x33: {  	[tilespmem:s12], [sflag:$0x2] =	stream.indirect.gather [hbm4b:s4+s16], $0x80, s0, s16, $0x2000b8;
	[tilespmem:$0x10200] =	vst v63  }
0x34: {  	_ =	swait.ge [sflag:s17], $0x4000  }
0x35: {  	p3 =	seq.s32 s13, s26;
	[sflag:s17] =	ssyncset.done $0x0  }
0x36: {  	p4 =	seq.s32 @!p3 s31, s29;
	[sflag:s17] =	ssyncadd.s32 $0xFFFFC000  }
0x37: {  	p3 =	por p3, !p4;
	s0 =	simm.s32 $0x0;
	_ =	swait.ge [sflag:s18], $0x4000  }
0x38: {  	s0 =	sadd.s32 @p3 s9, s31;
	[sflag:s18] =	ssyncset.done $0x0  }
0x39: {  	s0 =	sshll.u32 @p3 s0, $0xB;
	[sflag:s18] =	ssyncadd.s32 $0xFFFFC000  }
0x3a: {  	s0 =	sand.u32 @p3 $0x1FFFF800, s0;
	_ =	strace $0x9000004D  }
0x3b: {  	s2 =	sadd.s32 @p3 $0x7, s2;
	s31 =	sadd.s32 @p3 s7, s0;
	_ =	strace @p3 $0x8000004E  }
0x3c: {  	[hbm4b:s31+s3] =	stream.linear.scatter @p3 [tilespmem:s11], [sflag:s2], $0x4000, $0x200038;
	[tilespmem:$0x10200] =	vst v63  }
0x3d: {  	p1 =	por !p1, p0;
	s22 =	sadd.s32 @p3 $0x1, s22;
	_ =	strace @p3 $0x9000004E  }
0x3e: {  	s0 =	sadd.s32 @p3 s8, s0;
	s2 =	sadd.s32 @p3 $0x9, s15;
	_ =	strace @p3 $0x8000004F  }
0x3f: {  	[hbm4b:s0+s3] =	stream.linear.scatter @p3 [tilespmem:s12], [sflag:s2], $0x4000, $0x200038;
	[tilespmem:$0x10200] =	vst v63  }
0x40: {  	s0 =	simm.s32 @p3 $0x1;
	_ =	strace @p3 $0x9000004F;
	p3 =	seq.s32 s26, $0x0  }
0x41: {  	s11 =	sadd.s32 @!p2 $0x1, s30;
	s15 =	smov.u32 s30;
	s2 =	sand.u32 @!p3 $0x1, s28  }
0x42: {  	s15 =	smov.u32 @p1 s11;
	_ =	strace @!p3 $0x80000050;
	s2 =	sadd.s32 @!p3 $0x7, s2  }
0x43: {  	s31 =	smov.u32 s29;
	s15 =	smov.u32 @p0 s30;
	_ =	swait.ge @!p3 [sflag:s2], $0x4000  }
0x44: {  	s30 =	smov.u32 s15;
	s21 =	sadd.s32 s21, s0;
	[sflag:s2] =	ssyncset.done @!p3 $0x0  }
0x45: {  	s26 =	sadd.s32 $0x1, s26;
	[sflag:s2] =	ssyncadd.s32 @!p3 $0xFFFFC000;
	s2 =	simm.s32 $0x0  }
0x46: {  	s25 =	sadd.s32 s25, s0;
	s12 =	sand.u32 @!p3 $0x1, s20;
	s2 =	simm.s32 @p1 $0x1  }
0x47: {  	_ =	strace @!p3 $0x90000050;
	s2 =	simm.s32 @p0 $0x0;
	p0 =	sne.s32 s10, s26  }
.Ltmp0:
0x48: {  	s12 =	sadd.s32 @!p3 $0x9, s12;
	_ =	strace @!p3 $0x80000051;
	(pc) =	sbr.rel @p0 .LBB2_2-.Ltmp0, $4  }
0x49: {  	s23 =	sadd.s32 s23, s0;
	s11 =	simm.s32 @!p3 $0x1;
	_ =	swait.ge @!p3 [sflag:s12], $0x4000  }
0x4a: {  	s24 =	sadd.s32 s24, s2;
	s2 =	sadd.s32 @!p3 $0x1, s28;
	[sflag:s12] =	ssyncset.done @!p3 $0x0  }
0x4b: {  	s11 =	simm.s32 @p3 $0x0;
	s2 =	smov.u32 @p3 s28;
	[sflag:s12] =	ssyncadd.s32 @!p3 $0xFFFFC000  }
0x4c: {  	s20 =	sadd.s32 s20, s11;
	s28 =	smov.u32 s2;
	_ =	strace @!p3 $0x90000051  }
0x4d: {  	s0 =	sand.u32 $0x1, s2  }
0x4e: {  	_ =	strace $0x80000052;
	s0 =	sadd.s32 $0x7, s0  }
0x4f: {  	_ =	swait.ge [sflag:s0], $0x4000  }
0x50: {  	[sflag:s0] =	ssyncset.done $0x0  }
0x51: {  	s19 =	sadd.s32 $0x1, s19;
	[sflag:s0] =	ssyncadd.s32 $0xFFFFC000  }
0x52: {  	s31 =	sand.u32 $0x1, s20;
	p0 =	sne.s32 s19, s14;
	_ =	strace $0x90000052  }
.Ltmp1:
0x53: {  	s0 =	sadd.s32 $0x9, s31;
	_ =	strace $0x80000053;
	(pc) =	sbr.rel @p0 .LBB2_1-.Ltmp1, $4  }
0x54: {  	_ =	swait.ge [sflag:s0], $0x4000  }
0x55: {  	[sflag:s0] =	ssyncset.done $0x0  }
0x56: {  	[sflag:s0] =	ssyncadd.s32 $0xFFFFC000  }
0x57: {  	_ =	strace $0x90000053  }
0x58: {  	_ =	sfence.sel $0x180000  }
0x59: {  	[bflag:$0x0] =	sbarrier.arrive $0xFFFF  }
0x5a: {  	_ =	strace $0x90000047  }
0x5b: {  	s0 =	stileid.u32;
	[bflag:$0x2] =	sbarrier.arrive $0xFFFF  }
0x5c: {  	p0 =	sne.s32 s0, $0x0;
	s0 =	rddreg [dreg:$0x2]  }
0x5d: {  	s0 =	sadd.s32 @!p0 $0x100000, s0  }
0x5e: {  	[sflag:s0] =	ssyncadd.tile.s32 @!p0 $0x1;
	_ =	shalt  }
.Lfunc_end2:
_tile_overlayer_lowered:
.L_overlay_start_2:
0x5f: {  	(tag) =	ssettag $0x2  }
0x60: {  	s0 =	rddreg [dreg:$0x0];
	s2 =	stileid.u32  }
0x61: {  	s1 =	rddreg [dreg:$0x1];
	p0 =	sne.s32 s2, $0x0  }
0x62: {  	s3 =	rddreg [dreg:$0x2];
	[bflag:$0x3] =	sbarrier.arrive $0xFFFF;
	s2 =	simm.s32 @!p0 $0x1C03  }
0x63: {  	[timem:s3], [sflag:s2] =	dma.local @!p0 [hbm:s0], s1  }
0x64: {  	s0 =	simm.s32 @!p0 $0x3  }
0x65: {  	_ =	swait.ge @!p0 [sflag:s0], s1  }
0x66: {  	s1 =	ssub.s32 @!p0 $0x0, s1;
	[sflag:s0] =	ssyncset.done @!p0 $0x0  }
0x67: {  	[sflag:s0] =	ssyncadd.s32 @!p0 s1  }
0x68: {  	[bflag:$0x3] =	sbarrier.arrive $0xFFFF  }
0x69: {  	_ =	shalt  }

</sc_bundles>
